<compile_context>
chip_gen: v7x
topology: tpu7x:2x2x1
jax: 0.10.2.dev20260603
libtpu: 0.0.44.dev20260713+nightly
codegen_flags: <defaults>
</compile_context>

<pallas_src>
import functools

import jax
import jax.numpy as jnp
from jax import lax
from jax.experimental import pallas as pl
from jax.experimental.pallas import tpu as pltpu
from jax.experimental.pallas import tpu_sc as plsc

VOCAB = 1000000
DIM = 32
BATCH = 4096
HIST = 50

NUM_CORES = 2
NUM_SUBCORES = 16
NUM_WORKERS = NUM_CORES * NUM_SUBCORES

BBLOCK = BATCH // NUM_WORKERS
NCHUNK = BBLOCK
NBUF = 8
DEPTH = 6

_mesh = plsc.VectorSubcoreMesh(core_axis_name="c", subcore_axis_name="s")


@functools.partial(
    pl.kernel,
    mesh=_mesh,
    out_type=jax.ShapeDtypeStruct((BATCH, HIST, DIM), jnp.float32),
    scratch_types=[
        pltpu.VMEM((BBLOCK, HIST), jnp.int32),
        pltpu.VMEM((NBUF, HIST, DIM), jnp.float32),
        pltpu.SemaphoreType.DMA((NBUF,)),
        pltpu.SemaphoreType.DMA((NBUF,)),
    ],
    compiler_params=pltpu.CompilerParams(use_tc_tiling_on_sc=False),
)
def _gather_kernel(idx_hbm, table_hbm, out_hbm, idx_v, rows_v, gsem, ssem):
    wid = lax.axis_index("s") * NUM_CORES + lax.axis_index("c")
    b0 = wid * BBLOCK
    pltpu.sync_copy(idx_hbm.at[pl.ds(b0, BBLOCK)], idx_v)

    def issue_gather(n, b):
        pltpu.async_copy(table_hbm.at[idx_v.at[n]], rows_v.at[b], gsem.at[b])

    def wait_gather(b):
        pltpu.make_async_copy(
            table_hbm.at[pl.ds(0, HIST)], rows_v.at[b], gsem.at[b]
        ).wait()

    def issue_store(j, b):
        pltpu.async_copy(rows_v.at[b], out_hbm.at[b0 + j], ssem.at[b])

    def wait_store(b):
        pltpu.make_async_copy(
            rows_v.at[b], out_hbm.at[b0], ssem.at[b]
        ).wait()

    for n in range(DEPTH):
        issue_gather(n, n % NBUF)

    for j in range(NBUF):
        wait_gather(j % NBUF)
        issue_store(j, j % NBUF)
        n = j + DEPTH
        if n < NCHUNK:
            if n >= NBUF:
                wait_store(n % NBUF)
            issue_gather(n, n % NBUF)

    def lap(g, carry):
        for b in range(NBUF):
            j = g * NBUF + b
            wait_gather(b)
            issue_store(j, b)
            wait_store((b + DEPTH) % NBUF)
            issue_gather(j + DEPTH, (b + DEPTH) % NBUF)
        return carry

    MID_END = ((NCHUNK - DEPTH) // NBUF) * NBUF
    lax.fori_loop(1, MID_END // NBUF, lap, 0)

    for j in range(MID_END, NCHUNK):
        wait_gather(j % NBUF)
        issue_store(j, j % NBUF)
        n = j + DEPTH
        if n < NCHUNK:
            wait_store(n % NBUF)
            issue_gather(n, n % NBUF)

    for b in range(NBUF):
        wait_store(b)


def kernel(indices, table):
    return _gather_kernel(indices.astype(jnp.int32), table)

# --- scband reference (transcript-rebuilt; emitter-appended) ---
"""Pipeline reference for scband-sharded-embedding-55920474194311 (READ-ONLY COPY).

The authoritative reference and input builder live on the scoring server;
editing this copy changes nothing except your own understanding.
"""

import jax, jax.numpy as jnp
import numpy as np

VOCAB = 1000000
DIM = 32
BATCH = 4096
HIST = 50

def setup_inputs(seed: int = 0) -> dict:
    key = jax.random.key(seed)
    k_idx, k_tab = jax.random.split(key)
    indices = jax.random.randint(k_idx, (BATCH, HIST), 0, VOCAB, dtype=jnp.int64 if jax.config.jax_enable_x64 else jnp.int32)
    table = jax.random.normal(k_tab, (VOCAB, DIM), dtype=jnp.float32) * 0.01
    return {"indices": indices, "table": table}

def reference(indices, table):
    # Faithful to ShardedEmbedding.forward: a single model-parallel
    # EmbeddingCollection lookup for feature 'item_id' from 'item_table'.
    # The KJT values are the flattened jagged ids; here each sample has a
    # fixed-length history of HIST ids, so the JaggedTensor values are
    # simply table[indices] with shape [BATCH, HIST, DIM].
    emb = jnp.take(table, indices, axis=0)
    return emb

if __name__ == "__main__":
    import jax
    _d = setup_inputs()
    print(jax.jit(kernel)(*tuple(_d.values())))

</pallas_src>

<mosaic_0001>
#map = affine_map<(d0, d1) -> (0, 0)>
#map1 = affine_map<(d0, d1) -> (0, 0, 0)>
module attributes {stable_mosaic.version = 14 : i64} {
  func.func @_gather_kernel(%arg0: i32, %arg1: i32, %arg2: memref<4096x50xi32, #tpu.memory_space<hbm>>, %arg3: memref<1000000x32xf32, #tpu.memory_space<hbm>>, %arg4: memref<4096x50x32xf32, #tpu.memory_space<hbm>>, %arg5: memref<128x50xi32, #tpu.memory_space<vmem>>, %arg6: memref<8x50x32xf32, #tpu.memory_space<vmem>>, %arg7: memref<8x!tpu.dma_semaphore, #tpu.memory_space<semaphore_mem>>, %arg8: memref<8x!tpu.dma_semaphore, #tpu.memory_space<semaphore_mem>>) attributes {dimension_semantics = [#tpu.dimension_semantics<core_parallel>, #tpu.dimension_semantics<subcore_parallel>], iteration_bounds = array<i64: 2, 16>, scalar_prefetch = 0 : i64, scratch_operands = 4 : i64, tpu.core_type = #tpu.core_type<sc_vector_subcore>, window_params = [{transform_indices = #map}, {transform_indices = #map}, {transform_indices = #map1}]} {
    %mul3A = arith.constant 2 : i32
    %mul3A_0 = arith.muli %arg1, %mul3A : i32
    %add3A = arith.addi %mul3A_0, %arg0 : i32
    %mul3A_1 = arith.constant 128 : i32
    %mul3A_2 = arith.muli %add3A, %mul3A_1 : i32
    "tpu.region"() ({
      %run_scoped3A = tpu.sem_alloc : memref<!tpu.dma_semaphore, #tpu.memory_space<semaphore_mem>>
      %dma_start3A_1206 = arith.constant 0 : i32
      %dma_start3A_1207 = tpu.memref_slice %arg2[%mul3A_2, %dma_start3A_1206] : memref<4096x50xi32, #tpu.memory_space<hbm>> -> memref<128x50xi32, #tpu.memory_space<hbm>>
      %dma_start3A_1208 = arith.constant 0 : i32
      %dma_start3A_1209 = tpu.memref_slice %arg2[%mul3A_2, %dma_start3A_1208] : memref<4096x50xi32, #tpu.memory_space<hbm>> -> memref<128x50xi32, #tpu.memory_space<hbm>>
      tpu.enqueue_dma source(%dma_start3A_1209 : memref<128x50xi32, #tpu.memory_space<hbm>>) target(%arg5 : memref<128x50xi32, #tpu.memory_space<vmem>>) target_semaphore(%run_scoped3A : memref<!tpu.dma_semaphore, #tpu.memory_space<semaphore_mem>>)
      %dma_wait3A_1210 = arith.constant 0 : i32
      %dma_wait3A_1211 = tpu.memref_slice %arg2[%mul3A_2, %dma_wait3A_1210] : memref<4096x50xi32, #tpu.memory_space<hbm>> -> memref<128x50xi32, #tpu.memory_space<hbm>>
      %dma_wait3A_1212 = arith.constant 0 : i32
      %dma_wait3A_1213 = tpu.memref_slice %arg2[%mul3A_2, %dma_wait3A_1212] : memref<4096x50xi32, #tpu.memory_space<hbm>> -> memref<128x50xi32, #tpu.memory_space<hbm>>
      tpu.wait_dma2 semaphore(%run_scoped3A : memref<!tpu.dma_semaphore, #tpu.memory_space<semaphore_mem>>) src(%dma_wait3A_1213 : memref<128x50xi32, #tpu.memory_space<hbm>>) dst(%arg5 : memref<128x50xi32, #tpu.memory_space<vmem>>)
      tpu.yield
    }) : () -> ()
    %dma_start3A = arith.constant 0 : i32
    %dma_start3A_3 = arith.constant 0 : i32
    %dma_start3A_4 = arith.constant 0 : i32
    %dma_start3A_5 = arith.constant 0 : i32
    %dma_start3A_6 = arith.constant 0 : i32
    %dma_start3A_7 = tpu.memref_slice %arg6[%dma_start3A_3, %dma_start3A_5, %dma_start3A_6] : memref<8x50x32xf32, #tpu.memory_space<vmem>> -> memref<1x50x32xf32, #tpu.memory_space<vmem>>
    %dma_start3A_8 = tpu.memref_squeeze %dma_start3A_7 : memref<1x50x32xf32, #tpu.memory_space<vmem>> -> memref<50x32xf32, #tpu.memory_space<vmem>>
    %dma_start3A_9 = arith.constant 0 : i32
    %dma_start3A_10 = tpu.memref_slice %arg5[%dma_start3A, %dma_start3A_9] : memref<128x50xi32, #tpu.memory_space<vmem>> -> memref<1x50xi32, #tpu.memory_space<vmem>>
    %dma_start3A_11 = tpu.memref_squeeze %dma_start3A_10 : memref<1x50xi32, #tpu.memory_space<vmem>> -> memref<50xi32, #tpu.memory_space<vmem>>
    %dma_start3A_12 = arith.constant 0 : i32
    %dma_start3A_13 = arith.constant 0 : i32
    %dma_start3A_14 = tpu.memref_slice %arg3[%dma_start3A_12, %dma_start3A_13] : memref<1000000x32xf32, #tpu.memory_space<hbm>> -> memref<1000000x32xf32, #tpu.memory_space<hbm>>
    %dma_start3A_15 = tpu.memref_slice %arg7[%dma_start3A_4] : memref<8x!tpu.dma_semaphore, #tpu.memory_space<semaphore_mem>> -> memref<1x!tpu.dma_semaphore, #tpu.memory_space<semaphore_mem>>
    %dma_start3A_16 = tpu.memref_squeeze %dma_start3A_15 : memref<1x!tpu.dma_semaphore, #tpu.memory_space<semaphore_mem>> -> memref<!tpu.dma_semaphore, #tpu.memory_space<semaphore_mem>>
    tpu.enqueue_indirect_dma source(%dma_start3A_14 : memref<1000000x32xf32, #tpu.memory_space<hbm>>) target(%dma_start3A_8 : memref<50x32xf32, #tpu.memory_space<vmem>>) offsets(%dma_start3A_11 : memref<50xi32, #tpu.memory_space<vmem>>) semaphore(%dma_start3A_16 : memref<!tpu.dma_semaphore, #tpu.memory_space<semaphore_mem>>)
    %dma_start3A_17 = arith.constant 1 : i32
    %dma_start3A_18 = arith.constant 1 : i32
    %dma_start3A_19 = arith.constant 1 : i32
    %dma_start3A_20 = arith.constant 0 : i32
    %dma_start3A_21 = arith.constant 0 : i32
    %dma_start3A_22 = tpu.memref_slice %arg6[%dma_start3A_18, %dma_start3A_20, %dma_start3A_21] : memref<8x50x32xf32, #tpu.memory_space<vmem>> -> memref<1x50x32xf32, #tpu.memory_space<vmem>>
    %dma_start3A_23 = tpu.memref_squeeze %dma_start3A_22 : memref<1x50x32xf32, #tpu.memory_space<vmem>> -> memref<50x32xf32, #tpu.memory_space<vmem>>
    %dma_start3A_24 = arith.constant 0 : i32
    %dma_start3A_25 = tpu.memref_slice %arg5[%dma_start3A_17, %dma_start3A_24] : memref<128x50xi32, #tpu.memory_space<vmem>> -> memref<1x50xi32, #tpu.memory_space<vmem>>
    %dma_start3A_26 = tpu.memref_squeeze %dma_start3A_25 : memref<1x50xi32, #tpu.memory_space<vmem>> -> memref<50xi32, #tpu.memory_space<vmem>>
    %dma_start3A_27 = arith.constant 0 : i32
    %dma_start3A_28 = arith.constant 0 : i32
    %dma_start3A_29 = tpu.memref_slice %arg3[%dma_start3A_27, %dma_start3A_28] : memref<1000000x32xf32, #tpu.memory_space<hbm>> -> memref<1000000x32xf32, #tpu.memory_space<hbm>>
    %dma_start3A_30 = tpu.memref_slice %arg7[%dma_start3A_19] : memref<8x!tpu.dma_semaphore, #tpu.memory_space<semaphore_mem>> -> memref<1x!tpu.dma_semaphore, #tpu.memory_space<semaphore_mem>>
    %dma_start3A_31 = tpu.memref_squeeze %dma_start3A_30 : memref<1x!tpu.dma_semaphore, #tpu.memory_space<semaphore_mem>> -> memref<!tpu.dma_semaphore, #tpu.memory_space<semaphore_mem>>
    tpu.enqueue_indirect_dma source(%dma_start3A_29 : memref<1000000x32xf32, #tpu.memory_space<hbm>>) target(%dma_start3A_23 : memref<50x32xf32, #tpu.memory_space<vmem>>) offsets(%dma_start3A_26 : memref<50xi32, #tpu.memory_space<vmem>>) semaphore(%dma_start3A_31 : memref<!tpu.dma_semaphore, #tpu.memory_space<semaphore_mem>>)
    %dma_start3A_32 = arith.constant 2 : i32
    %dma_start3A_33 = arith.constant 2 : i32
    %dma_start3A_34 = arith.constant 2 : i32
    %dma_start3A_35 = arith.constant 0 : i32
    %dma_start3A_36 = arith.constant 0 : i32
    %dma_start3A_37 = tpu.memref_slice %arg6[%dma_start3A_33, %dma_start3A_35, %dma_start3A_36] : memref<8x50x32xf32, #tpu.memory_space<vmem>> -> memref<1x50x32xf32, #tpu.memory_space<vmem>>
    %dma_start3A_38 = tpu.memref_squeeze %dma_start3A_37 : memref<1x50x32xf32, #tpu.memory_space<vmem>> -> memref<50x32xf32, #tpu.memory_space<vmem>>
    %dma_start3A_39 = arith.constant 0 : i32
    %dma_start3A_40 = tpu.memref_slice %arg5[%dma_start3A_32, %dma_start3A_39] : memref<128x50xi32, #tpu.memory_space<vmem>> -> memref<1x50xi32, #tpu.memory_space<vmem>>
    %dma_start3A_41 = tpu.memref_squeeze %dma_start3A_40 : memref<1x50xi32, #tpu.memory_space<vmem>> -> memref<50xi32, #tpu.memory_space<vmem>>
    %dma_start3A_42 = arith.constant 0 : i32
    %dma_start3A_43 = arith.constant 0 : i32
    %dma_start3A_44 = tpu.memref_slice %arg3[%dma_start3A_42, %dma_start3A_43] : memref<1000000x32xf32, #tpu.memory_space<hbm>> -> memref<1000000x32xf32, #tpu.memory_space<hbm>>
    %dma_start3A_45 = tpu.memref_slice %arg7[%dma_start3A_34] : memref<8x!tpu.dma_semaphore, #tpu.memory_space<semaphore_mem>> -> memref<1x!tpu.dma_semaphore, #tpu.memory_space<semaphore_mem>>
    %dma_start3A_46 = tpu.memref_squeeze %dma_start3A_45 : memref<1x!tpu.dma_semaphore, #tpu.memory_space<semaphore_mem>> -> memref<!tpu.dma_semaphore, #tpu.memory_space<semaphore_mem>>
    tpu.enqueue_indirect_dma source(%dma_start3A_44 : memref<1000000x32xf32, #tpu.memory_space<hbm>>) target(%dma_start3A_38 : memref<50x32xf32, #tpu.memory_space<vmem>>) offsets(%dma_start3A_41 : memref<50xi32, #tpu.memory_space<vmem>>) semaphore(%dma_start3A_46 : memref<!tpu.dma_semaphore, #tpu.memory_space<semaphore_mem>>)
    %dma_start3A_47 = arith.constant 3 : i32
    %dma_start3A_48 = arith.constant 3 : i32
    %dma_start3A_49 = arith.constant 3 : i32
    %dma_start3A_50 = arith.constant 0 : i32
    %dma_start3A_51 = arith.constant 0 : i32
    %dma_start3A_52 = tpu.memref_slice %arg6[%dma_start3A_48, %dma_start3A_50, %dma_start3A_51] : memref<8x50x32xf32, #tpu.memory_space<vmem>> -> memref<1x50x32xf32, #tpu.memory_space<vmem>>
    %dma_start3A_53 = tpu.memref_squeeze %dma_start3A_52 : memref<1x50x32xf32, #tpu.memory_space<vmem>> -> memref<50x32xf32, #tpu.memory_space<vmem>>
    %dma_start3A_54 = arith.constant 0 : i32
    %dma_start3A_55 = tpu.memref_slice %arg5[%dma_start3A_47, %dma_start3A_54] : memref<128x50xi32, #tpu.memory_space<vmem>> -> memref<1x50xi32, #tpu.memory_space<vmem>>
    %dma_start3A_56 = tpu.memref_squeeze %dma_start3A_55 : memref<1x50xi32, #tpu.memory_space<vmem>> -> memref<50xi32, #tpu.memory_space<vmem>>
    %dma_start3A_57 = arith.constant 0 : i32
    %dma_start3A_58 = arith.constant 0 : i32
    %dma_start3A_59 = tpu.memref_slice %arg3[%dma_start3A_57, %dma_start3A_58] : memref<1000000x32xf32, #tpu.memory_space<hbm>> -> memref<1000000x32xf32, #tpu.memory_space<hbm>>
    %dma_start3A_60 = tpu.memref_slice %arg7[%dma_start3A_49] : memref<8x!tpu.dma_semaphore, #tpu.memory_space<semaphore_mem>> -> memref<1x!tpu.dma_semaphore, #tpu.memory_space<semaphore_mem>>
    %dma_start3A_61 = tpu.memref_squeeze %dma_start3A_60 : memref<1x!tpu.dma_semaphore, #tpu.memory_space<semaphore_mem>> -> memref<!tpu.dma_semaphore, #tpu.memory_space<semaphore_mem>>
    tpu.enqueue_indirect_dma source(%dma_start3A_59 : memref<1000000x32xf32, #tpu.memory_space<hbm>>) target(%dma_start3A_53 : memref<50x32xf32, #tpu.memory_space<vmem>>) offsets(%dma_start3A_56 : memref<50xi32, #tpu.memory_space<vmem>>) semaphore(%dma_start3A_61 : memref<!tpu.dma_semaphore, #tpu.memory_space<semaphore_mem>>)
    %dma_start3A_62 = arith.constant 4 : i32
    %dma_start3A_63 = arith.constant 4 : i32
    %dma_start3A_64 = arith.constant 4 : i32
    %dma_start3A_65 = arith.constant 0 : i32
    %dma_start3A_66 = arith.constant 0 : i32
    %dma_start3A_67 = tpu.memref_slice %arg6[%dma_start3A_63, %dma_start3A_65, %dma_start3A_66] : memref<8x50x32xf32, #tpu.memory_space<vmem>> -> memref<1x50x32xf32, #tpu.memory_space<vmem>>
    %dma_start3A_68 = tpu.memref_squeeze %dma_start3A_67 : memref<1x50x32xf32, #tpu.memory_space<vmem>> -> memref<50x32xf32, #tpu.memory_space<vmem>>
    %dma_start3A_69 = arith.constant 0 : i32
    %dma_start3A_70 = tpu.memref_slice %arg5[%dma_start3A_62, %dma_start3A_69] : memref<128x50xi32, #tpu.memory_space<vmem>> -> memref<1x50xi32, #tpu.memory_space<vmem>>
    %dma_start3A_71 = tpu.memref_squeeze %dma_start3A_70 : memref<1x50xi32, #tpu.memory_space<vmem>> -> memref<50xi32, #tpu.memory_space<vmem>>
    %dma_start3A_72 = arith.constant 0 : i32
    %dma_start3A_73 = arith.constant 0 : i32
    %dma_start3A_74 = tpu.memref_slice %arg3[%dma_start3A_72, %dma_start3A_73] : memref<1000000x32xf32, #tpu.memory_space<hbm>> -> memref<1000000x32xf32, #tpu.memory_space<hbm>>
    %dma_start3A_75 = tpu.memref_slice %arg7[%dma_start3A_64] : memref<8x!tpu.dma_semaphore, #tpu.memory_space<semaphore_mem>> -> memref<1x!tpu.dma_semaphore, #tpu.memory_space<semaphore_mem>>
    %dma_start3A_76 = tpu.memref_squeeze %dma_start3A_75 : memref<1x!tpu.dma_semaphore, #tpu.memory_space<semaphore_mem>> -> memref<!tpu.dma_semaphore, #tpu.memory_space<semaphore_mem>>
    tpu.enqueue_indirect_dma source(%dma_start3A_74 : memref<1000000x32xf32, #tpu.memory_space<hbm>>) target(%dma_start3A_68 : memref<50x32xf32, #tpu.memory_space<vmem>>) offsets(%dma_start3A_71 : memref<50xi32, #tpu.memory_space<vmem>>) semaphore(%dma_start3A_76 : memref<!tpu.dma_semaphore, #tpu.memory_space<semaphore_mem>>)
    %dma_start3A_77 = arith.constant 5 : i32
    %dma_start3A_78 = arith.constant 5 : i32
    %dma_start3A_79 = arith.constant 5 : i32
    %dma_start3A_80 = arith.constant 0 : i32
    %dma_start3A_81 = arith.constant 0 : i32
    %dma_start3A_82 = tpu.memref_slice %arg6[%dma_start3A_78, %dma_start3A_80, %dma_start3A_81] : memref<8x50x32xf32, #tpu.memory_space<vmem>> -> memref<1x50x32xf32, #tpu.memory_space<vmem>>
    %dma_start3A_83 = tpu.memref_squeeze %dma_start3A_82 : memref<1x50x32xf32, #tpu.memory_space<vmem>> -> memref<50x32xf32, #tpu.memory_space<vmem>>
    %dma_start3A_84 = arith.constant 0 : i32
    %dma_start3A_85 = tpu.memref_slice %arg5[%dma_start3A_77, %dma_start3A_84] : memref<128x50xi32, #tpu.memory_space<vmem>> -> memref<1x50xi32, #tpu.memory_space<vmem>>
    %dma_start3A_86 = tpu.memref_squeeze %dma_start3A_85 : memref<1x50xi32, #tpu.memory_space<vmem>> -> memref<50xi32, #tpu.memory_space<vmem>>
    %dma_start3A_87 = arith.constant 0 : i32
    %dma_start3A_88 = arith.constant 0 : i32
    %dma_start3A_89 = tpu.memref_slice %arg3[%dma_start3A_87, %dma_start3A_88] : memref<1000000x32xf32, #tpu.memory_space<hbm>> -> memref<1000000x32xf32, #tpu.memory_space<hbm>>
    %dma_start3A_90 = tpu.memref_slice %arg7[%dma_start3A_79] : memref<8x!tpu.dma_semaphore, #tpu.memory_space<semaphore_mem>> -> memref<1x!tpu.dma_semaphore, #tpu.memory_space<semaphore_mem>>
    %dma_start3A_91 = tpu.memref_squeeze %dma_start3A_90 : memref<1x!tpu.dma_semaphore, #tpu.memory_space<semaphore_mem>> -> memref<!tpu.dma_semaphore, #tpu.memory_space<semaphore_mem>>
    tpu.enqueue_indirect_dma source(%dma_start3A_89 : memref<1000000x32xf32, #tpu.memory_space<hbm>>) target(%dma_start3A_83 : memref<50x32xf32, #tpu.memory_space<vmem>>) offsets(%dma_start3A_86 : memref<50xi32, #tpu.memory_space<vmem>>) semaphore(%dma_start3A_91 : memref<!tpu.dma_semaphore, #tpu.memory_space<semaphore_mem>>)
    %dma_wait3A = arith.constant 0 : i32
    %dma_wait3A_92 = arith.constant 0 : i32
    %dma_wait3A_93 = arith.constant 0 : i32
    %dma_wait3A_94 = arith.constant 0 : i32
    %dma_wait3A_95 = tpu.memref_slice %arg6[%dma_wait3A, %dma_wait3A_93, %dma_wait3A_94] : memref<8x50x32xf32, #tpu.memory_space<vmem>> -> memref<1x50x32xf32, #tpu.memory_space<vmem>>
    %dma_wait3A_96 = tpu.memref_squeeze %dma_wait3A_95 : memref<1x50x32xf32, #tpu.memory_space<vmem>> -> memref<50x32xf32, #tpu.memory_space<vmem>>
    %dma_wait3A_97 = arith.constant 0 : i32
    %dma_wait3A_98 = arith.constant 0 : i32
    %dma_wait3A_99 = tpu.memref_slice %arg3[%dma_wait3A_97, %dma_wait3A_98] : memref<1000000x32xf32, #tpu.memory_space<hbm>> -> memref<50x32xf32, #tpu.memory_space<hbm>>
    %dma_wait3A_100 = tpu.memref_slice %arg7[%dma_wait3A_92] : memref<8x!tpu.dma_semaphore, #tpu.memory_space<semaphore_mem>> -> memref<1x!tpu.dma_semaphore, #tpu.memory_space<semaphore_mem>>
    %dma_wait3A_101 = tpu.memref_squeeze %dma_wait3A_100 : memref<1x!tpu.dma_semaphore, #tpu.memory_space<semaphore_mem>> -> memref<!tpu.dma_semaphore, #tpu.memory_space<semaphore_mem>>
    %dma_wait3A_102 = arith.constant 0 : i32
    %dma_wait3A_103 = arith.constant 0 : i32
    %dma_wait3A_104 = tpu.memref_slice %arg6[%dma_wait3A, %dma_wait3A_102, %dma_wait3A_103] : memref<8x50x32xf32, #tpu.memory_space<vmem>> -> memref<1x50x32xf32, #tpu.memory_space<vmem>>
    %dma_wait3A_105 = tpu.memref_squeeze %dma_wait3A_104 : memref<1x50x32xf32, #tpu.memory_space<vmem>> -> memref<50x32xf32, #tpu.memory_space<vmem>>
    %dma_wait3A_106 = arith.constant 0 : i32
    %dma_wait3A_107 = arith.constant 0 : i32
    %dma_wait3A_108 = tpu.memref_slice %arg3[%dma_wait3A_106, %dma_wait3A_107] : memref<1000000x32xf32, #tpu.memory_space<hbm>> -> memref<50x32xf32, #tpu.memory_space<hbm>>
    tpu.wait_dma2 semaphore(%dma_wait3A_101 : memref<!tpu.dma_semaphore, #tpu.memory_space<semaphore_mem>>) src(%dma_wait3A_108 : memref<50x32xf32, #tpu.memory_space<hbm>>) dst(%dma_wait3A_105 : memref<50x32xf32, #tpu.memory_space<vmem>>)
    %add3A_109 = arith.constant 0 : i32
    %add3A_110 = arith.addi %mul3A_2, %add3A_109 : i32
    %dma_start3A_111 = arith.constant 0 : i32
    %dma_start3A_112 = arith.constant 0 : i32
    %dma_start3A_113 = arith.constant 0 : i32
    %dma_start3A_114 = arith.constant 0 : i32
    %dma_start3A_115 = tpu.memref_slice %arg6[%dma_start3A_111, %dma_start3A_113, %dma_start3A_114] : memref<8x50x32xf32, #tpu.memory_space<vmem>> -> memref<1x50x32xf32, #tpu.memory_space<vmem>>
    %dma_start3A_116 = tpu.memref_squeeze %dma_start3A_115 : memref<1x50x32xf32, #tpu.memory_space<vmem>> -> memref<50x32xf32, #tpu.memory_space<vmem>>
    %dma_start3A_117 = arith.constant 0 : i32
    %dma_start3A_118 = arith.constant 0 : i32
    %dma_start3A_119 = tpu.memref_slice %arg4[%add3A_110, %dma_start3A_117, %dma_start3A_118] : memref<4096x50x32xf32, #tpu.memory_space<hbm>> -> memref<1x50x32xf32, #tpu.memory_space<hbm>>
    %dma_start3A_120 = tpu.memref_squeeze %dma_start3A_119 : memref<1x50x32xf32, #tpu.memory_space<hbm>> -> memref<50x32xf32, #tpu.memory_space<hbm>>
    %dma_start3A_121 = tpu.memref_slice %arg8[%dma_start3A_112] : memref<8x!tpu.dma_semaphore, #tpu.memory_space<semaphore_mem>> -> memref<1x!tpu.dma_semaphore, #tpu.memory_space<semaphore_mem>>
    %dma_start3A_122 = tpu.memref_squeeze %dma_start3A_121 : memref<1x!tpu.dma_semaphore, #tpu.memory_space<semaphore_mem>> -> memref<!tpu.dma_semaphore, #tpu.memory_space<semaphore_mem>>
    %dma_start3A_123 = arith.constant 0 : i32
    %dma_start3A_124 = arith.constant 0 : i32
    %dma_start3A_125 = tpu.memref_slice %arg4[%add3A_110, %dma_start3A_123, %dma_start3A_124] : memref<4096x50x32xf32, #tpu.memory_space<hbm>> -> memref<1x50x32xf32, #tpu.memory_space<hbm>>
    %dma_start3A_126 = tpu.memref_squeeze %dma_start3A_125 : memref<1x50x32xf32, #tpu.memory_space<hbm>> -> memref<50x32xf32, #tpu.memory_space<hbm>>
    %dma_start3A_127 = arith.constant 0 : i32
    %dma_start3A_128 = arith.constant 0 : i32
    %dma_start3A_129 = tpu.memref_slice %arg6[%dma_start3A_111, %dma_start3A_127, %dma_start3A_128] : memref<8x50x32xf32, #tpu.memory_space<vmem>> -> memref<1x50x32xf32, #tpu.memory_space<vmem>>
    %dma_start3A_130 = tpu.memref_squeeze %dma_start3A_129 : memref<1x50x32xf32, #tpu.memory_space<vmem>> -> memref<50x32xf32, #tpu.memory_space<vmem>>
    tpu.enqueue_dma source(%dma_start3A_130 : memref<50x32xf32, #tpu.memory_space<vmem>>) target(%dma_start3A_126 : memref<50x32xf32, #tpu.memory_space<hbm>>) target_semaphore(%dma_start3A_122 : memref<!tpu.dma_semaphore, #tpu.memory_space<semaphore_mem>>)
    %dma_start3A_131 = arith.constant 6 : i32
    %dma_start3A_132 = arith.constant 6 : i32
    %dma_start3A_133 = arith.constant 6 : i32
    %dma_start3A_134 = arith.constant 0 : i32
    %dma_start3A_135 = arith.constant 0 : i32
    %dma_start3A_136 = tpu.memref_slice %arg6[%dma_start3A_132, %dma_start3A_134, %dma_start3A_135] : memref<8x50x32xf32, #tpu.memory_space<vmem>> -> memref<1x50x32xf32, #tpu.memory_space<vmem>>
    %dma_start3A_137 = tpu.memref_squeeze %dma_start3A_136 : memref<1x50x32xf32, #tpu.memory_space<vmem>> -> memref<50x32xf32, #tpu.memory_space<vmem>>
    %dma_start3A_138 = arith.constant 0 : i32
    %dma_start3A_139 = tpu.memref_slice %arg5[%dma_start3A_131, %dma_start3A_138] : memref<128x50xi32, #tpu.memory_space<vmem>> -> memref<1x50xi32, #tpu.memory_space<vmem>>
    %dma_start3A_140 = tpu.memref_squeeze %dma_start3A_139 : memref<1x50xi32, #tpu.memory_space<vmem>> -> memref<50xi32, #tpu.memory_space<vmem>>
    %dma_start3A_141 = arith.constant 0 : i32
    %dma_start3A_142 = arith.constant 0 : i32
    %dma_start3A_143 = tpu.memref_slice %arg3[%dma_start3A_141, %dma_start3A_142] : memref<1000000x32xf32, #tpu.memory_space<hbm>> -> memref<1000000x32xf32, #tpu.memory_space<hbm>>
    %dma_start3A_144 = tpu.memref_slice %arg7[%dma_start3A_133] : memref<8x!tpu.dma_semaphore, #tpu.memory_space<semaphore_mem>> -> memref<1x!tpu.dma_semaphore, #tpu.memory_space<semaphore_mem>>
    %dma_start3A_145 = tpu.memref_squeeze %dma_start3A_144 : memref<1x!tpu.dma_semaphore, #tpu.memory_space<semaphore_mem>> -> memref<!tpu.dma_semaphore, #tpu.memory_space<semaphore_mem>>
    tpu.enqueue_indirect_dma source(%dma_start3A_143 : memref<1000000x32xf32, #tpu.memory_space<hbm>>) target(%dma_start3A_137 : memref<50x32xf32, #tpu.memory_space<vmem>>) offsets(%dma_start3A_140 : memref<50xi32, #tpu.memory_space<vmem>>) semaphore(%dma_start3A_145 : memref<!tpu.dma_semaphore, #tpu.memory_space<semaphore_mem>>)
    %dma_wait3A_146 = arith.constant 1 : i32
    %dma_wait3A_147 = arith.constant 1 : i32
    %dma_wait3A_148 = arith.constant 0 : i32
    %dma_wait3A_149 = arith.constant 0 : i32
    %dma_wait3A_150 = tpu.memref_slice %arg6[%dma_wait3A_146, %dma_wait3A_148, %dma_wait3A_149] : memref<8x50x32xf32, #tpu.memory_space<vmem>> -> memref<1x50x32xf32, #tpu.memory_space<vmem>>
    %dma_wait3A_151 = tpu.memref_squeeze %dma_wait3A_150 : memref<1x50x32xf32, #tpu.memory_space<vmem>> -> memref<50x32xf32, #tpu.memory_space<vmem>>
    %dma_wait3A_152 = arith.constant 0 : i32
    %dma_wait3A_153 = arith.constant 0 : i32
    %dma_wait3A_154 = tpu.memref_slice %arg3[%dma_wait3A_152, %dma_wait3A_153] : memref<1000000x32xf32, #tpu.memory_space<hbm>> -> memref<50x32xf32, #tpu.memory_space<hbm>>
    %dma_wait3A_155 = tpu.memref_slice %arg7[%dma_wait3A_147] : memref<8x!tpu.dma_semaphore, #tpu.memory_space<semaphore_mem>> -> memref<1x!tpu.dma_semaphore, #tpu.memory_space<semaphore_mem>>
    %dma_wait3A_156 = tpu.memref_squeeze %dma_wait3A_155 : memref<1x!tpu.dma_semaphore, #tpu.memory_space<semaphore_mem>> -> memref<!tpu.dma_semaphore, #tpu.memory_space<semaphore_mem>>
    %dma_wait3A_157 = arith.constant 0 : i32
    %dma_wait3A_158 = arith.constant 0 : i32
    %dma_wait3A_159 = tpu.memref_slice %arg6[%dma_wait3A_146, %dma_wait3A_157, %dma_wait3A_158] : memref<8x50x32xf32, #tpu.memory_space<vmem>> -> memref<1x50x32xf32, #tpu.memory_space<vmem>>
    %dma_wait3A_160 = tpu.memref_squeeze %dma_wait3A_159 : memref<1x50x32xf32, #tpu.memory_space<vmem>> -> memref<50x32xf32, #tpu.memory_space<vmem>>
    %dma_wait3A_161 = arith.constant 0 : i32
    %dma_wait3A_162 = arith.constant 0 : i32
    %dma_wait3A_163 = tpu.memref_slice %arg3[%dma_wait3A_161, %dma_wait3A_162] : memref<1000000x32xf32, #tpu.memory_space<hbm>> -> memref<50x32xf32, #tpu.memory_space<hbm>>
    tpu.wait_dma2 semaphore(%dma_wait3A_156 : memref<!tpu.dma_semaphore, #tpu.memory_space<semaphore_mem>>) src(%dma_wait3A_163 : memref<50x32xf32, #tpu.memory_space<hbm>>) dst(%dma_wait3A_160 : memref<50x32xf32, #tpu.memory_space<vmem>>)
    %add3A_164 = arith.constant 1 : i32
    %add3A_165 = arith.addi %mul3A_2, %add3A_164 : i32
    %dma_start3A_166 = arith.constant 1 : i32
    %dma_start3A_167 = arith.constant 1 : i32
    %dma_start3A_168 = arith.constant 0 : i32
    %dma_start3A_169 = arith.constant 0 : i32
    %dma_start3A_170 = tpu.memref_slice %arg6[%dma_start3A_166, %dma_start3A_168, %dma_start3A_169] : memref<8x50x32xf32, #tpu.memory_space<vmem>> -> memref<1x50x32xf32, #tpu.memory_space<vmem>>
    %dma_start3A_171 = tpu.memref_squeeze %dma_start3A_170 : memref<1x50x32xf32, #tpu.memory_space<vmem>> -> memref<50x32xf32, #tpu.memory_space<vmem>>
    %dma_start3A_172 = arith.constant 0 : i32
    %dma_start3A_173 = arith.constant 0 : i32
    %dma_start3A_174 = tpu.memref_slice %arg4[%add3A_165, %dma_start3A_172, %dma_start3A_173] : memref<4096x50x32xf32, #tpu.memory_space<hbm>> -> memref<1x50x32xf32, #tpu.memory_space<hbm>>
    %dma_start3A_175 = tpu.memref_squeeze %dma_start3A_174 : memref<1x50x32xf32, #tpu.memory_space<hbm>> -> memref<50x32xf32, #tpu.memory_space<hbm>>
    %dma_start3A_176 = tpu.memref_slice %arg8[%dma_start3A_167] : memref<8x!tpu.dma_semaphore, #tpu.memory_space<semaphore_mem>> -> memref<1x!tpu.dma_semaphore, #tpu.memory_space<semaphore_mem>>
    %dma_start3A_177 = tpu.memref_squeeze %dma_start3A_176 : memref<1x!tpu.dma_semaphore, #tpu.memory_space<semaphore_mem>> -> memref<!tpu.dma_semaphore, #tpu.memory_space<semaphore_mem>>
    %dma_start3A_178 = arith.constant 0 : i32
    %dma_start3A_179 = arith.constant 0 : i32
    %dma_start3A_180 = tpu.memref_slice %arg4[%add3A_165, %dma_start3A_178, %dma_start3A_179] : memref<4096x50x32xf32, #tpu.memory_space<hbm>> -> memref<1x50x32xf32, #tpu.memory_space<hbm>>
    %dma_start3A_181 = tpu.memref_squeeze %dma_start3A_180 : memref<1x50x32xf32, #tpu.memory_space<hbm>> -> memref<50x32xf32, #tpu.memory_space<hbm>>
    %dma_start3A_182 = arith.constant 0 : i32
    %dma_start3A_183 = arith.constant 0 : i32
    %dma_start3A_184 = tpu.memref_slice %arg6[%dma_start3A_166, %dma_start3A_182, %dma_start3A_183] : memref<8x50x32xf32, #tpu.memory_space<vmem>> -> memref<1x50x32xf32, #tpu.memory_space<vmem>>
    %dma_start3A_185 = tpu.memref_squeeze %dma_start3A_184 : memref<1x50x32xf32, #tpu.memory_space<vmem>> -> memref<50x32xf32, #tpu.memory_space<vmem>>
    tpu.enqueue_dma source(%dma_start3A_185 : memref<50x32xf32, #tpu.memory_space<vmem>>) target(%dma_start3A_181 : memref<50x32xf32, #tpu.memory_space<hbm>>) target_semaphore(%dma_start3A_177 : memref<!tpu.dma_semaphore, #tpu.memory_space<semaphore_mem>>)
    %dma_start3A_186 = arith.constant 7 : i32
    %dma_start3A_187 = arith.constant 7 : i32
    %dma_start3A_188 = arith.constant 7 : i32
    %dma_start3A_189 = arith.constant 0 : i32
    %dma_start3A_190 = arith.constant 0 : i32
    %dma_start3A_191 = tpu.memref_slice %arg6[%dma_start3A_187, %dma_start3A_189, %dma_start3A_190] : memref<8x50x32xf32, #tpu.memory_space<vmem>> -> memref<1x50x32xf32, #tpu.memory_space<vmem>>
    %dma_start3A_192 = tpu.memref_squeeze %dma_start3A_191 : memref<1x50x32xf32, #tpu.memory_space<vmem>> -> memref<50x32xf32, #tpu.memory_space<vmem>>
    %dma_start3A_193 = arith.constant 0 : i32
    %dma_start3A_194 = tpu.memref_slice %arg5[%dma_start3A_186, %dma_start3A_193] : memref<128x50xi32, #tpu.memory_space<vmem>> -> memref<1x50xi32, #tpu.memory_space<vmem>>
    %dma_start3A_195 = tpu.memref_squeeze %dma_start3A_194 : memref<1x50xi32, #tpu.memory_space<vmem>> -> memref<50xi32, #tpu.memory_space<vmem>>
    %dma_start3A_196 = arith.constant 0 : i32
    %dma_start3A_197 = arith.constant 0 : i32
    %dma_start3A_198 = tpu.memref_slice %arg3[%dma_start3A_196, %dma_start3A_197] : memref<1000000x32xf32, #tpu.memory_space<hbm>> -> memref<1000000x32xf32, #tpu.memory_space<hbm>>
    %dma_start3A_199 = tpu.memref_slice %arg7[%dma_start3A_188] : memref<8x!tpu.dma_semaphore, #tpu.memory_space<semaphore_mem>> -> memref<1x!tpu.dma_semaphore, #tpu.memory_space<semaphore_mem>>
    %dma_start3A_200 = tpu.memref_squeeze %dma_start3A_199 : memref<1x!tpu.dma_semaphore, #tpu.memory_space<semaphore_mem>> -> memref<!tpu.dma_semaphore, #tpu.memory_space<semaphore_mem>>
    tpu.enqueue_indirect_dma source(%dma_start3A_198 : memref<1000000x32xf32, #tpu.memory_space<hbm>>) target(%dma_start3A_192 : memref<50x32xf32, #tpu.memory_space<vmem>>) offsets(%dma_start3A_195 : memref<50xi32, #tpu.memory_space<vmem>>) semaphore(%dma_start3A_200 : memref<!tpu.dma_semaphore, #tpu.memory_space<semaphore_mem>>)
    %dma_wait3A_201 = arith.constant 2 : i32
    %dma_wait3A_202 = arith.constant 2 : i32
    %dma_wait3A_203 = arith.constant 0 : i32
    %dma_wait3A_204 = arith.constant 0 : i32
    %dma_wait3A_205 = tpu.memref_slice %arg6[%dma_wait3A_201, %dma_wait3A_203, %dma_wait3A_204] : memref<8x50x32xf32, #tpu.memory_space<vmem>> -> memref<1x50x32xf32, #tpu.memory_space<vmem>>
    %dma_wait3A_206 = tpu.memref_squeeze %dma_wait3A_205 : memref<1x50x32xf32, #tpu.memory_space<vmem>> -> memref<50x32xf32, #tpu.memory_space<vmem>>
    %dma_wait3A_207 = arith.constant 0 : i32
    %dma_wait3A_208 = arith.constant 0 : i32
    %dma_wait3A_209 = tpu.memref_slice %arg3[%dma_wait3A_207, %dma_wait3A_208] : memref<1000000x32xf32, #tpu.memory_space<hbm>> -> memref<50x32xf32, #tpu.memory_space<hbm>>
    %dma_wait3A_210 = tpu.memref_slice %arg7[%dma_wait3A_202] : memref<8x!tpu.dma_semaphore, #tpu.memory_space<semaphore_mem>> -> memref<1x!tpu.dma_semaphore, #tpu.memory_space<semaphore_mem>>
    %dma_wait3A_211 = tpu.memref_squeeze %dma_wait3A_210 : memref<1x!tpu.dma_semaphore, #tpu.memory_space<semaphore_mem>> -> memref<!tpu.dma_semaphore, #tpu.memory_space<semaphore_mem>>
    %dma_wait3A_212 = arith.constant 0 : i32
    %dma_wait3A_213 = arith.constant 0 : i32
    %dma_wait3A_214 = tpu.memref_slice %arg6[%dma_wait3A_201, %dma_wait3A_212, %dma_wait3A_213] : memref<8x50x32xf32, #tpu.memory_space<vmem>> -> memref<1x50x32xf32, #tpu.memory_space<vmem>>
    %dma_wait3A_215 = tpu.memref_squeeze %dma_wait3A_214 : memref<1x50x32xf32, #tpu.memory_space<vmem>> -> memref<50x32xf32, #tpu.memory_space<vmem>>
    %dma_wait3A_216 = arith.constant 0 : i32
    %dma_wait3A_217 = arith.constant 0 : i32
    %dma_wait3A_218 = tpu.memref_slice %arg3[%dma_wait3A_216, %dma_wait3A_217] : memref<1000000x32xf32, #tpu.memory_space<hbm>> -> memref<50x32xf32, #tpu.memory_space<hbm>>
    tpu.wait_dma2 semaphore(%dma_wait3A_211 : memref<!tpu.dma_semaphore, #tpu.memory_space<semaphore_mem>>) src(%dma_wait3A_218 : memref<50x32xf32, #tpu.memory_space<hbm>>) dst(%dma_wait3A_215 : memref<50x32xf32, #tpu.memory_space<vmem>>)
    %add3A_219 = arith.constant 2 : i32
    %add3A_220 = arith.addi %mul3A_2, %add3A_219 : i32
    %dma_start3A_221 = arith.constant 2 : i32
    %dma_start3A_222 = arith.constant 2 : i32
    %dma_start3A_223 = arith.constant 0 : i32
    %dma_start3A_224 = arith.constant 0 : i32
    %dma_start3A_225 = tpu.memref_slice %arg6[%dma_start3A_221, %dma_start3A_223, %dma_start3A_224] : memref<8x50x32xf32, #tpu.memory_space<vmem>> -> memref<1x50x32xf32, #tpu.memory_space<vmem>>
    %dma_start3A_226 = tpu.memref_squeeze %dma_start3A_225 : memref<1x50x32xf32, #tpu.memory_space<vmem>> -> memref<50x32xf32, #tpu.memory_space<vmem>>
    %dma_start3A_227 = arith.constant 0 : i32
    %dma_start3A_228 = arith.constant 0 : i32
    %dma_start3A_229 = tpu.memref_slice %arg4[%add3A_220, %dma_start3A_227, %dma_start3A_228] : memref<4096x50x32xf32, #tpu.memory_space<hbm>> -> memref<1x50x32xf32, #tpu.memory_space<hbm>>
    %dma_start3A_230 = tpu.memref_squeeze %dma_start3A_229 : memref<1x50x32xf32, #tpu.memory_space<hbm>> -> memref<50x32xf32, #tpu.memory_space<hbm>>
    %dma_start3A_231 = tpu.memref_slice %arg8[%dma_start3A_222] : memref<8x!tpu.dma_semaphore, #tpu.memory_space<semaphore_mem>> -> memref<1x!tpu.dma_semaphore, #tpu.memory_space<semaphore_mem>>
    %dma_start3A_232 = tpu.memref_squeeze %dma_start3A_231 : memref<1x!tpu.dma_semaphore, #tpu.memory_space<semaphore_mem>> -> memref<!tpu.dma_semaphore, #tpu.memory_space<semaphore_mem>>
    %dma_start3A_233 = arith.constant 0 : i32
    %dma_start3A_234 = arith.constant 0 : i32
    %dma_start3A_235 = tpu.memref_slice %arg4[%add3A_220, %dma_start3A_233, %dma_start3A_234] : memref<4096x50x32xf32, #tpu.memory_space<hbm>> -> memref<1x50x32xf32, #tpu.memory_space<hbm>>
    %dma_start3A_236 = tpu.memref_squeeze %dma_start3A_235 : memref<1x50x32xf32, #tpu.memory_space<hbm>> -> memref<50x32xf32, #tpu.memory_space<hbm>>
    %dma_start3A_237 = arith.constant 0 : i32
    %dma_start3A_238 = arith.constant 0 : i32
    %dma_start3A_239 = tpu.memref_slice %arg6[%dma_start3A_221, %dma_start3A_237, %dma_start3A_238] : memref<8x50x32xf32, #tpu.memory_space<vmem>> -> memref<1x50x32xf32, #tpu.memory_space<vmem>>
    %dma_start3A_240 = tpu.memref_squeeze %dma_start3A_239 : memref<1x50x32xf32, #tpu.memory_space<vmem>> -> memref<50x32xf32, #tpu.memory_space<vmem>>
    tpu.enqueue_dma source(%dma_start3A_240 : memref<50x32xf32, #tpu.memory_space<vmem>>) target(%dma_start3A_236 : memref<50x32xf32, #tpu.memory_space<hbm>>) target_semaphore(%dma_start3A_232 : memref<!tpu.dma_semaphore, #tpu.memory_space<semaphore_mem>>)
    %dma_wait3A_241 = arith.constant 0 : i32
    %dma_wait3A_242 = arith.constant 0 : i32
    %dma_wait3A_243 = arith.constant 0 : i32
    %dma_wait3A_244 = arith.constant 0 : i32
    %dma_wait3A_245 = tpu.memref_slice %arg6[%dma_wait3A_241, %dma_wait3A_243, %dma_wait3A_244] : memref<8x50x32xf32, #tpu.memory_space<vmem>> -> memref<1x50x32xf32, #tpu.memory_space<vmem>>
    %dma_wait3A_246 = tpu.memref_squeeze %dma_wait3A_245 : memref<1x50x32xf32, #tpu.memory_space<vmem>> -> memref<50x32xf32, #tpu.memory_space<vmem>>
    %dma_wait3A_247 = arith.constant 0 : i32
    %dma_wait3A_248 = arith.constant 0 : i32
    %dma_wait3A_249 = tpu.memref_slice %arg4[%mul3A_2, %dma_wait3A_247, %dma_wait3A_248] : memref<4096x50x32xf32, #tpu.memory_space<hbm>> -> memref<1x50x32xf32, #tpu.memory_space<hbm>>
    %dma_wait3A_250 = tpu.memref_squeeze %dma_wait3A_249 : memref<1x50x32xf32, #tpu.memory_space<hbm>> -> memref<50x32xf32, #tpu.memory_space<hbm>>
    %dma_wait3A_251 = tpu.memref_slice %arg8[%dma_wait3A_242] : memref<8x!tpu.dma_semaphore, #tpu.memory_space<semaphore_mem>> -> memref<1x!tpu.dma_semaphore, #tpu.memory_space<semaphore_mem>>
    %dma_wait3A_252 = tpu.memref_squeeze %dma_wait3A_251 : memref<1x!tpu.dma_semaphore, #tpu.memory_space<semaphore_mem>> -> memref<!tpu.dma_semaphore, #tpu.memory_space<semaphore_mem>>
    %dma_wait3A_253 = arith.constant 0 : i32
    %dma_wait3A_254 = arith.constant 0 : i32
    %dma_wait3A_255 = tpu.memref_slice %arg4[%mul3A_2, %dma_wait3A_253, %dma_wait3A_254] : memref<4096x50x32xf32, #tpu.memory_space<hbm>> -> memref<1x50x32xf32, #tpu.memory_space<hbm>>
    %dma_wait3A_256 = tpu.memref_squeeze %dma_wait3A_255 : memref<1x50x32xf32, #tpu.memory_space<hbm>> -> memref<50x32xf32, #tpu.memory_space<hbm>>
    %dma_wait3A_257 = arith.constant 0 : i32
    %dma_wait3A_258 = arith.constant 0 : i32
    %dma_wait3A_259 = tpu.memref_slice %arg6[%dma_wait3A_241, %dma_wait3A_257, %dma_wait3A_258] : memref<8x50x32xf32, #tpu.memory_space<vmem>> -> memref<1x50x32xf32, #tpu.memory_space<vmem>>
    %dma_wait3A_260 = tpu.memref_squeeze %dma_wait3A_259 : memref<1x50x32xf32, #tpu.memory_space<vmem>> -> memref<50x32xf32, #tpu.memory_space<vmem>>
    tpu.wait_dma2 semaphore(%dma_wait3A_252 : memref<!tpu.dma_semaphore, #tpu.memory_space<semaphore_mem>>) src(%dma_wait3A_260 : memref<50x32xf32, #tpu.memory_space<vmem>>) dst(%dma_wait3A_256 : memref<50x32xf32, #tpu.memory_space<hbm>>)
    %dma_start3A_261 = arith.constant 8 : i32
    %dma_start3A_262 = arith.constant 0 : i32
    %dma_start3A_263 = arith.constant 0 : i32
    %dma_start3A_264 = arith.constant 0 : i32
    %dma_start3A_265 = arith.constant 0 : i32
    %dma_start3A_266 = tpu.memref_slice %arg6[%dma_start3A_262, %dma_start3A_264, %dma_start3A_265] : memref<8x50x32xf32, #tpu.memory_space<vmem>> -> memref<1x50x32xf32, #tpu.memory_space<vmem>>
    %dma_start3A_267 = tpu.memref_squeeze %dma_start3A_266 : memref<1x50x32xf32, #tpu.memory_space<vmem>> -> memref<50x32xf32, #tpu.memory_space<vmem>>
    %dma_start3A_268 = arith.constant 0 : i32
    %dma_start3A_269 = tpu.memref_slice %arg5[%dma_start3A_261, %dma_start3A_268] : memref<128x50xi32, #tpu.memory_space<vmem>> -> memref<1x50xi32, #tpu.memory_space<vmem>>
    %dma_start3A_270 = tpu.memref_squeeze %dma_start3A_269 : memref<1x50xi32, #tpu.memory_space<vmem>> -> memref<50xi32, #tpu.memory_space<vmem>>
    %dma_start3A_271 = arith.constant 0 : i32
    %dma_start3A_272 = arith.constant 0 : i32
    %dma_start3A_273 = tpu.memref_slice %arg3[%dma_start3A_271, %dma_start3A_272] : memref<1000000x32xf32, #tpu.memory_space<hbm>> -> memref<1000000x32xf32, #tpu.memory_space<hbm>>
    %dma_start3A_274 = tpu.memref_slice %arg7[%dma_start3A_263] : memref<8x!tpu.dma_semaphore, #tpu.memory_space<semaphore_mem>> -> memref<1x!tpu.dma_semaphore, #tpu.memory_space<semaphore_mem>>
    %dma_start3A_275 = tpu.memref_squeeze %dma_start3A_274 : memref<1x!tpu.dma_semaphore, #tpu.memory_space<semaphore_mem>> -> memref<!tpu.dma_semaphore, #tpu.memory_space<semaphore_mem>>
    tpu.enqueue_indirect_dma source(%dma_start3A_273 : memref<1000000x32xf32, #tpu.memory_space<hbm>>) target(%dma_start3A_267 : memref<50x32xf32, #tpu.memory_space<vmem>>) offsets(%dma_start3A_270 : memref<50xi32, #tpu.memory_space<vmem>>) semaphore(%dma_start3A_275 : memref<!tpu.dma_semaphore, #tpu.memory_space<semaphore_mem>>)
    %dma_wait3A_276 = arith.constant 3 : i32
    %dma_wait3A_277 = arith.constant 3 : i32
    %dma_wait3A_278 = arith.constant 0 : i32
    %dma_wait3A_279 = arith.constant 0 : i32
    %dma_wait3A_280 = tpu.memref_slice %arg6[%dma_wait3A_276, %dma_wait3A_278, %dma_wait3A_279] : memref<8x50x32xf32, #tpu.memory_space<vmem>> -> memref<1x50x32xf32, #tpu.memory_space<vmem>>
    %dma_wait3A_281 = tpu.memref_squeeze %dma_wait3A_280 : memref<1x50x32xf32, #tpu.memory_space<vmem>> -> memref<50x32xf32, #tpu.memory_space<vmem>>
    %dma_wait3A_282 = arith.constant 0 : i32
    %dma_wait3A_283 = arith.constant 0 : i32
    %dma_wait3A_284 = tpu.memref_slice %arg3[%dma_wait3A_282, %dma_wait3A_283] : memref<1000000x32xf32, #tpu.memory_space<hbm>> -> memref<50x32xf32, #tpu.memory_space<hbm>>
    %dma_wait3A_285 = tpu.memref_slice %arg7[%dma_wait3A_277] : memref<8x!tpu.dma_semaphore, #tpu.memory_space<semaphore_mem>> -> memref<1x!tpu.dma_semaphore, #tpu.memory_space<semaphore_mem>>
    %dma_wait3A_286 = tpu.memref_squeeze %dma_wait3A_285 : memref<1x!tpu.dma_semaphore, #tpu.memory_space<semaphore_mem>> -> memref<!tpu.dma_semaphore, #tpu.memory_space<semaphore_mem>>
    %dma_wait3A_287 = arith.constant 0 : i32
    %dma_wait3A_288 = arith.constant 0 : i32
    %dma_wait3A_289 = tpu.memref_slice %arg6[%dma_wait3A_276, %dma_wait3A_287, %dma_wait3A_288] : memref<8x50x32xf32, #tpu.memory_space<vmem>> -> memref<1x50x32xf32, #tpu.memory_space<vmem>>
    %dma_wait3A_290 = tpu.memref_squeeze %dma_wait3A_289 : memref<1x50x32xf32, #tpu.memory_space<vmem>> -> memref<50x32xf32, #tpu.memory_space<vmem>>
    %dma_wait3A_291 = arith.constant 0 : i32
    %dma_wait3A_292 = arith.constant 0 : i32
    %dma_wait3A_293 = tpu.memref_slice %arg3[%dma_wait3A_291, %dma_wait3A_292] : memref<1000000x32xf32, #tpu.memory_space<hbm>> -> memref<50x32xf32, #tpu.memory_space<hbm>>
    tpu.wait_dma2 semaphore(%dma_wait3A_286 : memref<!tpu.dma_semaphore, #tpu.memory_space<semaphore_mem>>) src(%dma_wait3A_293 : memref<50x32xf32, #tpu.memory_space<hbm>>) dst(%dma_wait3A_290 : memref<50x32xf32, #tpu.memory_space<vmem>>)
    %add3A_294 = arith.constant 3 : i32
    %add3A_295 = arith.addi %mul3A_2, %add3A_294 : i32
    %dma_start3A_296 = arith.constant 3 : i32
    %dma_start3A_297 = arith.constant 3 : i32
    %dma_start3A_298 = arith.constant 0 : i32
    %dma_start3A_299 = arith.constant 0 : i32
    %dma_start3A_300 = tpu.memref_slice %arg6[%dma_start3A_296, %dma_start3A_298, %dma_start3A_299] : memref<8x50x32xf32, #tpu.memory_space<vmem>> -> memref<1x50x32xf32, #tpu.memory_space<vmem>>
    %dma_start3A_301 = tpu.memref_squeeze %dma_start3A_300 : memref<1x50x32xf32, #tpu.memory_space<vmem>> -> memref<50x32xf32, #tpu.memory_space<vmem>>
    %dma_start3A_302 = arith.constant 0 : i32
    %dma_start3A_303 = arith.constant 0 : i32
    %dma_start3A_304 = tpu.memref_slice %arg4[%add3A_295, %dma_start3A_302, %dma_start3A_303] : memref<4096x50x32xf32, #tpu.memory_space<hbm>> -> memref<1x50x32xf32, #tpu.memory_space<hbm>>
    %dma_start3A_305 = tpu.memref_squeeze %dma_start3A_304 : memref<1x50x32xf32, #tpu.memory_space<hbm>> -> memref<50x32xf32, #tpu.memory_space<hbm>>
    %dma_start3A_306 = tpu.memref_slice %arg8[%dma_start3A_297] : memref<8x!tpu.dma_semaphore, #tpu.memory_space<semaphore_mem>> -> memref<1x!tpu.dma_semaphore, #tpu.memory_space<semaphore_mem>>
    %dma_start3A_307 = tpu.memref_squeeze %dma_start3A_306 : memref<1x!tpu.dma_semaphore, #tpu.memory_space<semaphore_mem>> -> memref<!tpu.dma_semaphore, #tpu.memory_space<semaphore_mem>>
    %dma_start3A_308 = arith.constant 0 : i32
    %dma_start3A_309 = arith.constant 0 : i32
    %dma_start3A_310 = tpu.memref_slice %arg4[%add3A_295, %dma_start3A_308, %dma_start3A_309] : memref<4096x50x32xf32, #tpu.memory_space<hbm>> -> memref<1x50x32xf32, #tpu.memory_space<hbm>>
    %dma_start3A_311 = tpu.memref_squeeze %dma_start3A_310 : memref<1x50x32xf32, #tpu.memory_space<hbm>> -> memref<50x32xf32, #tpu.memory_space<hbm>>
    %dma_start3A_312 = arith.constant 0 : i32
    %dma_start3A_313 = arith.constant 0 : i32
    %dma_start3A_314 = tpu.memref_slice %arg6[%dma_start3A_296, %dma_start3A_312, %dma_start3A_313] : memref<8x50x32xf32, #tpu.memory_space<vmem>> -> memref<1x50x32xf32, #tpu.memory_space<vmem>>
    %dma_start3A_315 = tpu.memref_squeeze %dma_start3A_314 : memref<1x50x32xf32, #tpu.memory_space<vmem>> -> memref<50x32xf32, #tpu.memory_space<vmem>>
    tpu.enqueue_dma source(%dma_start3A_315 : memref<50x32xf32, #tpu.memory_space<vmem>>) target(%dma_start3A_311 : memref<50x32xf32, #tpu.memory_space<hbm>>) target_semaphore(%dma_start3A_307 : memref<!tpu.dma_semaphore, #tpu.memory_space<semaphore_mem>>)
    %dma_wait3A_316 = arith.constant 1 : i32
    %dma_wait3A_317 = arith.constant 1 : i32
    %dma_wait3A_318 = arith.constant 0 : i32
    %dma_wait3A_319 = arith.constant 0 : i32
    %dma_wait3A_320 = tpu.memref_slice %arg6[%dma_wait3A_316, %dma_wait3A_318, %dma_wait3A_319] : memref<8x50x32xf32, #tpu.memory_space<vmem>> -> memref<1x50x32xf32, #tpu.memory_space<vmem>>
    %dma_wait3A_321 = tpu.memref_squeeze %dma_wait3A_320 : memref<1x50x32xf32, #tpu.memory_space<vmem>> -> memref<50x32xf32, #tpu.memory_space<vmem>>
    %dma_wait3A_322 = arith.constant 0 : i32
    %dma_wait3A_323 = arith.constant 0 : i32
    %dma_wait3A_324 = tpu.memref_slice %arg4[%mul3A_2, %dma_wait3A_322, %dma_wait3A_323] : memref<4096x50x32xf32, #tpu.memory_space<hbm>> -> memref<1x50x32xf32, #tpu.memory_space<hbm>>
    %dma_wait3A_325 = tpu.memref_squeeze %dma_wait3A_324 : memref<1x50x32xf32, #tpu.memory_space<hbm>> -> memref<50x32xf32, #tpu.memory_space<hbm>>
    %dma_wait3A_326 = tpu.memref_slice %arg8[%dma_wait3A_317] : memref<8x!tpu.dma_semaphore, #tpu.memory_space<semaphore_mem>> -> memref<1x!tpu.dma_semaphore, #tpu.memory_space<semaphore_mem>>
    %dma_wait3A_327 = tpu.memref_squeeze %dma_wait3A_326 : memref<1x!tpu.dma_semaphore, #tpu.memory_space<semaphore_mem>> -> memref<!tpu.dma_semaphore, #tpu.memory_space<semaphore_mem>>
    %dma_wait3A_328 = arith.constant 0 : i32
    %dma_wait3A_329 = arith.constant 0 : i32
    %dma_wait3A_330 = tpu.memref_slice %arg4[%mul3A_2, %dma_wait3A_328, %dma_wait3A_329] : memref<4096x50x32xf32, #tpu.memory_space<hbm>> -> memref<1x50x32xf32, #tpu.memory_space<hbm>>
    %dma_wait3A_331 = tpu.memref_squeeze %dma_wait3A_330 : memref<1x50x32xf32, #tpu.memory_space<hbm>> -> memref<50x32xf32, #tpu.memory_space<hbm>>
    %dma_wait3A_332 = arith.constant 0 : i32
    %dma_wait3A_333 = arith.constant 0 : i32
    %dma_wait3A_334 = tpu.memref_slice %arg6[%dma_wait3A_316, %dma_wait3A_332, %dma_wait3A_333] : memref<8x50x32xf32, #tpu.memory_space<vmem>> -> memref<1x50x32xf32, #tpu.memory_space<vmem>>
    %dma_wait3A_335 = tpu.memref_squeeze %dma_wait3A_334 : memref<1x50x32xf32, #tpu.memory_space<vmem>> -> memref<50x32xf32, #tpu.memory_space<vmem>>
    tpu.wait_dma2 semaphore(%dma_wait3A_327 : memref<!tpu.dma_semaphore, #tpu.memory_space<semaphore_mem>>) src(%dma_wait3A_335 : memref<50x32xf32, #tpu.memory_space<vmem>>) dst(%dma_wait3A_331 : memref<50x32xf32, #tpu.memory_space<hbm>>)
    %dma_start3A_336 = arith.constant 9 : i32
    %dma_start3A_337 = arith.constant 1 : i32
    %dma_start3A_338 = arith.constant 1 : i32
    %dma_start3A_339 = arith.constant 0 : i32
    %dma_start3A_340 = arith.constant 0 : i32
    %dma_start3A_341 = tpu.memref_slice %arg6[%dma_start3A_337, %dma_start3A_339, %dma_start3A_340] : memref<8x50x32xf32, #tpu.memory_space<vmem>> -> memref<1x50x32xf32, #tpu.memory_space<vmem>>
    %dma_start3A_342 = tpu.memref_squeeze %dma_start3A_341 : memref<1x50x32xf32, #tpu.memory_space<vmem>> -> memref<50x32xf32, #tpu.memory_space<vmem>>
    %dma_start3A_343 = arith.constant 0 : i32
    %dma_start3A_344 = tpu.memref_slice %arg5[%dma_start3A_336, %dma_start3A_343] : memref<128x50xi32, #tpu.memory_space<vmem>> -> memref<1x50xi32, #tpu.memory_space<vmem>>
    %dma_start3A_345 = tpu.memref_squeeze %dma_start3A_344 : memref<1x50xi32, #tpu.memory_space<vmem>> -> memref<50xi32, #tpu.memory_space<vmem>>
    %dma_start3A_346 = arith.constant 0 : i32
    %dma_start3A_347 = arith.constant 0 : i32
    %dma_start3A_348 = tpu.memref_slice %arg3[%dma_start3A_346, %dma_start3A_347] : memref<1000000x32xf32, #tpu.memory_space<hbm>> -> memref<1000000x32xf32, #tpu.memory_space<hbm>>
    %dma_start3A_349 = tpu.memref_slice %arg7[%dma_start3A_338] : memref<8x!tpu.dma_semaphore, #tpu.memory_space<semaphore_mem>> -> memref<1x!tpu.dma_semaphore, #tpu.memory_space<semaphore_mem>>
    %dma_start3A_350 = tpu.memref_squeeze %dma_start3A_349 : memref<1x!tpu.dma_semaphore, #tpu.memory_space<semaphore_mem>> -> memref<!tpu.dma_semaphore, #tpu.memory_space<semaphore_mem>>
    tpu.enqueue_indirect_dma source(%dma_start3A_348 : memref<1000000x32xf32, #tpu.memory_space<hbm>>) target(%dma_start3A_342 : memref<50x32xf32, #tpu.memory_space<vmem>>) offsets(%dma_start3A_345 : memref<50xi32, #tpu.memory_space<vmem>>) semaphore(%dma_start3A_350 : memref<!tpu.dma_semaphore, #tpu.memory_space<semaphore_mem>>)
    %dma_wait3A_351 = arith.constant 4 : i32
    %dma_wait3A_352 = arith.constant 4 : i32
    %dma_wait3A_353 = arith.constant 0 : i32
    %dma_wait3A_354 = arith.constant 0 : i32
    %dma_wait3A_355 = tpu.memref_slice %arg6[%dma_wait3A_351, %dma_wait3A_353, %dma_wait3A_354] : memref<8x50x32xf32, #tpu.memory_space<vmem>> -> memref<1x50x32xf32, #tpu.memory_space<vmem>>
    %dma_wait3A_356 = tpu.memref_squeeze %dma_wait3A_355 : memref<1x50x32xf32, #tpu.memory_space<vmem>> -> memref<50x32xf32, #tpu.memory_space<vmem>>
    %dma_wait3A_357 = arith.constant 0 : i32
    %dma_wait3A_358 = arith.constant 0 : i32
    %dma_wait3A_359 = tpu.memref_slice %arg3[%dma_wait3A_357, %dma_wait3A_358] : memref<1000000x32xf32, #tpu.memory_space<hbm>> -> memref<50x32xf32, #tpu.memory_space<hbm>>
    %dma_wait3A_360 = tpu.memref_slice %arg7[%dma_wait3A_352] : memref<8x!tpu.dma_semaphore, #tpu.memory_space<semaphore_mem>> -> memref<1x!tpu.dma_semaphore, #tpu.memory_space<semaphore_mem>>
    %dma_wait3A_361 = tpu.memref_squeeze %dma_wait3A_360 : memref<1x!tpu.dma_semaphore, #tpu.memory_space<semaphore_mem>> -> memref<!tpu.dma_semaphore, #tpu.memory_space<semaphore_mem>>
    %dma_wait3A_362 = arith.constant 0 : i32
    %dma_wait3A_363 = arith.constant 0 : i32
    %dma_wait3A_364 = tpu.memref_slice %arg6[%dma_wait3A_351, %dma_wait3A_362, %dma_wait3A_363] : memref<8x50x32xf32, #tpu.memory_space<vmem>> -> memref<1x50x32xf32, #tpu.memory_space<vmem>>
    %dma_wait3A_365 = tpu.memref_squeeze %dma_wait3A_364 : memref<1x50x32xf32, #tpu.memory_space<vmem>> -> memref<50x32xf32, #tpu.memory_space<vmem>>
    %dma_wait3A_366 = arith.constant 0 : i32
    %dma_wait3A_367 = arith.constant 0 : i32
    %dma_wait3A_368 = tpu.memref_slice %arg3[%dma_wait3A_366, %dma_wait3A_367] : memref<1000000x32xf32, #tpu.memory_space<hbm>> -> memref<50x32xf32, #tpu.memory_space<hbm>>
    tpu.wait_dma2 semaphore(%dma_wait3A_361 : memref<!tpu.dma_semaphore, #tpu.memory_space<semaphore_mem>>) src(%dma_wait3A_368 : memref<50x32xf32, #tpu.memory_space<hbm>>) dst(%dma_wait3A_365 : memref<50x32xf32, #tpu.memory_space<vmem>>)
    %add3A_369 = arith.constant 4 : i32
    %add3A_370 = arith.addi %mul3A_2, %add3A_369 : i32
    %dma_start3A_371 = arith.constant 4 : i32
    %dma_start3A_372 = arith.constant 4 : i32
    %dma_start3A_373 = arith.constant 0 : i32
    %dma_start3A_374 = arith.constant 0 : i32
    %dma_start3A_375 = tpu.memref_slice %arg6[%dma_start3A_371, %dma_start3A_373, %dma_start3A_374] : memref<8x50x32xf32, #tpu.memory_space<vmem>> -> memref<1x50x32xf32, #tpu.memory_space<vmem>>
    %dma_start3A_376 = tpu.memref_squeeze %dma_start3A_375 : memref<1x50x32xf32, #tpu.memory_space<vmem>> -> memref<50x32xf32, #tpu.memory_space<vmem>>
    %dma_start3A_377 = arith.constant 0 : i32
    %dma_start3A_378 = arith.constant 0 : i32
    %dma_start3A_379 = tpu.memref_slice %arg4[%add3A_370, %dma_start3A_377, %dma_start3A_378] : memref<4096x50x32xf32, #tpu.memory_space<hbm>> -> memref<1x50x32xf32, #tpu.memory_space<hbm>>
    %dma_start3A_380 = tpu.memref_squeeze %dma_start3A_379 : memref<1x50x32xf32, #tpu.memory_space<hbm>> -> memref<50x32xf32, #tpu.memory_space<hbm>>
    %dma_start3A_381 = tpu.memref_slice %arg8[%dma_start3A_372] : memref<8x!tpu.dma_semaphore, #tpu.memory_space<semaphore_mem>> -> memref<1x!tpu.dma_semaphore, #tpu.memory_space<semaphore_mem>>
    %dma_start3A_382 = tpu.memref_squeeze %dma_start3A_381 : memref<1x!tpu.dma_semaphore, #tpu.memory_space<semaphore_mem>> -> memref<!tpu.dma_semaphore, #tpu.memory_space<semaphore_mem>>
    %dma_start3A_383 = arith.constant 0 : i32
    %dma_start3A_384 = arith.constant 0 : i32
    %dma_start3A_385 = tpu.memref_slice %arg4[%add3A_370, %dma_start3A_383, %dma_start3A_384] : memref<4096x50x32xf32, #tpu.memory_space<hbm>> -> memref<1x50x32xf32, #tpu.memory_space<hbm>>
    %dma_start3A_386 = tpu.memref_squeeze %dma_start3A_385 : memref<1x50x32xf32, #tpu.memory_space<hbm>> -> memref<50x32xf32, #tpu.memory_space<hbm>>
    %dma_start3A_387 = arith.constant 0 : i32
    %dma_start3A_388 = arith.constant 0 : i32
    %dma_start3A_389 = tpu.memref_slice %arg6[%dma_start3A_371, %dma_start3A_387, %dma_start3A_388] : memref<8x50x32xf32, #tpu.memory_space<vmem>> -> memref<1x50x32xf32, #tpu.memory_space<vmem>>
    %dma_start3A_390 = tpu.memref_squeeze %dma_start3A_389 : memref<1x50x32xf32, #tpu.memory_space<vmem>> -> memref<50x32xf32, #tpu.memory_space<vmem>>
    tpu.enqueue_dma source(%dma_start3A_390 : memref<50x32xf32, #tpu.memory_space<vmem>>) target(%dma_start3A_386 : memref<50x32xf32, #tpu.memory_space<hbm>>) target_semaphore(%dma_start3A_382 : memref<!tpu.dma_semaphore, #tpu.memory_space<semaphore_mem>>)
    %dma_wait3A_391 = arith.constant 2 : i32
    %dma_wait3A_392 = arith.constant 2 : i32
    %dma_wait3A_393 = arith.constant 0 : i32
    %dma_wait3A_394 = arith.constant 0 : i32
    %dma_wait3A_395 = tpu.memref_slice %arg6[%dma_wait3A_391, %dma_wait3A_393, %dma_wait3A_394] : memref<8x50x32xf32, #tpu.memory_space<vmem>> -> memref<1x50x32xf32, #tpu.memory_space<vmem>>
    %dma_wait3A_396 = tpu.memref_squeeze %dma_wait3A_395 : memref<1x50x32xf32, #tpu.memory_space<vmem>> -> memref<50x32xf32, #tpu.memory_space<vmem>>
    %dma_wait3A_397 = arith.constant 0 : i32
    %dma_wait3A_398 = arith.constant 0 : i32
    %dma_wait3A_399 = tpu.memref_slice %arg4[%mul3A_2, %dma_wait3A_397, %dma_wait3A_398] : memref<4096x50x32xf32, #tpu.memory_space<hbm>> -> memref<1x50x32xf32, #tpu.memory_space<hbm>>
    %dma_wait3A_400 = tpu.memref_squeeze %dma_wait3A_399 : memref<1x50x32xf32, #tpu.memory_space<hbm>> -> memref<50x32xf32, #tpu.memory_space<hbm>>
    %dma_wait3A_401 = tpu.memref_slice %arg8[%dma_wait3A_392] : memref<8x!tpu.dma_semaphore, #tpu.memory_space<semaphore_mem>> -> memref<1x!tpu.dma_semaphore, #tpu.memory_space<semaphore_mem>>
    %dma_wait3A_402 = tpu.memref_squeeze %dma_wait3A_401 : memref<1x!tpu.dma_semaphore, #tpu.memory_space<semaphore_mem>> -> memref<!tpu.dma_semaphore, #tpu.memory_space<semaphore_mem>>
    %dma_wait3A_403 = arith.constant 0 : i32
    %dma_wait3A_404 = arith.constant 0 : i32
    %dma_wait3A_405 = tpu.memref_slice %arg4[%mul3A_2, %dma_wait3A_403, %dma_wait3A_404] : memref<4096x50x32xf32, #tpu.memory_space<hbm>> -> memref<1x50x32xf32, #tpu.memory_space<hbm>>
    %dma_wait3A_406 = tpu.memref_squeeze %dma_wait3A_405 : memref<1x50x32xf32, #tpu.memory_space<hbm>> -> memref<50x32xf32, #tpu.memory_space<hbm>>
    %dma_wait3A_407 = arith.constant 0 : i32
    %dma_wait3A_408 = arith.constant 0 : i32
    %dma_wait3A_409 = tpu.memref_slice %arg6[%dma_wait3A_391, %dma_wait3A_407, %dma_wait3A_408] : memref<8x50x32xf32, #tpu.memory_space<vmem>> -> memref<1x50x32xf32, #tpu.memory_space<vmem>>
    %dma_wait3A_410 = tpu.memref_squeeze %dma_wait3A_409 : memref<1x50x32xf32, #tpu.memory_space<vmem>> -> memref<50x32xf32, #tpu.memory_space<vmem>>
    tpu.wait_dma2 semaphore(%dma_wait3A_402 : memref<!tpu.dma_semaphore, #tpu.memory_space<semaphore_mem>>) src(%dma_wait3A_410 : memref<50x32xf32, #tpu.memory_space<vmem>>) dst(%dma_wait3A_406 : memref<50x32xf32, #tpu.memory_space<hbm>>)
    %dma_start3A_411 = arith.constant 10 : i32
    %dma_start3A_412 = arith.constant 2 : i32
    %dma_start3A_413 = arith.constant 2 : i32
    %dma_start3A_414 = arith.constant 0 : i32
    %dma_start3A_415 = arith.constant 0 : i32
    %dma_start3A_416 = tpu.memref_slice %arg6[%dma_start3A_412, %dma_start3A_414, %dma_start3A_415] : memref<8x50x32xf32, #tpu.memory_space<vmem>> -> memref<1x50x32xf32, #tpu.memory_space<vmem>>
    %dma_start3A_417 = tpu.memref_squeeze %dma_start3A_416 : memref<1x50x32xf32, #tpu.memory_space<vmem>> -> memref<50x32xf32, #tpu.memory_space<vmem>>
    %dma_start3A_418 = arith.constant 0 : i32
    %dma_start3A_419 = tpu.memref_slice %arg5[%dma_start3A_411, %dma_start3A_418] : memref<128x50xi32, #tpu.memory_space<vmem>> -> memref<1x50xi32, #tpu.memory_space<vmem>>
    %dma_start3A_420 = tpu.memref_squeeze %dma_start3A_419 : memref<1x50xi32, #tpu.memory_space<vmem>> -> memref<50xi32, #tpu.memory_space<vmem>>
    %dma_start3A_421 = arith.constant 0 : i32
    %dma_start3A_422 = arith.constant 0 : i32
    %dma_start3A_423 = tpu.memref_slice %arg3[%dma_start3A_421, %dma_start3A_422] : memref<1000000x32xf32, #tpu.memory_space<hbm>> -> memref<1000000x32xf32, #tpu.memory_space<hbm>>
    %dma_start3A_424 = tpu.memref_slice %arg7[%dma_start3A_413] : memref<8x!tpu.dma_semaphore, #tpu.memory_space<semaphore_mem>> -> memref<1x!tpu.dma_semaphore, #tpu.memory_space<semaphore_mem>>
    %dma_start3A_425 = tpu.memref_squeeze %dma_start3A_424 : memref<1x!tpu.dma_semaphore, #tpu.memory_space<semaphore_mem>> -> memref<!tpu.dma_semaphore, #tpu.memory_space<semaphore_mem>>
    tpu.enqueue_indirect_dma source(%dma_start3A_423 : memref<1000000x32xf32, #tpu.memory_space<hbm>>) target(%dma_start3A_417 : memref<50x32xf32, #tpu.memory_space<vmem>>) offsets(%dma_start3A_420 : memref<50xi32, #tpu.memory_space<vmem>>) semaphore(%dma_start3A_425 : memref<!tpu.dma_semaphore, #tpu.memory_space<semaphore_mem>>)
    %dma_wait3A_426 = arith.constant 5 : i32
    %dma_wait3A_427 = arith.constant 5 : i32
    %dma_wait3A_428 = arith.constant 0 : i32
    %dma_wait3A_429 = arith.constant 0 : i32
    %dma_wait3A_430 = tpu.memref_slice %arg6[%dma_wait3A_426, %dma_wait3A_428, %dma_wait3A_429] : memref<8x50x32xf32, #tpu.memory_space<vmem>> -> memref<1x50x32xf32, #tpu.memory_space<vmem>>
    %dma_wait3A_431 = tpu.memref_squeeze %dma_wait3A_430 : memref<1x50x32xf32, #tpu.memory_space<vmem>> -> memref<50x32xf32, #tpu.memory_space<vmem>>
    %dma_wait3A_432 = arith.constant 0 : i32
    %dma_wait3A_433 = arith.constant 0 : i32
    %dma_wait3A_434 = tpu.memref_slice %arg3[%dma_wait3A_432, %dma_wait3A_433] : memref<1000000x32xf32, #tpu.memory_space<hbm>> -> memref<50x32xf32, #tpu.memory_space<hbm>>
    %dma_wait3A_435 = tpu.memref_slice %arg7[%dma_wait3A_427] : memref<8x!tpu.dma_semaphore, #tpu.memory_space<semaphore_mem>> -> memref<1x!tpu.dma_semaphore, #tpu.memory_space<semaphore_mem>>
    %dma_wait3A_436 = tpu.memref_squeeze %dma_wait3A_435 : memref<1x!tpu.dma_semaphore, #tpu.memory_space<semaphore_mem>> -> memref<!tpu.dma_semaphore, #tpu.memory_space<semaphore_mem>>
    %dma_wait3A_437 = arith.constant 0 : i32
    %dma_wait3A_438 = arith.constant 0 : i32
    %dma_wait3A_439 = tpu.memref_slice %arg6[%dma_wait3A_426, %dma_wait3A_437, %dma_wait3A_438] : memref<8x50x32xf32, #tpu.memory_space<vmem>> -> memref<1x50x32xf32, #tpu.memory_space<vmem>>
    %dma_wait3A_440 = tpu.memref_squeeze %dma_wait3A_439 : memref<1x50x32xf32, #tpu.memory_space<vmem>> -> memref<50x32xf32, #tpu.memory_space<vmem>>
    %dma_wait3A_441 = arith.constant 0 : i32
    %dma_wait3A_442 = arith.constant 0 : i32
    %dma_wait3A_443 = tpu.memref_slice %arg3[%dma_wait3A_441, %dma_wait3A_442] : memref<1000000x32xf32, #tpu.memory_space<hbm>> -> memref<50x32xf32, #tpu.memory_space<hbm>>
    tpu.wait_dma2 semaphore(%dma_wait3A_436 : memref<!tpu.dma_semaphore, #tpu.memory_space<semaphore_mem>>) src(%dma_wait3A_443 : memref<50x32xf32, #tpu.memory_space<hbm>>) dst(%dma_wait3A_440 : memref<50x32xf32, #tpu.memory_space<vmem>>)
    %add3A_444 = arith.constant 5 : i32
    %add3A_445 = arith.addi %mul3A_2, %add3A_444 : i32
    %dma_start3A_446 = arith.constant 5 : i32
    %dma_start3A_447 = arith.constant 5 : i32
    %dma_start3A_448 = arith.constant 0 : i32
    %dma_start3A_449 = arith.constant 0 : i32
    %dma_start3A_450 = tpu.memref_slice %arg6[%dma_start3A_446, %dma_start3A_448, %dma_start3A_449] : memref<8x50x32xf32, #tpu.memory_space<vmem>> -> memref<1x50x32xf32, #tpu.memory_space<vmem>>
    %dma_start3A_451 = tpu.memref_squeeze %dma_start3A_450 : memref<1x50x32xf32, #tpu.memory_space<vmem>> -> memref<50x32xf32, #tpu.memory_space<vmem>>
    %dma_start3A_452 = arith.constant 0 : i32
    %dma_start3A_453 = arith.constant 0 : i32
    %dma_start3A_454 = tpu.memref_slice %arg4[%add3A_445, %dma_start3A_452, %dma_start3A_453] : memref<4096x50x32xf32, #tpu.memory_space<hbm>> -> memref<1x50x32xf32, #tpu.memory_space<hbm>>
    %dma_start3A_455 = tpu.memref_squeeze %dma_start3A_454 : memref<1x50x32xf32, #tpu.memory_space<hbm>> -> memref<50x32xf32, #tpu.memory_space<hbm>>
    %dma_start3A_456 = tpu.memref_slice %arg8[%dma_start3A_447] : memref<8x!tpu.dma_semaphore, #tpu.memory_space<semaphore_mem>> -> memref<1x!tpu.dma_semaphore, #tpu.memory_space<semaphore_mem>>
    %dma_start3A_457 = tpu.memref_squeeze %dma_start3A_456 : memref<1x!tpu.dma_semaphore, #tpu.memory_space<semaphore_mem>> -> memref<!tpu.dma_semaphore, #tpu.memory_space<semaphore_mem>>
    %dma_start3A_458 = arith.constant 0 : i32
    %dma_start3A_459 = arith.constant 0 : i32
    %dma_start3A_460 = tpu.memref_slice %arg4[%add3A_445, %dma_start3A_458, %dma_start3A_459] : memref<4096x50x32xf32, #tpu.memory_space<hbm>> -> memref<1x50x32xf32, #tpu.memory_space<hbm>>
    %dma_start3A_461 = tpu.memref_squeeze %dma_start3A_460 : memref<1x50x32xf32, #tpu.memory_space<hbm>> -> memref<50x32xf32, #tpu.memory_space<hbm>>
    %dma_start3A_462 = arith.constant 0 : i32
    %dma_start3A_463 = arith.constant 0 : i32
    %dma_start3A_464 = tpu.memref_slice %arg6[%dma_start3A_446, %dma_start3A_462, %dma_start3A_463] : memref<8x50x32xf32, #tpu.memory_space<vmem>> -> memref<1x50x32xf32, #tpu.memory_space<vmem>>
    %dma_start3A_465 = tpu.memref_squeeze %dma_start3A_464 : memref<1x50x32xf32, #tpu.memory_space<vmem>> -> memref<50x32xf32, #tpu.memory_space<vmem>>
    tpu.enqueue_dma source(%dma_start3A_465 : memref<50x32xf32, #tpu.memory_space<vmem>>) target(%dma_start3A_461 : memref<50x32xf32, #tpu.memory_space<hbm>>) target_semaphore(%dma_start3A_457 : memref<!tpu.dma_semaphore, #tpu.memory_space<semaphore_mem>>)
    %dma_wait3A_466 = arith.constant 3 : i32
    %dma_wait3A_467 = arith.constant 3 : i32
    %dma_wait3A_468 = arith.constant 0 : i32
    %dma_wait3A_469 = arith.constant 0 : i32
    %dma_wait3A_470 = tpu.memref_slice %arg6[%dma_wait3A_466, %dma_wait3A_468, %dma_wait3A_469] : memref<8x50x32xf32, #tpu.memory_space<vmem>> -> memref<1x50x32xf32, #tpu.memory_space<vmem>>
    %dma_wait3A_471 = tpu.memref_squeeze %dma_wait3A_470 : memref<1x50x32xf32, #tpu.memory_space<vmem>> -> memref<50x32xf32, #tpu.memory_space<vmem>>
    %dma_wait3A_472 = arith.constant 0 : i32
    %dma_wait3A_473 = arith.constant 0 : i32
    %dma_wait3A_474 = tpu.memref_slice %arg4[%mul3A_2, %dma_wait3A_472, %dma_wait3A_473] : memref<4096x50x32xf32, #tpu.memory_space<hbm>> -> memref<1x50x32xf32, #tpu.memory_space<hbm>>
    %dma_wait3A_475 = tpu.memref_squeeze %dma_wait3A_474 : memref<1x50x32xf32, #tpu.memory_space<hbm>> -> memref<50x32xf32, #tpu.memory_space<hbm>>
    %dma_wait3A_476 = tpu.memref_slice %arg8[%dma_wait3A_467] : memref<8x!tpu.dma_semaphore, #tpu.memory_space<semaphore_mem>> -> memref<1x!tpu.dma_semaphore, #tpu.memory_space<semaphore_mem>>
    %dma_wait3A_477 = tpu.memref_squeeze %dma_wait3A_476 : memref<1x!tpu.dma_semaphore, #tpu.memory_space<semaphore_mem>> -> memref<!tpu.dma_semaphore, #tpu.memory_space<semaphore_mem>>
    %dma_wait3A_478 = arith.constant 0 : i32
    %dma_wait3A_479 = arith.constant 0 : i32
    %dma_wait3A_480 = tpu.memref_slice %arg4[%mul3A_2, %dma_wait3A_478, %dma_wait3A_479] : memref<4096x50x32xf32, #tpu.memory_space<hbm>> -> memref<1x50x32xf32, #tpu.memory_space<hbm>>
    %dma_wait3A_481 = tpu.memref_squeeze %dma_wait3A_480 : memref<1x50x32xf32, #tpu.memory_space<hbm>> -> memref<50x32xf32, #tpu.memory_space<hbm>>
    %dma_wait3A_482 = arith.constant 0 : i32
    %dma_wait3A_483 = arith.constant 0 : i32
    %dma_wait3A_484 = tpu.memref_slice %arg6[%dma_wait3A_466, %dma_wait3A_482, %dma_wait3A_483] : memref<8x50x32xf32, #tpu.memory_space<vmem>> -> memref<1x50x32xf32, #tpu.memory_space<vmem>>
    %dma_wait3A_485 = tpu.memref_squeeze %dma_wait3A_484 : memref<1x50x32xf32, #tpu.memory_space<vmem>> -> memref<50x32xf32, #tpu.memory_space<vmem>>
    tpu.wait_dma2 semaphore(%dma_wait3A_477 : memref<!tpu.dma_semaphore, #tpu.memory_space<semaphore_mem>>) src(%dma_wait3A_485 : memref<50x32xf32, #tpu.memory_space<vmem>>) dst(%dma_wait3A_481 : memref<50x32xf32, #tpu.memory_space<hbm>>)
    %dma_start3A_486 = arith.constant 11 : i32
    %dma_start3A_487 = arith.constant 3 : i32
    %dma_start3A_488 = arith.constant 3 : i32
    %dma_start3A_489 = arith.constant 0 : i32
    %dma_start3A_490 = arith.constant 0 : i32
    %dma_start3A_491 = tpu.memref_slice %arg6[%dma_start3A_487, %dma_start3A_489, %dma_start3A_490] : memref<8x50x32xf32, #tpu.memory_space<vmem>> -> memref<1x50x32xf32, #tpu.memory_space<vmem>>
    %dma_start3A_492 = tpu.memref_squeeze %dma_start3A_491 : memref<1x50x32xf32, #tpu.memory_space<vmem>> -> memref<50x32xf32, #tpu.memory_space<vmem>>
    %dma_start3A_493 = arith.constant 0 : i32
    %dma_start3A_494 = tpu.memref_slice %arg5[%dma_start3A_486, %dma_start3A_493] : memref<128x50xi32, #tpu.memory_space<vmem>> -> memref<1x50xi32, #tpu.memory_space<vmem>>
    %dma_start3A_495 = tpu.memref_squeeze %dma_start3A_494 : memref<1x50xi32, #tpu.memory_space<vmem>> -> memref<50xi32, #tpu.memory_space<vmem>>
    %dma_start3A_496 = arith.constant 0 : i32
    %dma_start3A_497 = arith.constant 0 : i32
    %dma_start3A_498 = tpu.memref_slice %arg3[%dma_start3A_496, %dma_start3A_497] : memref<1000000x32xf32, #tpu.memory_space<hbm>> -> memref<1000000x32xf32, #tpu.memory_space<hbm>>
    %dma_start3A_499 = tpu.memref_slice %arg7[%dma_start3A_488] : memref<8x!tpu.dma_semaphore, #tpu.memory_space<semaphore_mem>> -> memref<1x!tpu.dma_semaphore, #tpu.memory_space<semaphore_mem>>
    %dma_start3A_500 = tpu.memref_squeeze %dma_start3A_499 : memref<1x!tpu.dma_semaphore, #tpu.memory_space<semaphore_mem>> -> memref<!tpu.dma_semaphore, #tpu.memory_space<semaphore_mem>>
    tpu.enqueue_indirect_dma source(%dma_start3A_498 : memref<1000000x32xf32, #tpu.memory_space<hbm>>) target(%dma_start3A_492 : memref<50x32xf32, #tpu.memory_space<vmem>>) offsets(%dma_start3A_495 : memref<50xi32, #tpu.memory_space<vmem>>) semaphore(%dma_start3A_500 : memref<!tpu.dma_semaphore, #tpu.memory_space<semaphore_mem>>)
    %dma_wait3A_501 = arith.constant 6 : i32
    %dma_wait3A_502 = arith.constant 6 : i32
    %dma_wait3A_503 = arith.constant 0 : i32
    %dma_wait3A_504 = arith.constant 0 : i32
    %dma_wait3A_505 = tpu.memref_slice %arg6[%dma_wait3A_501, %dma_wait3A_503, %dma_wait3A_504] : memref<8x50x32xf32, #tpu.memory_space<vmem>> -> memref<1x50x32xf32, #tpu.memory_space<vmem>>
    %dma_wait3A_506 = tpu.memref_squeeze %dma_wait3A_505 : memref<1x50x32xf32, #tpu.memory_space<vmem>> -> memref<50x32xf32, #tpu.memory_space<vmem>>
    %dma_wait3A_507 = arith.constant 0 : i32
    %dma_wait3A_508 = arith.constant 0 : i32
    %dma_wait3A_509 = tpu.memref_slice %arg3[%dma_wait3A_507, %dma_wait3A_508] : memref<1000000x32xf32, #tpu.memory_space<hbm>> -> memref<50x32xf32, #tpu.memory_space<hbm>>
    %dma_wait3A_510 = tpu.memref_slice %arg7[%dma_wait3A_502] : memref<8x!tpu.dma_semaphore, #tpu.memory_space<semaphore_mem>> -> memref<1x!tpu.dma_semaphore, #tpu.memory_space<semaphore_mem>>
    %dma_wait3A_511 = tpu.memref_squeeze %dma_wait3A_510 : memref<1x!tpu.dma_semaphore, #tpu.memory_space<semaphore_mem>> -> memref<!tpu.dma_semaphore, #tpu.memory_space<semaphore_mem>>
    %dma_wait3A_512 = arith.constant 0 : i32
    %dma_wait3A_513 = arith.constant 0 : i32
    %dma_wait3A_514 = tpu.memref_slice %arg6[%dma_wait3A_501, %dma_wait3A_512, %dma_wait3A_513] : memref<8x50x32xf32, #tpu.memory_space<vmem>> -> memref<1x50x32xf32, #tpu.memory_space<vmem>>
    %dma_wait3A_515 = tpu.memref_squeeze %dma_wait3A_514 : memref<1x50x32xf32, #tpu.memory_space<vmem>> -> memref<50x32xf32, #tpu.memory_space<vmem>>
    %dma_wait3A_516 = arith.constant 0 : i32
    %dma_wait3A_517 = arith.constant 0 : i32
    %dma_wait3A_518 = tpu.memref_slice %arg3[%dma_wait3A_516, %dma_wait3A_517] : memref<1000000x32xf32, #tpu.memory_space<hbm>> -> memref<50x32xf32, #tpu.memory_space<hbm>>
    tpu.wait_dma2 semaphore(%dma_wait3A_511 : memref<!tpu.dma_semaphore, #tpu.memory_space<semaphore_mem>>) src(%dma_wait3A_518 : memref<50x32xf32, #tpu.memory_space<hbm>>) dst(%dma_wait3A_515 : memref<50x32xf32, #tpu.memory_space<vmem>>)
    %add3A_519 = arith.constant 6 : i32
    %add3A_520 = arith.addi %mul3A_2, %add3A_519 : i32
    %dma_start3A_521 = arith.constant 6 : i32
    %dma_start3A_522 = arith.constant 6 : i32
    %dma_start3A_523 = arith.constant 0 : i32
    %dma_start3A_524 = arith.constant 0 : i32
    %dma_start3A_525 = tpu.memref_slice %arg6[%dma_start3A_521, %dma_start3A_523, %dma_start3A_524] : memref<8x50x32xf32, #tpu.memory_space<vmem>> -> memref<1x50x32xf32, #tpu.memory_space<vmem>>
    %dma_start3A_526 = tpu.memref_squeeze %dma_start3A_525 : memref<1x50x32xf32, #tpu.memory_space<vmem>> -> memref<50x32xf32, #tpu.memory_space<vmem>>
    %dma_start3A_527 = arith.constant 0 : i32
    %dma_start3A_528 = arith.constant 0 : i32
    %dma_start3A_529 = tpu.memref_slice %arg4[%add3A_520, %dma_start3A_527, %dma_start3A_528] : memref<4096x50x32xf32, #tpu.memory_space<hbm>> -> memref<1x50x32xf32, #tpu.memory_space<hbm>>
    %dma_start3A_530 = tpu.memref_squeeze %dma_start3A_529 : memref<1x50x32xf32, #tpu.memory_space<hbm>> -> memref<50x32xf32, #tpu.memory_space<hbm>>
    %dma_start3A_531 = tpu.memref_slice %arg8[%dma_start3A_522] : memref<8x!tpu.dma_semaphore, #tpu.memory_space<semaphore_mem>> -> memref<1x!tpu.dma_semaphore, #tpu.memory_space<semaphore_mem>>
    %dma_start3A_532 = tpu.memref_squeeze %dma_start3A_531 : memref<1x!tpu.dma_semaphore, #tpu.memory_space<semaphore_mem>> -> memref<!tpu.dma_semaphore, #tpu.memory_space<semaphore_mem>>
    %dma_start3A_533 = arith.constant 0 : i32
    %dma_start3A_534 = arith.constant 0 : i32
    %dma_start3A_535 = tpu.memref_slice %arg4[%add3A_520, %dma_start3A_533, %dma_start3A_534] : memref<4096x50x32xf32, #tpu.memory_space<hbm>> -> memref<1x50x32xf32, #tpu.memory_space<hbm>>
    %dma_start3A_536 = tpu.memref_squeeze %dma_start3A_535 : memref<1x50x32xf32, #tpu.memory_space<hbm>> -> memref<50x32xf32, #tpu.memory_space<hbm>>
    %dma_start3A_537 = arith.constant 0 : i32
    %dma_start3A_538 = arith.constant 0 : i32
    %dma_start3A_539 = tpu.memref_slice %arg6[%dma_start3A_521, %dma_start3A_537, %dma_start3A_538] : memref<8x50x32xf32, #tpu.memory_space<vmem>> -> memref<1x50x32xf32, #tpu.memory_space<vmem>>
    %dma_start3A_540 = tpu.memref_squeeze %dma_start3A_539 : memref<1x50x32xf32, #tpu.memory_space<vmem>> -> memref<50x32xf32, #tpu.memory_space<vmem>>
    tpu.enqueue_dma source(%dma_start3A_540 : memref<50x32xf32, #tpu.memory_space<vmem>>) target(%dma_start3A_536 : memref<50x32xf32, #tpu.memory_space<hbm>>) target_semaphore(%dma_start3A_532 : memref<!tpu.dma_semaphore, #tpu.memory_space<semaphore_mem>>)
    %dma_wait3A_541 = arith.constant 4 : i32
    %dma_wait3A_542 = arith.constant 4 : i32
    %dma_wait3A_543 = arith.constant 0 : i32
    %dma_wait3A_544 = arith.constant 0 : i32
    %dma_wait3A_545 = tpu.memref_slice %arg6[%dma_wait3A_541, %dma_wait3A_543, %dma_wait3A_544] : memref<8x50x32xf32, #tpu.memory_space<vmem>> -> memref<1x50x32xf32, #tpu.memory_space<vmem>>
    %dma_wait3A_546 = tpu.memref_squeeze %dma_wait3A_545 : memref<1x50x32xf32, #tpu.memory_space<vmem>> -> memref<50x32xf32, #tpu.memory_space<vmem>>
    %dma_wait3A_547 = arith.constant 0 : i32
    %dma_wait3A_548 = arith.constant 0 : i32
    %dma_wait3A_549 = tpu.memref_slice %arg4[%mul3A_2, %dma_wait3A_547, %dma_wait3A_548] : memref<4096x50x32xf32, #tpu.memory_space<hbm>> -> memref<1x50x32xf32, #tpu.memory_space<hbm>>
    %dma_wait3A_550 = tpu.memref_squeeze %dma_wait3A_549 : memref<1x50x32xf32, #tpu.memory_space<hbm>> -> memref<50x32xf32, #tpu.memory_space<hbm>>
    %dma_wait3A_551 = tpu.memref_slice %arg8[%dma_wait3A_542] : memref<8x!tpu.dma_semaphore, #tpu.memory_space<semaphore_mem>> -> memref<1x!tpu.dma_semaphore, #tpu.memory_space<semaphore_mem>>
    %dma_wait3A_552 = tpu.memref_squeeze %dma_wait3A_551 : memref<1x!tpu.dma_semaphore, #tpu.memory_space<semaphore_mem>> -> memref<!tpu.dma_semaphore, #tpu.memory_space<semaphore_mem>>
    %dma_wait3A_553 = arith.constant 0 : i32
    %dma_wait3A_554 = arith.constant 0 : i32
    %dma_wait3A_555 = tpu.memref_slice %arg4[%mul3A_2, %dma_wait3A_553, %dma_wait3A_554] : memref<4096x50x32xf32, #tpu.memory_space<hbm>> -> memref<1x50x32xf32, #tpu.memory_space<hbm>>
    %dma_wait3A_556 = tpu.memref_squeeze %dma_wait3A_555 : memref<1x50x32xf32, #tpu.memory_space<hbm>> -> memref<50x32xf32, #tpu.memory_space<hbm>>
    %dma_wait3A_557 = arith.constant 0 : i32
    %dma_wait3A_558 = arith.constant 0 : i32
    %dma_wait3A_559 = tpu.memref_slice %arg6[%dma_wait3A_541, %dma_wait3A_557, %dma_wait3A_558] : memref<8x50x32xf32, #tpu.memory_space<vmem>> -> memref<1x50x32xf32, #tpu.memory_space<vmem>>
    %dma_wait3A_560 = tpu.memref_squeeze %dma_wait3A_559 : memref<1x50x32xf32, #tpu.memory_space<vmem>> -> memref<50x32xf32, #tpu.memory_space<vmem>>
    tpu.wait_dma2 semaphore(%dma_wait3A_552 : memref<!tpu.dma_semaphore, #tpu.memory_space<semaphore_mem>>) src(%dma_wait3A_560 : memref<50x32xf32, #tpu.memory_space<vmem>>) dst(%dma_wait3A_556 : memref<50x32xf32, #tpu.memory_space<hbm>>)
    %dma_start3A_561 = arith.constant 12 : i32
    %dma_start3A_562 = arith.constant 4 : i32
    %dma_start3A_563 = arith.constant 4 : i32
    %dma_start3A_564 = arith.constant 0 : i32
    %dma_start3A_565 = arith.constant 0 : i32
    %dma_start3A_566 = tpu.memref_slice %arg6[%dma_start3A_562, %dma_start3A_564, %dma_start3A_565] : memref<8x50x32xf32, #tpu.memory_space<vmem>> -> memref<1x50x32xf32, #tpu.memory_space<vmem>>
    %dma_start3A_567 = tpu.memref_squeeze %dma_start3A_566 : memref<1x50x32xf32, #tpu.memory_space<vmem>> -> memref<50x32xf32, #tpu.memory_space<vmem>>
    %dma_start3A_568 = arith.constant 0 : i32
    %dma_start3A_569 = tpu.memref_slice %arg5[%dma_start3A_561, %dma_start3A_568] : memref<128x50xi32, #tpu.memory_space<vmem>> -> memref<1x50xi32, #tpu.memory_space<vmem>>
    %dma_start3A_570 = tpu.memref_squeeze %dma_start3A_569 : memref<1x50xi32, #tpu.memory_space<vmem>> -> memref<50xi32, #tpu.memory_space<vmem>>
    %dma_start3A_571 = arith.constant 0 : i32
    %dma_start3A_572 = arith.constant 0 : i32
    %dma_start3A_573 = tpu.memref_slice %arg3[%dma_start3A_571, %dma_start3A_572] : memref<1000000x32xf32, #tpu.memory_space<hbm>> -> memref<1000000x32xf32, #tpu.memory_space<hbm>>
    %dma_start3A_574 = tpu.memref_slice %arg7[%dma_start3A_563] : memref<8x!tpu.dma_semaphore, #tpu.memory_space<semaphore_mem>> -> memref<1x!tpu.dma_semaphore, #tpu.memory_space<semaphore_mem>>
    %dma_start3A_575 = tpu.memref_squeeze %dma_start3A_574 : memref<1x!tpu.dma_semaphore, #tpu.memory_space<semaphore_mem>> -> memref<!tpu.dma_semaphore, #tpu.memory_space<semaphore_mem>>
    tpu.enqueue_indirect_dma source(%dma_start3A_573 : memref<1000000x32xf32, #tpu.memory_space<hbm>>) target(%dma_start3A_567 : memref<50x32xf32, #tpu.memory_space<vmem>>) offsets(%dma_start3A_570 : memref<50xi32, #tpu.memory_space<vmem>>) semaphore(%dma_start3A_575 : memref<!tpu.dma_semaphore, #tpu.memory_space<semaphore_mem>>)
    %dma_wait3A_576 = arith.constant 7 : i32
    %dma_wait3A_577 = arith.constant 7 : i32
    %dma_wait3A_578 = arith.constant 0 : i32
    %dma_wait3A_579 = arith.constant 0 : i32
    %dma_wait3A_580 = tpu.memref_slice %arg6[%dma_wait3A_576, %dma_wait3A_578, %dma_wait3A_579] : memref<8x50x32xf32, #tpu.memory_space<vmem>> -> memref<1x50x32xf32, #tpu.memory_space<vmem>>
    %dma_wait3A_581 = tpu.memref_squeeze %dma_wait3A_580 : memref<1x50x32xf32, #tpu.memory_space<vmem>> -> memref<50x32xf32, #tpu.memory_space<vmem>>
    %dma_wait3A_582 = arith.constant 0 : i32
    %dma_wait3A_583 = arith.constant 0 : i32
    %dma_wait3A_584 = tpu.memref_slice %arg3[%dma_wait3A_582, %dma_wait3A_583] : memref<1000000x32xf32, #tpu.memory_space<hbm>> -> memref<50x32xf32, #tpu.memory_space<hbm>>
    %dma_wait3A_585 = tpu.memref_slice %arg7[%dma_wait3A_577] : memref<8x!tpu.dma_semaphore, #tpu.memory_space<semaphore_mem>> -> memref<1x!tpu.dma_semaphore, #tpu.memory_space<semaphore_mem>>
    %dma_wait3A_586 = tpu.memref_squeeze %dma_wait3A_585 : memref<1x!tpu.dma_semaphore, #tpu.memory_space<semaphore_mem>> -> memref<!tpu.dma_semaphore, #tpu.memory_space<semaphore_mem>>
    %dma_wait3A_587 = arith.constant 0 : i32
    %dma_wait3A_588 = arith.constant 0 : i32
    %dma_wait3A_589 = tpu.memref_slice %arg6[%dma_wait3A_576, %dma_wait3A_587, %dma_wait3A_588] : memref<8x50x32xf32, #tpu.memory_space<vmem>> -> memref<1x50x32xf32, #tpu.memory_space<vmem>>
    %dma_wait3A_590 = tpu.memref_squeeze %dma_wait3A_589 : memref<1x50x32xf32, #tpu.memory_space<vmem>> -> memref<50x32xf32, #tpu.memory_space<vmem>>
    %dma_wait3A_591 = arith.constant 0 : i32
    %dma_wait3A_592 = arith.constant 0 : i32
    %dma_wait3A_593 = tpu.memref_slice %arg3[%dma_wait3A_591, %dma_wait3A_592] : memref<1000000x32xf32, #tpu.memory_space<hbm>> -> memref<50x32xf32, #tpu.memory_space<hbm>>
    tpu.wait_dma2 semaphore(%dma_wait3A_586 : memref<!tpu.dma_semaphore, #tpu.memory_space<semaphore_mem>>) src(%dma_wait3A_593 : memref<50x32xf32, #tpu.memory_space<hbm>>) dst(%dma_wait3A_590 : memref<50x32xf32, #tpu.memory_space<vmem>>)
    %add3A_594 = arith.constant 7 : i32
    %add3A_595 = arith.addi %mul3A_2, %add3A_594 : i32
    %dma_start3A_596 = arith.constant 7 : i32
    %dma_start3A_597 = arith.constant 7 : i32
    %dma_start3A_598 = arith.constant 0 : i32
    %dma_start3A_599 = arith.constant 0 : i32
    %dma_start3A_600 = tpu.memref_slice %arg6[%dma_start3A_596, %dma_start3A_598, %dma_start3A_599] : memref<8x50x32xf32, #tpu.memory_space<vmem>> -> memref<1x50x32xf32, #tpu.memory_space<vmem>>
    %dma_start3A_601 = tpu.memref_squeeze %dma_start3A_600 : memref<1x50x32xf32, #tpu.memory_space<vmem>> -> memref<50x32xf32, #tpu.memory_space<vmem>>
    %dma_start3A_602 = arith.constant 0 : i32
    %dma_start3A_603 = arith.constant 0 : i32
    %dma_start3A_604 = tpu.memref_slice %arg4[%add3A_595, %dma_start3A_602, %dma_start3A_603] : memref<4096x50x32xf32, #tpu.memory_space<hbm>> -> memref<1x50x32xf32, #tpu.memory_space<hbm>>
    %dma_start3A_605 = tpu.memref_squeeze %dma_start3A_604 : memref<1x50x32xf32, #tpu.memory_space<hbm>> -> memref<50x32xf32, #tpu.memory_space<hbm>>
    %dma_start3A_606 = tpu.memref_slice %arg8[%dma_start3A_597] : memref<8x!tpu.dma_semaphore, #tpu.memory_space<semaphore_mem>> -> memref<1x!tpu.dma_semaphore, #tpu.memory_space<semaphore_mem>>
    %dma_start3A_607 = tpu.memref_squeeze %dma_start3A_606 : memref<1x!tpu.dma_semaphore, #tpu.memory_space<semaphore_mem>> -> memref<!tpu.dma_semaphore, #tpu.memory_space<semaphore_mem>>
    %dma_start3A_608 = arith.constant 0 : i32
    %dma_start3A_609 = arith.constant 0 : i32
    %dma_start3A_610 = tpu.memref_slice %arg4[%add3A_595, %dma_start3A_608, %dma_start3A_609] : memref<4096x50x32xf32, #tpu.memory_space<hbm>> -> memref<1x50x32xf32, #tpu.memory_space<hbm>>
    %dma_start3A_611 = tpu.memref_squeeze %dma_start3A_610 : memref<1x50x32xf32, #tpu.memory_space<hbm>> -> memref<50x32xf32, #tpu.memory_space<hbm>>
    %dma_start3A_612 = arith.constant 0 : i32
    %dma_start3A_613 = arith.constant 0 : i32
    %dma_start3A_614 = tpu.memref_slice %arg6[%dma_start3A_596, %dma_start3A_612, %dma_start3A_613] : memref<8x50x32xf32, #tpu.memory_space<vmem>> -> memref<1x50x32xf32, #tpu.memory_space<vmem>>
    %dma_start3A_615 = tpu.memref_squeeze %dma_start3A_614 : memref<1x50x32xf32, #tpu.memory_space<vmem>> -> memref<50x32xf32, #tpu.memory_space<vmem>>
    tpu.enqueue_dma source(%dma_start3A_615 : memref<50x32xf32, #tpu.memory_space<vmem>>) target(%dma_start3A_611 : memref<50x32xf32, #tpu.memory_space<hbm>>) target_semaphore(%dma_start3A_607 : memref<!tpu.dma_semaphore, #tpu.memory_space<semaphore_mem>>)
    %dma_wait3A_616 = arith.constant 5 : i32
    %dma_wait3A_617 = arith.constant 5 : i32
    %dma_wait3A_618 = arith.constant 0 : i32
    %dma_wait3A_619 = arith.constant 0 : i32
    %dma_wait3A_620 = tpu.memref_slice %arg6[%dma_wait3A_616, %dma_wait3A_618, %dma_wait3A_619] : memref<8x50x32xf32, #tpu.memory_space<vmem>> -> memref<1x50x32xf32, #tpu.memory_space<vmem>>
    %dma_wait3A_621 = tpu.memref_squeeze %dma_wait3A_620 : memref<1x50x32xf32, #tpu.memory_space<vmem>> -> memref<50x32xf32, #tpu.memory_space<vmem>>
    %dma_wait3A_622 = arith.constant 0 : i32
    %dma_wait3A_623 = arith.constant 0 : i32
    %dma_wait3A_624 = tpu.memref_slice %arg4[%mul3A_2, %dma_wait3A_622, %dma_wait3A_623] : memref<4096x50x32xf32, #tpu.memory_space<hbm>> -> memref<1x50x32xf32, #tpu.memory_space<hbm>>
    %dma_wait3A_625 = tpu.memref_squeeze %dma_wait3A_624 : memref<1x50x32xf32, #tpu.memory_space<hbm>> -> memref<50x32xf32, #tpu.memory_space<hbm>>
    %dma_wait3A_626 = tpu.memref_slice %arg8[%dma_wait3A_617] : memref<8x!tpu.dma_semaphore, #tpu.memory_space<semaphore_mem>> -> memref<1x!tpu.dma_semaphore, #tpu.memory_space<semaphore_mem>>
    %dma_wait3A_627 = tpu.memref_squeeze %dma_wait3A_626 : memref<1x!tpu.dma_semaphore, #tpu.memory_space<semaphore_mem>> -> memref<!tpu.dma_semaphore, #tpu.memory_space<semaphore_mem>>
    %dma_wait3A_628 = arith.constant 0 : i32
    %dma_wait3A_629 = arith.constant 0 : i32
    %dma_wait3A_630 = tpu.memref_slice %arg4[%mul3A_2, %dma_wait3A_628, %dma_wait3A_629] : memref<4096x50x32xf32, #tpu.memory_space<hbm>> -> memref<1x50x32xf32, #tpu.memory_space<hbm>>
    %dma_wait3A_631 = tpu.memref_squeeze %dma_wait3A_630 : memref<1x50x32xf32, #tpu.memory_space<hbm>> -> memref<50x32xf32, #tpu.memory_space<hbm>>
    %dma_wait3A_632 = arith.constant 0 : i32
    %dma_wait3A_633 = arith.constant 0 : i32
    %dma_wait3A_634 = tpu.memref_slice %arg6[%dma_wait3A_616, %dma_wait3A_632, %dma_wait3A_633] : memref<8x50x32xf32, #tpu.memory_space<vmem>> -> memref<1x50x32xf32, #tpu.memory_space<vmem>>
    %dma_wait3A_635 = tpu.memref_squeeze %dma_wait3A_634 : memref<1x50x32xf32, #tpu.memory_space<vmem>> -> memref<50x32xf32, #tpu.memory_space<vmem>>
    tpu.wait_dma2 semaphore(%dma_wait3A_627 : memref<!tpu.dma_semaphore, #tpu.memory_space<semaphore_mem>>) src(%dma_wait3A_635 : memref<50x32xf32, #tpu.memory_space<vmem>>) dst(%dma_wait3A_631 : memref<50x32xf32, #tpu.memory_space<hbm>>)
    %dma_start3A_636 = arith.constant 13 : i32
    %dma_start3A_637 = arith.constant 5 : i32
    %dma_start3A_638 = arith.constant 5 : i32
    %dma_start3A_639 = arith.constant 0 : i32
    %dma_start3A_640 = arith.constant 0 : i32
    %dma_start3A_641 = tpu.memref_slice %arg6[%dma_start3A_637, %dma_start3A_639, %dma_start3A_640] : memref<8x50x32xf32, #tpu.memory_space<vmem>> -> memref<1x50x32xf32, #tpu.memory_space<vmem>>
    %dma_start3A_642 = tpu.memref_squeeze %dma_start3A_641 : memref<1x50x32xf32, #tpu.memory_space<vmem>> -> memref<50x32xf32, #tpu.memory_space<vmem>>
    %dma_start3A_643 = arith.constant 0 : i32
    %dma_start3A_644 = tpu.memref_slice %arg5[%dma_start3A_636, %dma_start3A_643] : memref<128x50xi32, #tpu.memory_space<vmem>> -> memref<1x50xi32, #tpu.memory_space<vmem>>
    %dma_start3A_645 = tpu.memref_squeeze %dma_start3A_644 : memref<1x50xi32, #tpu.memory_space<vmem>> -> memref<50xi32, #tpu.memory_space<vmem>>
    %dma_start3A_646 = arith.constant 0 : i32
    %dma_start3A_647 = arith.constant 0 : i32
    %dma_start3A_648 = tpu.memref_slice %arg3[%dma_start3A_646, %dma_start3A_647] : memref<1000000x32xf32, #tpu.memory_space<hbm>> -> memref<1000000x32xf32, #tpu.memory_space<hbm>>
    %dma_start3A_649 = tpu.memref_slice %arg7[%dma_start3A_638] : memref<8x!tpu.dma_semaphore, #tpu.memory_space<semaphore_mem>> -> memref<1x!tpu.dma_semaphore, #tpu.memory_space<semaphore_mem>>
    %dma_start3A_650 = tpu.memref_squeeze %dma_start3A_649 : memref<1x!tpu.dma_semaphore, #tpu.memory_space<semaphore_mem>> -> memref<!tpu.dma_semaphore, #tpu.memory_space<semaphore_mem>>
    tpu.enqueue_indirect_dma source(%dma_start3A_648 : memref<1000000x32xf32, #tpu.memory_space<hbm>>) target(%dma_start3A_642 : memref<50x32xf32, #tpu.memory_space<vmem>>) offsets(%dma_start3A_645 : memref<50xi32, #tpu.memory_space<vmem>>) semaphore(%dma_start3A_650 : memref<!tpu.dma_semaphore, #tpu.memory_space<semaphore_mem>>)
    %scan3A = arith.constant 0 : i32
    %scan3A_651 = arith.constant 1 : i32
    %scan3A_652 = arith.constant 14 : i32
    %scan3A_653 = arith.addi %scan3A_651, %scan3A_652 : i32
    %scan3A_654 = arith.constant 1 : i32
    scf.for %scan3A_1206 = %scan3A_651 to %scan3A_653 step %scan3A_654  : i32 {
      %mul3A_1207 = arith.constant 8 : i32
      %mul3A_1208 = arith.muli %scan3A_1206, %mul3A_1207 : i32
      %add3A_1209 = arith.constant 0 : i32
      %add3A_1210 = arith.addi %mul3A_1208, %add3A_1209 : i32
      %dma_wait3A_1211 = arith.constant 0 : i32
      %dma_wait3A_1212 = arith.constant 0 : i32
      %dma_wait3A_1213 = arith.constant 0 : i32
      %dma_wait3A_1214 = arith.constant 0 : i32
      %dma_wait3A_1215 = tpu.memref_slice %arg6[%dma_wait3A_1211, %dma_wait3A_1213, %dma_wait3A_1214] : memref<8x50x32xf32, #tpu.memory_space<vmem>> -> memref<1x50x32xf32, #tpu.memory_space<vmem>>
      %dma_wait3A_1216 = tpu.memref_squeeze %dma_wait3A_1215 : memref<1x50x32xf32, #tpu.memory_space<vmem>> -> memref<50x32xf32, #tpu.memory_space<vmem>>
      %dma_wait3A_1217 = arith.constant 0 : i32
      %dma_wait3A_1218 = arith.constant 0 : i32
      %dma_wait3A_1219 = tpu.memref_slice %arg3[%dma_wait3A_1217, %dma_wait3A_1218] : memref<1000000x32xf32, #tpu.memory_space<hbm>> -> memref<50x32xf32, #tpu.memory_space<hbm>>
      %dma_wait3A_1220 = tpu.memref_slice %arg7[%dma_wait3A_1212] : memref<8x!tpu.dma_semaphore, #tpu.memory_space<semaphore_mem>> -> memref<1x!tpu.dma_semaphore, #tpu.memory_space<semaphore_mem>>
      %dma_wait3A_1221 = tpu.memref_squeeze %dma_wait3A_1220 : memref<1x!tpu.dma_semaphore, #tpu.memory_space<semaphore_mem>> -> memref<!tpu.dma_semaphore, #tpu.memory_space<semaphore_mem>>
      %dma_wait3A_1222 = arith.constant 0 : i32
      %dma_wait3A_1223 = arith.constant 0 : i32
      %dma_wait3A_1224 = tpu.memref_slice %arg6[%dma_wait3A_1211, %dma_wait3A_1222, %dma_wait3A_1223] : memref<8x50x32xf32, #tpu.memory_space<vmem>> -> memref<1x50x32xf32, #tpu.memory_space<vmem>>
      %dma_wait3A_1225 = tpu.memref_squeeze %dma_wait3A_1224 : memref<1x50x32xf32, #tpu.memory_space<vmem>> -> memref<50x32xf32, #tpu.memory_space<vmem>>
      %dma_wait3A_1226 = arith.constant 0 : i32
      %dma_wait3A_1227 = arith.constant 0 : i32
      %dma_wait3A_1228 = tpu.memref_slice %arg3[%dma_wait3A_1226, %dma_wait3A_1227] : memref<1000000x32xf32, #tpu.memory_space<hbm>> -> memref<50x32xf32, #tpu.memory_space<hbm>>
      tpu.wait_dma2 semaphore(%dma_wait3A_1221 : memref<!tpu.dma_semaphore, #tpu.memory_space<semaphore_mem>>) src(%dma_wait3A_1228 : memref<50x32xf32, #tpu.memory_space<hbm>>) dst(%dma_wait3A_1225 : memref<50x32xf32, #tpu.memory_space<vmem>>)
      %add3A_1229 = arith.addi %mul3A_2, %add3A_1210 : i32
      %dma_start3A_1230 = arith.constant 0 : i32
      %dma_start3A_1231 = arith.constant 0 : i32
      %dma_start3A_1232 = arith.constant 0 : i32
      %dma_start3A_1233 = arith.constant 0 : i32
      %dma_start3A_1234 = tpu.memref_slice %arg6[%dma_start3A_1230, %dma_start3A_1232, %dma_start3A_1233] : memref<8x50x32xf32, #tpu.memory_space<vmem>> -> memref<1x50x32xf32, #tpu.memory_space<vmem>>
      %dma_start3A_1235 = tpu.memref_squeeze %dma_start3A_1234 : memref<1x50x32xf32, #tpu.memory_space<vmem>> -> memref<50x32xf32, #tpu.memory_space<vmem>>
      %dma_start3A_1236 = arith.constant 0 : i32
      %dma_start3A_1237 = arith.constant 0 : i32
      %dma_start3A_1238 = tpu.memref_slice %arg4[%add3A_1229, %dma_start3A_1236, %dma_start3A_1237] : memref<4096x50x32xf32, #tpu.memory_space<hbm>> -> memref<1x50x32xf32, #tpu.memory_space<hbm>>
      %dma_start3A_1239 = tpu.memref_squeeze %dma_start3A_1238 : memref<1x50x32xf32, #tpu.memory_space<hbm>> -> memref<50x32xf32, #tpu.memory_space<hbm>>
      %dma_start3A_1240 = tpu.memref_slice %arg8[%dma_start3A_1231] : memref<8x!tpu.dma_semaphore, #tpu.memory_space<semaphore_mem>> -> memref<1x!tpu.dma_semaphore, #tpu.memory_space<semaphore_mem>>
      %dma_start3A_1241 = tpu.memref_squeeze %dma_start3A_1240 : memref<1x!tpu.dma_semaphore, #tpu.memory_space<semaphore_mem>> -> memref<!tpu.dma_semaphore, #tpu.memory_space<semaphore_mem>>
      %dma_start3A_1242 = arith.constant 0 : i32
      %dma_start3A_1243 = arith.constant 0 : i32
      %dma_start3A_1244 = tpu.memref_slice %arg4[%add3A_1229, %dma_start3A_1242, %dma_start3A_1243] : memref<4096x50x32xf32, #tpu.memory_space<hbm>> -> memref<1x50x32xf32, #tpu.memory_space<hbm>>
      %dma_start3A_1245 = tpu.memref_squeeze %dma_start3A_1244 : memref<1x50x32xf32, #tpu.memory_space<hbm>> -> memref<50x32xf32, #tpu.memory_space<hbm>>
      %dma_start3A_1246 = arith.constant 0 : i32
      %dma_start3A_1247 = arith.constant 0 : i32
      %dma_start3A_1248 = tpu.memref_slice %arg6[%dma_start3A_1230, %dma_start3A_1246, %dma_start3A_1247] : memref<8x50x32xf32, #tpu.memory_space<vmem>> -> memref<1x50x32xf32, #tpu.memory_space<vmem>>
      %dma_start3A_1249 = tpu.memref_squeeze %dma_start3A_1248 : memref<1x50x32xf32, #tpu.memory_space<vmem>> -> memref<50x32xf32, #tpu.memory_space<vmem>>
      tpu.enqueue_dma source(%dma_start3A_1249 : memref<50x32xf32, #tpu.memory_space<vmem>>) target(%dma_start3A_1245 : memref<50x32xf32, #tpu.memory_space<hbm>>) target_semaphore(%dma_start3A_1241 : memref<!tpu.dma_semaphore, #tpu.memory_space<semaphore_mem>>)
      %dma_wait3A_1250 = arith.constant 6 : i32
      %dma_wait3A_1251 = arith.constant 6 : i32
      %dma_wait3A_1252 = arith.constant 0 : i32
      %dma_wait3A_1253 = arith.constant 0 : i32
      %dma_wait3A_1254 = tpu.memref_slice %arg6[%dma_wait3A_1250, %dma_wait3A_1252, %dma_wait3A_1253] : memref<8x50x32xf32, #tpu.memory_space<vmem>> -> memref<1x50x32xf32, #tpu.memory_space<vmem>>
      %dma_wait3A_1255 = tpu.memref_squeeze %dma_wait3A_1254 : memref<1x50x32xf32, #tpu.memory_space<vmem>> -> memref<50x32xf32, #tpu.memory_space<vmem>>
      %dma_wait3A_1256 = arith.constant 0 : i32
      %dma_wait3A_1257 = arith.constant 0 : i32
      %dma_wait3A_1258 = tpu.memref_slice %arg4[%mul3A_2, %dma_wait3A_1256, %dma_wait3A_1257] : memref<4096x50x32xf32, #tpu.memory_space<hbm>> -> memref<1x50x32xf32, #tpu.memory_space<hbm>>
      %dma_wait3A_1259 = tpu.memref_squeeze %dma_wait3A_1258 : memref<1x50x32xf32, #tpu.memory_space<hbm>> -> memref<50x32xf32, #tpu.memory_space<hbm>>
      %dma_wait3A_1260 = tpu.memref_slice %arg8[%dma_wait3A_1251] : memref<8x!tpu.dma_semaphore, #tpu.memory_space<semaphore_mem>> -> memref<1x!tpu.dma_semaphore, #tpu.memory_space<semaphore_mem>>
      %dma_wait3A_1261 = tpu.memref_squeeze %dma_wait3A_1260 : memref<1x!tpu.dma_semaphore, #tpu.memory_space<semaphore_mem>> -> memref<!tpu.dma_semaphore, #tpu.memory_space<semaphore_mem>>
      %dma_wait3A_1262 = arith.constant 0 : i32
      %dma_wait3A_1263 = arith.constant 0 : i32
      %dma_wait3A_1264 = tpu.memref_slice %arg4[%mul3A_2, %dma_wait3A_1262, %dma_wait3A_1263] : memref<4096x50x32xf32, #tpu.memory_space<hbm>> -> memref<1x50x32xf32, #tpu.memory_space<hbm>>
      %dma_wait3A_1265 = tpu.memref_squeeze %dma_wait3A_1264 : memref<1x50x32xf32, #tpu.memory_space<hbm>> -> memref<50x32xf32, #tpu.memory_space<hbm>>
      %dma_wait3A_1266 = arith.constant 0 : i32
      %dma_wait3A_1267 = arith.constant 0 : i32
      %dma_wait3A_1268 = tpu.memref_slice %arg6[%dma_wait3A_1250, %dma_wait3A_1266, %dma_wait3A_1267] : memref<8x50x32xf32, #tpu.memory_space<vmem>> -> memref<1x50x32xf32, #tpu.memory_space<vmem>>
      %dma_wait3A_1269 = tpu.memref_squeeze %dma_wait3A_1268 : memref<1x50x32xf32, #tpu.memory_space<vmem>> -> memref<50x32xf32, #tpu.memory_space<vmem>>
      tpu.wait_dma2 semaphore(%dma_wait3A_1261 : memref<!tpu.dma_semaphore, #tpu.memory_space<semaphore_mem>>) src(%dma_wait3A_1269 : memref<50x32xf32, #tpu.memory_space<vmem>>) dst(%dma_wait3A_1265 : memref<50x32xf32, #tpu.memory_space<hbm>>)
      %add3A_1270 = arith.constant 6 : i32
      %add3A_1271 = arith.addi %add3A_1210, %add3A_1270 : i32
      %dma_start3A_1272 = arith.constant 6 : i32
      %dma_start3A_1273 = arith.constant 6 : i32
      %dma_start3A_1274 = arith.constant 0 : i32
      %dma_start3A_1275 = arith.constant 0 : i32
      %dma_start3A_1276 = tpu.memref_slice %arg6[%dma_start3A_1272, %dma_start3A_1274, %dma_start3A_1275] : memref<8x50x32xf32, #tpu.memory_space<vmem>> -> memref<1x50x32xf32, #tpu.memory_space<vmem>>
      %dma_start3A_1277 = tpu.memref_squeeze %dma_start3A_1276 : memref<1x50x32xf32, #tpu.memory_space<vmem>> -> memref<50x32xf32, #tpu.memory_space<vmem>>
      %dma_start3A_1278 = arith.constant 0 : i32
      %dma_start3A_1279 = tpu.memref_slice %arg5[%add3A_1271, %dma_start3A_1278] : memref<128x50xi32, #tpu.memory_space<vmem>> -> memref<1x50xi32, #tpu.memory_space<vmem>>
      %dma_start3A_1280 = tpu.memref_squeeze %dma_start3A_1279 : memref<1x50xi32, #tpu.memory_space<vmem>> -> memref<50xi32, #tpu.memory_space<vmem>>
      %dma_start3A_1281 = arith.constant 0 : i32
      %dma_start3A_1282 = arith.constant 0 : i32
      %dma_start3A_1283 = tpu.memref_slice %arg3[%dma_start3A_1281, %dma_start3A_1282] : memref<1000000x32xf32, #tpu.memory_space<hbm>> -> memref<1000000x32xf32, #tpu.memory_space<hbm>>
      %dma_start3A_1284 = tpu.memref_slice %arg7[%dma_start3A_1273] : memref<8x!tpu.dma_semaphore, #tpu.memory_space<semaphore_mem>> -> memref<1x!tpu.dma_semaphore, #tpu.memory_space<semaphore_mem>>
      %dma_start3A_1285 = tpu.memref_squeeze %dma_start3A_1284 : memref<1x!tpu.dma_semaphore, #tpu.memory_space<semaphore_mem>> -> memref<!tpu.dma_semaphore, #tpu.memory_space<semaphore_mem>>
      tpu.enqueue_indirect_dma source(%dma_start3A_1283 : memref<1000000x32xf32, #tpu.memory_space<hbm>>) target(%dma_start3A_1277 : memref<50x32xf32, #tpu.memory_space<vmem>>) offsets(%dma_start3A_1280 : memref<50xi32, #tpu.memory_space<vmem>>) semaphore(%dma_start3A_1285 : memref<!tpu.dma_semaphore, #tpu.memory_space<semaphore_mem>>)
      %mul3A_1286 = arith.constant 8 : i32
      %mul3A_1287 = arith.muli %scan3A_1206, %mul3A_1286 : i32
      %add3A_1288 = arith.constant 1 : i32
      %add3A_1289 = arith.addi %mul3A_1287, %add3A_1288 : i32
      %dma_wait3A_1290 = arith.constant 1 : i32
      %dma_wait3A_1291 = arith.constant 1 : i32
      %dma_wait3A_1292 = arith.constant 0 : i32
      %dma_wait3A_1293 = arith.constant 0 : i32
      %dma_wait3A_1294 = tpu.memref_slice %arg6[%dma_wait3A_1290, %dma_wait3A_1292, %dma_wait3A_1293] : memref<8x50x32xf32, #tpu.memory_space<vmem>> -> memref<1x50x32xf32, #tpu.memory_space<vmem>>
      %dma_wait3A_1295 = tpu.memref_squeeze %dma_wait3A_1294 : memref<1x50x32xf32, #tpu.memory_space<vmem>> -> memref<50x32xf32, #tpu.memory_space<vmem>>
      %dma_wait3A_1296 = arith.constant 0 : i32
      %dma_wait3A_1297 = arith.constant 0 : i32
      %dma_wait3A_1298 = tpu.memref_slice %arg3[%dma_wait3A_1296, %dma_wait3A_1297] : memref<1000000x32xf32, #tpu.memory_space<hbm>> -> memref<50x32xf32, #tpu.memory_space<hbm>>
      %dma_wait3A_1299 = tpu.memref_slice %arg7[%dma_wait3A_1291] : memref<8x!tpu.dma_semaphore, #tpu.memory_space<semaphore_mem>> -> memref<1x!tpu.dma_semaphore, #tpu.memory_space<semaphore_mem>>
      %dma_wait3A_1300 = tpu.memref_squeeze %dma_wait3A_1299 : memref<1x!tpu.dma_semaphore, #tpu.memory_space<semaphore_mem>> -> memref<!tpu.dma_semaphore, #tpu.memory_space<semaphore_mem>>
      %dma_wait3A_1301 = arith.constant 0 : i32
      %dma_wait3A_1302 = arith.constant 0 : i32
      %dma_wait3A_1303 = tpu.memref_slice %arg6[%dma_wait3A_1290, %dma_wait3A_1301, %dma_wait3A_1302] : memref<8x50x32xf32, #tpu.memory_space<vmem>> -> memref<1x50x32xf32, #tpu.memory_space<vmem>>
      %dma_wait3A_1304 = tpu.memref_squeeze %dma_wait3A_1303 : memref<1x50x32xf32, #tpu.memory_space<vmem>> -> memref<50x32xf32, #tpu.memory_space<vmem>>
      %dma_wait3A_1305 = arith.constant 0 : i32
      %dma_wait3A_1306 = arith.constant 0 : i32
      %dma_wait3A_1307 = tpu.memref_slice %arg3[%dma_wait3A_1305, %dma_wait3A_1306] : memref<1000000x32xf32, #tpu.memory_space<hbm>> -> memref<50x32xf32, #tpu.memory_space<hbm>>
      tpu.wait_dma2 semaphore(%dma_wait3A_1300 : memref<!tpu.dma_semaphore, #tpu.memory_space<semaphore_mem>>) src(%dma_wait3A_1307 : memref<50x32xf32, #tpu.memory_space<hbm>>) dst(%dma_wait3A_1304 : memref<50x32xf32, #tpu.memory_space<vmem>>)
      %add3A_1308 = arith.addi %mul3A_2, %add3A_1289 : i32
      %dma_start3A_1309 = arith.constant 1 : i32
      %dma_start3A_1310 = arith.constant 1 : i32
      %dma_start3A_1311 = arith.constant 0 : i32
      %dma_start3A_1312 = arith.constant 0 : i32
      %dma_start3A_1313 = tpu.memref_slice %arg6[%dma_start3A_1309, %dma_start3A_1311, %dma_start3A_1312] : memref<8x50x32xf32, #tpu.memory_space<vmem>> -> memref<1x50x32xf32, #tpu.memory_space<vmem>>
      %dma_start3A_1314 = tpu.memref_squeeze %dma_start3A_1313 : memref<1x50x32xf32, #tpu.memory_space<vmem>> -> memref<50x32xf32, #tpu.memory_space<vmem>>
      %dma_start3A_1315 = arith.constant 0 : i32
      %dma_start3A_1316 = arith.constant 0 : i32
      %dma_start3A_1317 = tpu.memref_slice %arg4[%add3A_1308, %dma_start3A_1315, %dma_start3A_1316] : memref<4096x50x32xf32, #tpu.memory_space<hbm>> -> memref<1x50x32xf32, #tpu.memory_space<hbm>>
      %dma_start3A_1318 = tpu.memref_squeeze %dma_start3A_1317 : memref<1x50x32xf32, #tpu.memory_space<hbm>> -> memref<50x32xf32, #tpu.memory_space<hbm>>
      %dma_start3A_1319 = tpu.memref_slice %arg8[%dma_start3A_1310] : memref<8x!tpu.dma_semaphore, #tpu.memory_space<semaphore_mem>> -> memref<1x!tpu.dma_semaphore, #tpu.memory_space<semaphore_mem>>
      %dma_start3A_1320 = tpu.memref_squeeze %dma_start3A_1319 : memref<1x!tpu.dma_semaphore, #tpu.memory_space<semaphore_mem>> -> memref<!tpu.dma_semaphore, #tpu.memory_space<semaphore_mem>>
      %dma_start3A_1321 = arith.constant 0 : i32
      %dma_start3A_1322 = arith.constant 0 : i32
      %dma_start3A_1323 = tpu.memref_slice %arg4[%add3A_1308, %dma_start3A_1321, %dma_start3A_1322] : memref<4096x50x32xf32, #tpu.memory_space<hbm>> -> memref<1x50x32xf32, #tpu.memory_space<hbm>>
      %dma_start3A_1324 = tpu.memref_squeeze %dma_start3A_1323 : memref<1x50x32xf32, #tpu.memory_space<hbm>> -> memref<50x32xf32, #tpu.memory_space<hbm>>
      %dma_start3A_1325 = arith.constant 0 : i32
      %dma_start3A_1326 = arith.constant 0 : i32
      %dma_start3A_1327 = tpu.memref_slice %arg6[%dma_start3A_1309, %dma_start3A_1325, %dma_start3A_1326] : memref<8x50x32xf32, #tpu.memory_space<vmem>> -> memref<1x50x32xf32, #tpu.memory_space<vmem>>
      %dma_start3A_1328 = tpu.memref_squeeze %dma_start3A_1327 : memref<1x50x32xf32, #tpu.memory_space<vmem>> -> memref<50x32xf32, #tpu.memory_space<vmem>>
      tpu.enqueue_dma source(%dma_start3A_1328 : memref<50x32xf32, #tpu.memory_space<vmem>>) target(%dma_start3A_1324 : memref<50x32xf32, #tpu.memory_space<hbm>>) target_semaphore(%dma_start3A_1320 : memref<!tpu.dma_semaphore, #tpu.memory_space<semaphore_mem>>)
      %dma_wait3A_1329 = arith.constant 7 : i32
      %dma_wait3A_1330 = arith.constant 7 : i32
      %dma_wait3A_1331 = arith.constant 0 : i32
      %dma_wait3A_1332 = arith.constant 0 : i32
      %dma_wait3A_1333 = tpu.memref_slice %arg6[%dma_wait3A_1329, %dma_wait3A_1331, %dma_wait3A_1332] : memref<8x50x32xf32, #tpu.memory_space<vmem>> -> memref<1x50x32xf32, #tpu.memory_space<vmem>>
      %dma_wait3A_1334 = tpu.memref_squeeze %dma_wait3A_1333 : memref<1x50x32xf32, #tpu.memory_space<vmem>> -> memref<50x32xf32, #tpu.memory_space<vmem>>
      %dma_wait3A_1335 = arith.constant 0 : i32
      %dma_wait3A_1336 = arith.constant 0 : i32
      %dma_wait3A_1337 = tpu.memref_slice %arg4[%mul3A_2, %dma_wait3A_1335, %dma_wait3A_1336] : memref<4096x50x32xf32, #tpu.memory_space<hbm>> -> memref<1x50x32xf32, #tpu.memory_space<hbm>>
      %dma_wait3A_1338 = tpu.memref_squeeze %dma_wait3A_1337 : memref<1x50x32xf32, #tpu.memory_space<hbm>> -> memref<50x32xf32, #tpu.memory_space<hbm>>
      %dma_wait3A_1339 = tpu.memref_slice %arg8[%dma_wait3A_1330] : memref<8x!tpu.dma_semaphore, #tpu.memory_space<semaphore_mem>> -> memref<1x!tpu.dma_semaphore, #tpu.memory_space<semaphore_mem>>
      %dma_wait3A_1340 = tpu.memref_squeeze %dma_wait3A_1339 : memref<1x!tpu.dma_semaphore, #tpu.memory_space<semaphore_mem>> -> memref<!tpu.dma_semaphore, #tpu.memory_space<semaphore_mem>>
      %dma_wait3A_1341 = arith.constant 0 : i32
      %dma_wait3A_1342 = arith.constant 0 : i32
      %dma_wait3A_1343 = tpu.memref_slice %arg4[%mul3A_2, %dma_wait3A_1341, %dma_wait3A_1342] : memref<4096x50x32xf32, #tpu.memory_space<hbm>> -> memref<1x50x32xf32, #tpu.memory_space<hbm>>
      %dma_wait3A_1344 = tpu.memref_squeeze %dma_wait3A_1343 : memref<1x50x32xf32, #tpu.memory_space<hbm>> -> memref<50x32xf32, #tpu.memory_space<hbm>>
      %dma_wait3A_1345 = arith.constant 0 : i32
      %dma_wait3A_1346 = arith.constant 0 : i32
      %dma_wait3A_1347 = tpu.memref_slice %arg6[%dma_wait3A_1329, %dma_wait3A_1345, %dma_wait3A_1346] : memref<8x50x32xf32, #tpu.memory_space<vmem>> -> memref<1x50x32xf32, #tpu.memory_space<vmem>>
      %dma_wait3A_1348 = tpu.memref_squeeze %dma_wait3A_1347 : memref<1x50x32xf32, #tpu.memory_space<vmem>> -> memref<50x32xf32, #tpu.memory_space<vmem>>
      tpu.wait_dma2 semaphore(%dma_wait3A_1340 : memref<!tpu.dma_semaphore, #tpu.memory_space<semaphore_mem>>) src(%dma_wait3A_1348 : memref<50x32xf32, #tpu.memory_space<vmem>>) dst(%dma_wait3A_1344 : memref<50x32xf32, #tpu.memory_space<hbm>>)
      %add3A_1349 = arith.constant 6 : i32
      %add3A_1350 = arith.addi %add3A_1289, %add3A_1349 : i32
      %dma_start3A_1351 = arith.constant 7 : i32
      %dma_start3A_1352 = arith.constant 7 : i32
      %dma_start3A_1353 = arith.constant 0 : i32
      %dma_start3A_1354 = arith.constant 0 : i32
      %dma_start3A_1355 = tpu.memref_slice %arg6[%dma_start3A_1351, %dma_start3A_1353, %dma_start3A_1354] : memref<8x50x32xf32, #tpu.memory_space<vmem>> -> memref<1x50x32xf32, #tpu.memory_space<vmem>>
      %dma_start3A_1356 = tpu.memref_squeeze %dma_start3A_1355 : memref<1x50x32xf32, #tpu.memory_space<vmem>> -> memref<50x32xf32, #tpu.memory_space<vmem>>
      %dma_start3A_1357 = arith.constant 0 : i32
      %dma_start3A_1358 = tpu.memref_slice %arg5[%add3A_1350, %dma_start3A_1357] : memref<128x50xi32, #tpu.memory_space<vmem>> -> memref<1x50xi32, #tpu.memory_space<vmem>>
      %dma_start3A_1359 = tpu.memref_squeeze %dma_start3A_1358 : memref<1x50xi32, #tpu.memory_space<vmem>> -> memref<50xi32, #tpu.memory_space<vmem>>
      %dma_start3A_1360 = arith.constant 0 : i32
      %dma_start3A_1361 = arith.constant 0 : i32
      %dma_start3A_1362 = tpu.memref_slice %arg3[%dma_start3A_1360, %dma_start3A_1361] : memref<1000000x32xf32, #tpu.memory_space<hbm>> -> memref<1000000x32xf32, #tpu.memory_space<hbm>>
      %dma_start3A_1363 = tpu.memref_slice %arg7[%dma_start3A_1352] : memref<8x!tpu.dma_semaphore, #tpu.memory_space<semaphore_mem>> -> memref<1x!tpu.dma_semaphore, #tpu.memory_space<semaphore_mem>>
      %dma_start3A_1364 = tpu.memref_squeeze %dma_start3A_1363 : memref<1x!tpu.dma_semaphore, #tpu.memory_space<semaphore_mem>> -> memref<!tpu.dma_semaphore, #tpu.memory_space<semaphore_mem>>
      tpu.enqueue_indirect_dma source(%dma_start3A_1362 : memref<1000000x32xf32, #tpu.memory_space<hbm>>) target(%dma_start3A_1356 : memref<50x32xf32, #tpu.memory_space<vmem>>) offsets(%dma_start3A_1359 : memref<50xi32, #tpu.memory_space<vmem>>) semaphore(%dma_start3A_1364 : memref<!tpu.dma_semaphore, #tpu.memory_space<semaphore_mem>>)
      %mul3A_1365 = arith.constant 8 : i32
      %mul3A_1366 = arith.muli %scan3A_1206, %mul3A_1365 : i32
      %add3A_1367 = arith.constant 2 : i32
      %add3A_1368 = arith.addi %mul3A_1366, %add3A_1367 : i32
      %dma_wait3A_1369 = arith.constant 2 : i32
      %dma_wait3A_1370 = arith.constant 2 : i32
      %dma_wait3A_1371 = arith.constant 0 : i32
      %dma_wait3A_1372 = arith.constant 0 : i32
      %dma_wait3A_1373 = tpu.memref_slice %arg6[%dma_wait3A_1369, %dma_wait3A_1371, %dma_wait3A_1372] : memref<8x50x32xf32, #tpu.memory_space<vmem>> -> memref<1x50x32xf32, #tpu.memory_space<vmem>>
      %dma_wait3A_1374 = tpu.memref_squeeze %dma_wait3A_1373 : memref<1x50x32xf32, #tpu.memory_space<vmem>> -> memref<50x32xf32, #tpu.memory_space<vmem>>
      %dma_wait3A_1375 = arith.constant 0 : i32
      %dma_wait3A_1376 = arith.constant 0 : i32
      %dma_wait3A_1377 = tpu.memref_slice %arg3[%dma_wait3A_1375, %dma_wait3A_1376] : memref<1000000x32xf32, #tpu.memory_space<hbm>> -> memref<50x32xf32, #tpu.memory_space<hbm>>
      %dma_wait3A_1378 = tpu.memref_slice %arg7[%dma_wait3A_1370] : memref<8x!tpu.dma_semaphore, #tpu.memory_space<semaphore_mem>> -> memref<1x!tpu.dma_semaphore, #tpu.memory_space<semaphore_mem>>
      %dma_wait3A_1379 = tpu.memref_squeeze %dma_wait3A_1378 : memref<1x!tpu.dma_semaphore, #tpu.memory_space<semaphore_mem>> -> memref<!tpu.dma_semaphore, #tpu.memory_space<semaphore_mem>>
      %dma_wait3A_1380 = arith.constant 0 : i32
      %dma_wait3A_1381 = arith.constant 0 : i32
      %dma_wait3A_1382 = tpu.memref_slice %arg6[%dma_wait3A_1369, %dma_wait3A_1380, %dma_wait3A_1381] : memref<8x50x32xf32, #tpu.memory_space<vmem>> -> memref<1x50x32xf32, #tpu.memory_space<vmem>>
      %dma_wait3A_1383 = tpu.memref_squeeze %dma_wait3A_1382 : memref<1x50x32xf32, #tpu.memory_space<vmem>> -> memref<50x32xf32, #tpu.memory_space<vmem>>
      %dma_wait3A_1384 = arith.constant 0 : i32
      %dma_wait3A_1385 = arith.constant 0 : i32
      %dma_wait3A_1386 = tpu.memref_slice %arg3[%dma_wait3A_1384, %dma_wait3A_1385] : memref<1000000x32xf32, #tpu.memory_space<hbm>> -> memref<50x32xf32, #tpu.memory_space<hbm>>
      tpu.wait_dma2 semaphore(%dma_wait3A_1379 : memref<!tpu.dma_semaphore, #tpu.memory_space<semaphore_mem>>) src(%dma_wait3A_1386 : memref<50x32xf32, #tpu.memory_space<hbm>>) dst(%dma_wait3A_1383 : memref<50x32xf32, #tpu.memory_space<vmem>>)
      %add3A_1387 = arith.addi %mul3A_2, %add3A_1368 : i32
      %dma_start3A_1388 = arith.constant 2 : i32
      %dma_start3A_1389 = arith.constant 2 : i32
      %dma_start3A_1390 = arith.constant 0 : i32
      %dma_start3A_1391 = arith.constant 0 : i32
      %dma_start3A_1392 = tpu.memref_slice %arg6[%dma_start3A_1388, %dma_start3A_1390, %dma_start3A_1391] : memref<8x50x32xf32, #tpu.memory_space<vmem>> -> memref<1x50x32xf32, #tpu.memory_space<vmem>>
      %dma_start3A_1393 = tpu.memref_squeeze %dma_start3A_1392 : memref<1x50x32xf32, #tpu.memory_space<vmem>> -> memref<50x32xf32, #tpu.memory_space<vmem>>
      %dma_start3A_1394 = arith.constant 0 : i32
      %dma_start3A_1395 = arith.constant 0 : i32
      %dma_start3A_1396 = tpu.memref_slice %arg4[%add3A_1387, %dma_start3A_1394, %dma_start3A_1395] : memref<4096x50x32xf32, #tpu.memory_space<hbm>> -> memref<1x50x32xf32, #tpu.memory_space<hbm>>
      %dma_start3A_1397 = tpu.memref_squeeze %dma_start3A_1396 : memref<1x50x32xf32, #tpu.memory_space<hbm>> -> memref<50x32xf32, #tpu.memory_space<hbm>>
      %dma_start3A_1398 = tpu.memref_slice %arg8[%dma_start3A_1389] : memref<8x!tpu.dma_semaphore, #tpu.memory_space<semaphore_mem>> -> memref<1x!tpu.dma_semaphore, #tpu.memory_space<semaphore_mem>>
      %dma_start3A_1399 = tpu.memref_squeeze %dma_start3A_1398 : memref<1x!tpu.dma_semaphore, #tpu.memory_space<semaphore_mem>> -> memref<!tpu.dma_semaphore, #tpu.memory_space<semaphore_mem>>
      %dma_start3A_1400 = arith.constant 0 : i32
      %dma_start3A_1401 = arith.constant 0 : i32
      %dma_start3A_1402 = tpu.memref_slice %arg4[%add3A_1387, %dma_start3A_1400, %dma_start3A_1401] : memref<4096x50x32xf32, #tpu.memory_space<hbm>> -> memref<1x50x32xf32, #tpu.memory_space<hbm>>
      %dma_start3A_1403 = tpu.memref_squeeze %dma_start3A_1402 : memref<1x50x32xf32, #tpu.memory_space<hbm>> -> memref<50x32xf32, #tpu.memory_space<hbm>>
      %dma_start3A_1404 = arith.constant 0 : i32
      %dma_start3A_1405 = arith.constant 0 : i32
      %dma_start3A_1406 = tpu.memref_slice %arg6[%dma_start3A_1388, %dma_start3A_1404, %dma_start3A_1405] : memref<8x50x32xf32, #tpu.memory_space<vmem>> -> memref<1x50x32xf32, #tpu.memory_space<vmem>>
      %dma_start3A_1407 = tpu.memref_squeeze %dma_start3A_1406 : memref<1x50x32xf32, #tpu.memory_space<vmem>> -> memref<50x32xf32, #tpu.memory_space<vmem>>
      tpu.enqueue_dma source(%dma_start3A_1407 : memref<50x32xf32, #tpu.memory_space<vmem>>) target(%dma_start3A_1403 : memref<50x32xf32, #tpu.memory_space<hbm>>) target_semaphore(%dma_start3A_1399 : memref<!tpu.dma_semaphore, #tpu.memory_space<semaphore_mem>>)
      %dma_wait3A_1408 = arith.constant 0 : i32
      %dma_wait3A_1409 = arith.constant 0 : i32
      %dma_wait3A_1410 = arith.constant 0 : i32
      %dma_wait3A_1411 = arith.constant 0 : i32
      %dma_wait3A_1412 = tpu.memref_slice %arg6[%dma_wait3A_1408, %dma_wait3A_1410, %dma_wait3A_1411] : memref<8x50x32xf32, #tpu.memory_space<vmem>> -> memref<1x50x32xf32, #tpu.memory_space<vmem>>
      %dma_wait3A_1413 = tpu.memref_squeeze %dma_wait3A_1412 : memref<1x50x32xf32, #tpu.memory_space<vmem>> -> memref<50x32xf32, #tpu.memory_space<vmem>>
      %dma_wait3A_1414 = arith.constant 0 : i32
      %dma_wait3A_1415 = arith.constant 0 : i32
      %dma_wait3A_1416 = tpu.memref_slice %arg4[%mul3A_2, %dma_wait3A_1414, %dma_wait3A_1415] : memref<4096x50x32xf32, #tpu.memory_space<hbm>> -> memref<1x50x32xf32, #tpu.memory_space<hbm>>
      %dma_wait3A_1417 = tpu.memref_squeeze %dma_wait3A_1416 : memref<1x50x32xf32, #tpu.memory_space<hbm>> -> memref<50x32xf32, #tpu.memory_space<hbm>>
      %dma_wait3A_1418 = tpu.memref_slice %arg8[%dma_wait3A_1409] : memref<8x!tpu.dma_semaphore, #tpu.memory_space<semaphore_mem>> -> memref<1x!tpu.dma_semaphore, #tpu.memory_space<semaphore_mem>>
      %dma_wait3A_1419 = tpu.memref_squeeze %dma_wait3A_1418 : memref<1x!tpu.dma_semaphore, #tpu.memory_space<semaphore_mem>> -> memref<!tpu.dma_semaphore, #tpu.memory_space<semaphore_mem>>
      %dma_wait3A_1420 = arith.constant 0 : i32
      %dma_wait3A_1421 = arith.constant 0 : i32
      %dma_wait3A_1422 = tpu.memref_slice %arg4[%mul3A_2, %dma_wait3A_1420, %dma_wait3A_1421] : memref<4096x50x32xf32, #tpu.memory_space<hbm>> -> memref<1x50x32xf32, #tpu.memory_space<hbm>>
      %dma_wait3A_1423 = tpu.memref_squeeze %dma_wait3A_1422 : memref<1x50x32xf32, #tpu.memory_space<hbm>> -> memref<50x32xf32, #tpu.memory_space<hbm>>
      %dma_wait3A_1424 = arith.constant 0 : i32
      %dma_wait3A_1425 = arith.constant 0 : i32
      %dma_wait3A_1426 = tpu.memref_slice %arg6[%dma_wait3A_1408, %dma_wait3A_1424, %dma_wait3A_1425] : memref<8x50x32xf32, #tpu.memory_space<vmem>> -> memref<1x50x32xf32, #tpu.memory_space<vmem>>
      %dma_wait3A_1427 = tpu.memref_squeeze %dma_wait3A_1426 : memref<1x50x32xf32, #tpu.memory_space<vmem>> -> memref<50x32xf32, #tpu.memory_space<vmem>>
      tpu.wait_dma2 semaphore(%dma_wait3A_1419 : memref<!tpu.dma_semaphore, #tpu.memory_space<semaphore_mem>>) src(%dma_wait3A_1427 : memref<50x32xf32, #tpu.memory_space<vmem>>) dst(%dma_wait3A_1423 : memref<50x32xf32, #tpu.memory_space<hbm>>)
      %add3A_1428 = arith.constant 6 : i32
      %add3A_1429 = arith.addi %add3A_1368, %add3A_1428 : i32
      %dma_start3A_1430 = arith.constant 0 : i32
      %dma_start3A_1431 = arith.constant 0 : i32
      %dma_start3A_1432 = arith.constant 0 : i32
      %dma_start3A_1433 = arith.constant 0 : i32
      %dma_start3A_1434 = tpu.memref_slice %arg6[%dma_start3A_1430, %dma_start3A_1432, %dma_start3A_1433] : memref<8x50x32xf32, #tpu.memory_space<vmem>> -> memref<1x50x32xf32, #tpu.memory_space<vmem>>
      %dma_start3A_1435 = tpu.memref_squeeze %dma_start3A_1434 : memref<1x50x32xf32, #tpu.memory_space<vmem>> -> memref<50x32xf32, #tpu.memory_space<vmem>>
      %dma_start3A_1436 = arith.constant 0 : i32
      %dma_start3A_1437 = tpu.memref_slice %arg5[%add3A_1429, %dma_start3A_1436] : memref<128x50xi32, #tpu.memory_space<vmem>> -> memref<1x50xi32, #tpu.memory_space<vmem>>
      %dma_start3A_1438 = tpu.memref_squeeze %dma_start3A_1437 : memref<1x50xi32, #tpu.memory_space<vmem>> -> memref<50xi32, #tpu.memory_space<vmem>>
      %dma_start3A_1439 = arith.constant 0 : i32
      %dma_start3A_1440 = arith.constant 0 : i32
      %dma_start3A_1441 = tpu.memref_slice %arg3[%dma_start3A_1439, %dma_start3A_1440] : memref<1000000x32xf32, #tpu.memory_space<hbm>> -> memref<1000000x32xf32, #tpu.memory_space<hbm>>
      %dma_start3A_1442 = tpu.memref_slice %arg7[%dma_start3A_1431] : memref<8x!tpu.dma_semaphore, #tpu.memory_space<semaphore_mem>> -> memref<1x!tpu.dma_semaphore, #tpu.memory_space<semaphore_mem>>
      %dma_start3A_1443 = tpu.memref_squeeze %dma_start3A_1442 : memref<1x!tpu.dma_semaphore, #tpu.memory_space<semaphore_mem>> -> memref<!tpu.dma_semaphore, #tpu.memory_space<semaphore_mem>>
      tpu.enqueue_indirect_dma source(%dma_start3A_1441 : memref<1000000x32xf32, #tpu.memory_space<hbm>>) target(%dma_start3A_1435 : memref<50x32xf32, #tpu.memory_space<vmem>>) offsets(%dma_start3A_1438 : memref<50xi32, #tpu.memory_space<vmem>>) semaphore(%dma_start3A_1443 : memref<!tpu.dma_semaphore, #tpu.memory_space<semaphore_mem>>)
      %mul3A_1444 = arith.constant 8 : i32
      %mul3A_1445 = arith.muli %scan3A_1206, %mul3A_1444 : i32
      %add3A_1446 = arith.constant 3 : i32
      %add3A_1447 = arith.addi %mul3A_1445, %add3A_1446 : i32
      %dma_wait3A_1448 = arith.constant 3 : i32
      %dma_wait3A_1449 = arith.constant 3 : i32
      %dma_wait3A_1450 = arith.constant 0 : i32
      %dma_wait3A_1451 = arith.constant 0 : i32
      %dma_wait3A_1452 = tpu.memref_slice %arg6[%dma_wait3A_1448, %dma_wait3A_1450, %dma_wait3A_1451] : memref<8x50x32xf32, #tpu.memory_space<vmem>> -> memref<1x50x32xf32, #tpu.memory_space<vmem>>
      %dma_wait3A_1453 = tpu.memref_squeeze %dma_wait3A_1452 : memref<1x50x32xf32, #tpu.memory_space<vmem>> -> memref<50x32xf32, #tpu.memory_space<vmem>>
      %dma_wait3A_1454 = arith.constant 0 : i32
      %dma_wait3A_1455 = arith.constant 0 : i32
      %dma_wait3A_1456 = tpu.memref_slice %arg3[%dma_wait3A_1454, %dma_wait3A_1455] : memref<1000000x32xf32, #tpu.memory_space<hbm>> -> memref<50x32xf32, #tpu.memory_space<hbm>>
      %dma_wait3A_1457 = tpu.memref_slice %arg7[%dma_wait3A_1449] : memref<8x!tpu.dma_semaphore, #tpu.memory_space<semaphore_mem>> -> memref<1x!tpu.dma_semaphore, #tpu.memory_space<semaphore_mem>>
      %dma_wait3A_1458 = tpu.memref_squeeze %dma_wait3A_1457 : memref<1x!tpu.dma_semaphore, #tpu.memory_space<semaphore_mem>> -> memref<!tpu.dma_semaphore, #tpu.memory_space<semaphore_mem>>
      %dma_wait3A_1459 = arith.constant 0 : i32
      %dma_wait3A_1460 = arith.constant 0 : i32
      %dma_wait3A_1461 = tpu.memref_slice %arg6[%dma_wait3A_1448, %dma_wait3A_1459, %dma_wait3A_1460] : memref<8x50x32xf32, #tpu.memory_space<vmem>> -> memref<1x50x32xf32, #tpu.memory_space<vmem>>
      %dma_wait3A_1462 = tpu.memref_squeeze %dma_wait3A_1461 : memref<1x50x32xf32, #tpu.memory_space<vmem>> -> memref<50x32xf32, #tpu.memory_space<vmem>>
      %dma_wait3A_1463 = arith.constant 0 : i32
      %dma_wait3A_1464 = arith.constant 0 : i32
      %dma_wait3A_1465 = tpu.memref_slice %arg3[%dma_wait3A_1463, %dma_wait3A_1464] : memref<1000000x32xf32, #tpu.memory_space<hbm>> -> memref<50x32xf32, #tpu.memory_space<hbm>>
      tpu.wait_dma2 semaphore(%dma_wait3A_1458 : memref<!tpu.dma_semaphore, #tpu.memory_space<semaphore_mem>>) src(%dma_wait3A_1465 : memref<50x32xf32, #tpu.memory_space<hbm>>) dst(%dma_wait3A_1462 : memref<50x32xf32, #tpu.memory_space<vmem>>)
      %add3A_1466 = arith.addi %mul3A_2, %add3A_1447 : i32
      %dma_start3A_1467 = arith.constant 3 : i32
      %dma_start3A_1468 = arith.constant 3 : i32
      %dma_start3A_1469 = arith.constant 0 : i32
      %dma_start3A_1470 = arith.constant 0 : i32
      %dma_start3A_1471 = tpu.memref_slice %arg6[%dma_start3A_1467, %dma_start3A_1469, %dma_start3A_1470] : memref<8x50x32xf32, #tpu.memory_space<vmem>> -> memref<1x50x32xf32, #tpu.memory_space<vmem>>
      %dma_start3A_1472 = tpu.memref_squeeze %dma_start3A_1471 : memref<1x50x32xf32, #tpu.memory_space<vmem>> -> memref<50x32xf32, #tpu.memory_space<vmem>>
      %dma_start3A_1473 = arith.constant 0 : i32
      %dma_start3A_1474 = arith.constant 0 : i32
      %dma_start3A_1475 = tpu.memref_slice %arg4[%add3A_1466, %dma_start3A_1473, %dma_start3A_1474] : memref<4096x50x32xf32, #tpu.memory_space<hbm>> -> memref<1x50x32xf32, #tpu.memory_space<hbm>>
      %dma_start3A_1476 = tpu.memref_squeeze %dma_start3A_1475 : memref<1x50x32xf32, #tpu.memory_space<hbm>> -> memref<50x32xf32, #tpu.memory_space<hbm>>
      %dma_start3A_1477 = tpu.memref_slice %arg8[%dma_start3A_1468] : memref<8x!tpu.dma_semaphore, #tpu.memory_space<semaphore_mem>> -> memref<1x!tpu.dma_semaphore, #tpu.memory_space<semaphore_mem>>
      %dma_start3A_1478 = tpu.memref_squeeze %dma_start3A_1477 : memref<1x!tpu.dma_semaphore, #tpu.memory_space<semaphore_mem>> -> memref<!tpu.dma_semaphore, #tpu.memory_space<semaphore_mem>>
      %dma_start3A_1479 = arith.constant 0 : i32
      %dma_start3A_1480 = arith.constant 0 : i32
      %dma_start3A_1481 = tpu.memref_slice %arg4[%add3A_1466, %dma_start3A_1479, %dma_start3A_1480] : memref<4096x50x32xf32, #tpu.memory_space<hbm>> -> memref<1x50x32xf32, #tpu.memory_space<hbm>>
      %dma_start3A_1482 = tpu.memref_squeeze %dma_start3A_1481 : memref<1x50x32xf32, #tpu.memory_space<hbm>> -> memref<50x32xf32, #tpu.memory_space<hbm>>
      %dma_start3A_1483 = arith.constant 0 : i32
      %dma_start3A_1484 = arith.constant 0 : i32
      %dma_start3A_1485 = tpu.memref_slice %arg6[%dma_start3A_1467, %dma_start3A_1483, %dma_start3A_1484] : memref<8x50x32xf32, #tpu.memory_space<vmem>> -> memref<1x50x32xf32, #tpu.memory_space<vmem>>
      %dma_start3A_1486 = tpu.memref_squeeze %dma_start3A_1485 : memref<1x50x32xf32, #tpu.memory_space<vmem>> -> memref<50x32xf32, #tpu.memory_space<vmem>>
      tpu.enqueue_dma source(%dma_start3A_1486 : memref<50x32xf32, #tpu.memory_space<vmem>>) target(%dma_start3A_1482 : memref<50x32xf32, #tpu.memory_space<hbm>>) target_semaphore(%dma_start3A_1478 : memref<!tpu.dma_semaphore, #tpu.memory_space<semaphore_mem>>)
      %dma_wait3A_1487 = arith.constant 1 : i32
      %dma_wait3A_1488 = arith.constant 1 : i32
      %dma_wait3A_1489 = arith.constant 0 : i32
      %dma_wait3A_1490 = arith.constant 0 : i32
      %dma_wait3A_1491 = tpu.memref_slice %arg6[%dma_wait3A_1487, %dma_wait3A_1489, %dma_wait3A_1490] : memref<8x50x32xf32, #tpu.memory_space<vmem>> -> memref<1x50x32xf32, #tpu.memory_space<vmem>>
      %dma_wait3A_1492 = tpu.memref_squeeze %dma_wait3A_1491 : memref<1x50x32xf32, #tpu.memory_space<vmem>> -> memref<50x32xf32, #tpu.memory_space<vmem>>
      %dma_wait3A_1493 = arith.constant 0 : i32
      %dma_wait3A_1494 = arith.constant 0 : i32
      %dma_wait3A_1495 = tpu.memref_slice %arg4[%mul3A_2, %dma_wait3A_1493, %dma_wait3A_1494] : memref<4096x50x32xf32, #tpu.memory_space<hbm>> -> memref<1x50x32xf32, #tpu.memory_space<hbm>>
      %dma_wait3A_1496 = tpu.memref_squeeze %dma_wait3A_1495 : memref<1x50x32xf32, #tpu.memory_space<hbm>> -> memref<50x32xf32, #tpu.memory_space<hbm>>
      %dma_wait3A_1497 = tpu.memref_slice %arg8[%dma_wait3A_1488] : memref<8x!tpu.dma_semaphore, #tpu.memory_space<semaphore_mem>> -> memref<1x!tpu.dma_semaphore, #tpu.memory_space<semaphore_mem>>
      %dma_wait3A_1498 = tpu.memref_squeeze %dma_wait3A_1497 : memref<1x!tpu.dma_semaphore, #tpu.memory_space<semaphore_mem>> -> memref<!tpu.dma_semaphore, #tpu.memory_space<semaphore_mem>>
      %dma_wait3A_1499 = arith.constant 0 : i32
      %dma_wait3A_1500 = arith.constant 0 : i32
      %dma_wait3A_1501 = tpu.memref_slice %arg4[%mul3A_2, %dma_wait3A_1499, %dma_wait3A_1500] : memref<4096x50x32xf32, #tpu.memory_space<hbm>> -> memref<1x50x32xf32, #tpu.memory_space<hbm>>
      %dma_wait3A_1502 = tpu.memref_squeeze %dma_wait3A_1501 : memref<1x50x32xf32, #tpu.memory_space<hbm>> -> memref<50x32xf32, #tpu.memory_space<hbm>>
      %dma_wait3A_1503 = arith.constant 0 : i32
      %dma_wait3A_1504 = arith.constant 0 : i32
      %dma_wait3A_1505 = tpu.memref_slice %arg6[%dma_wait3A_1487, %dma_wait3A_1503, %dma_wait3A_1504] : memref<8x50x32xf32, #tpu.memory_space<vmem>> -> memref<1x50x32xf32, #tpu.memory_space<vmem>>
      %dma_wait3A_1506 = tpu.memref_squeeze %dma_wait3A_1505 : memref<1x50x32xf32, #tpu.memory_space<vmem>> -> memref<50x32xf32, #tpu.memory_space<vmem>>
      tpu.wait_dma2 semaphore(%dma_wait3A_1498 : memref<!tpu.dma_semaphore, #tpu.memory_space<semaphore_mem>>) src(%dma_wait3A_1506 : memref<50x32xf32, #tpu.memory_space<vmem>>) dst(%dma_wait3A_1502 : memref<50x32xf32, #tpu.memory_space<hbm>>)
      %add3A_1507 = arith.constant 6 : i32
      %add3A_1508 = arith.addi %add3A_1447, %add3A_1507 : i32
      %dma_start3A_1509 = arith.constant 1 : i32
      %dma_start3A_1510 = arith.constant 1 : i32
      %dma_start3A_1511 = arith.constant 0 : i32
      %dma_start3A_1512 = arith.constant 0 : i32
      %dma_start3A_1513 = tpu.memref_slice %arg6[%dma_start3A_1509, %dma_start3A_1511, %dma_start3A_1512] : memref<8x50x32xf32, #tpu.memory_space<vmem>> -> memref<1x50x32xf32, #tpu.memory_space<vmem>>
      %dma_start3A_1514 = tpu.memref_squeeze %dma_start3A_1513 : memref<1x50x32xf32, #tpu.memory_space<vmem>> -> memref<50x32xf32, #tpu.memory_space<vmem>>
      %dma_start3A_1515 = arith.constant 0 : i32
      %dma_start3A_1516 = tpu.memref_slice %arg5[%add3A_1508, %dma_start3A_1515] : memref<128x50xi32, #tpu.memory_space<vmem>> -> memref<1x50xi32, #tpu.memory_space<vmem>>
      %dma_start3A_1517 = tpu.memref_squeeze %dma_start3A_1516 : memref<1x50xi32, #tpu.memory_space<vmem>> -> memref<50xi32, #tpu.memory_space<vmem>>
      %dma_start3A_1518 = arith.constant 0 : i32
      %dma_start3A_1519 = arith.constant 0 : i32
      %dma_start3A_1520 = tpu.memref_slice %arg3[%dma_start3A_1518, %dma_start3A_1519] : memref<1000000x32xf32, #tpu.memory_space<hbm>> -> memref<1000000x32xf32, #tpu.memory_space<hbm>>
      %dma_start3A_1521 = tpu.memref_slice %arg7[%dma_start3A_1510] : memref<8x!tpu.dma_semaphore, #tpu.memory_space<semaphore_mem>> -> memref<1x!tpu.dma_semaphore, #tpu.memory_space<semaphore_mem>>
      %dma_start3A_1522 = tpu.memref_squeeze %dma_start3A_1521 : memref<1x!tpu.dma_semaphore, #tpu.memory_space<semaphore_mem>> -> memref<!tpu.dma_semaphore, #tpu.memory_space<semaphore_mem>>
      tpu.enqueue_indirect_dma source(%dma_start3A_1520 : memref<1000000x32xf32, #tpu.memory_space<hbm>>) target(%dma_start3A_1514 : memref<50x32xf32, #tpu.memory_space<vmem>>) offsets(%dma_start3A_1517 : memref<50xi32, #tpu.memory_space<vmem>>) semaphore(%dma_start3A_1522 : memref<!tpu.dma_semaphore, #tpu.memory_space<semaphore_mem>>)
      %mul3A_1523 = arith.constant 8 : i32
      %mul3A_1524 = arith.muli %scan3A_1206, %mul3A_1523 : i32
      %add3A_1525 = arith.constant 4 : i32
      %add3A_1526 = arith.addi %mul3A_1524, %add3A_1525 : i32
      %dma_wait3A_1527 = arith.constant 4 : i32
      %dma_wait3A_1528 = arith.constant 4 : i32
      %dma_wait3A_1529 = arith.constant 0 : i32
      %dma_wait3A_1530 = arith.constant 0 : i32
      %dma_wait3A_1531 = tpu.memref_slice %arg6[%dma_wait3A_1527, %dma_wait3A_1529, %dma_wait3A_1530] : memref<8x50x32xf32, #tpu.memory_space<vmem>> -> memref<1x50x32xf32, #tpu.memory_space<vmem>>
      %dma_wait3A_1532 = tpu.memref_squeeze %dma_wait3A_1531 : memref<1x50x32xf32, #tpu.memory_space<vmem>> -> memref<50x32xf32, #tpu.memory_space<vmem>>
      %dma_wait3A_1533 = arith.constant 0 : i32
      %dma_wait3A_1534 = arith.constant 0 : i32
      %dma_wait3A_1535 = tpu.memref_slice %arg3[%dma_wait3A_1533, %dma_wait3A_1534] : memref<1000000x32xf32, #tpu.memory_space<hbm>> -> memref<50x32xf32, #tpu.memory_space<hbm>>
      %dma_wait3A_1536 = tpu.memref_slice %arg7[%dma_wait3A_1528] : memref<8x!tpu.dma_semaphore, #tpu.memory_space<semaphore_mem>> -> memref<1x!tpu.dma_semaphore, #tpu.memory_space<semaphore_mem>>
      %dma_wait3A_1537 = tpu.memref_squeeze %dma_wait3A_1536 : memref<1x!tpu.dma_semaphore, #tpu.memory_space<semaphore_mem>> -> memref<!tpu.dma_semaphore, #tpu.memory_space<semaphore_mem>>
      %dma_wait3A_1538 = arith.constant 0 : i32
      %dma_wait3A_1539 = arith.constant 0 : i32
      %dma_wait3A_1540 = tpu.memref_slice %arg6[%dma_wait3A_1527, %dma_wait3A_1538, %dma_wait3A_1539] : memref<8x50x32xf32, #tpu.memory_space<vmem>> -> memref<1x50x32xf32, #tpu.memory_space<vmem>>
      %dma_wait3A_1541 = tpu.memref_squeeze %dma_wait3A_1540 : memref<1x50x32xf32, #tpu.memory_space<vmem>> -> memref<50x32xf32, #tpu.memory_space<vmem>>
      %dma_wait3A_1542 = arith.constant 0 : i32
      %dma_wait3A_1543 = arith.constant 0 : i32
      %dma_wait3A_1544 = tpu.memref_slice %arg3[%dma_wait3A_1542, %dma_wait3A_1543] : memref<1000000x32xf32, #tpu.memory_space<hbm>> -> memref<50x32xf32, #tpu.memory_space<hbm>>
      tpu.wait_dma2 semaphore(%dma_wait3A_1537 : memref<!tpu.dma_semaphore, #tpu.memory_space<semaphore_mem>>) src(%dma_wait3A_1544 : memref<50x32xf32, #tpu.memory_space<hbm>>) dst(%dma_wait3A_1541 : memref<50x32xf32, #tpu.memory_space<vmem>>)
      %add3A_1545 = arith.addi %mul3A_2, %add3A_1526 : i32
      %dma_start3A_1546 = arith.constant 4 : i32
      %dma_start3A_1547 = arith.constant 4 : i32
      %dma_start3A_1548 = arith.constant 0 : i32
      %dma_start3A_1549 = arith.constant 0 : i32
      %dma_start3A_1550 = tpu.memref_slice %arg6[%dma_start3A_1546, %dma_start3A_1548, %dma_start3A_1549] : memref<8x50x32xf32, #tpu.memory_space<vmem>> -> memref<1x50x32xf32, #tpu.memory_space<vmem>>
      %dma_start3A_1551 = tpu.memref_squeeze %dma_start3A_1550 : memref<1x50x32xf32, #tpu.memory_space<vmem>> -> memref<50x32xf32, #tpu.memory_space<vmem>>
      %dma_start3A_1552 = arith.constant 0 : i32
      %dma_start3A_1553 = arith.constant 0 : i32
      %dma_start3A_1554 = tpu.memref_slice %arg4[%add3A_1545, %dma_start3A_1552, %dma_start3A_1553] : memref<4096x50x32xf32, #tpu.memory_space<hbm>> -> memref<1x50x32xf32, #tpu.memory_space<hbm>>
      %dma_start3A_1555 = tpu.memref_squeeze %dma_start3A_1554 : memref<1x50x32xf32, #tpu.memory_space<hbm>> -> memref<50x32xf32, #tpu.memory_space<hbm>>
      %dma_start3A_1556 = tpu.memref_slice %arg8[%dma_start3A_1547] : memref<8x!tpu.dma_semaphore, #tpu.memory_space<semaphore_mem>> -> memref<1x!tpu.dma_semaphore, #tpu.memory_space<semaphore_mem>>
      %dma_start3A_1557 = tpu.memref_squeeze %dma_start3A_1556 : memref<1x!tpu.dma_semaphore, #tpu.memory_space<semaphore_mem>> -> memref<!tpu.dma_semaphore, #tpu.memory_space<semaphore_mem>>
      %dma_start3A_1558 = arith.constant 0 : i32
      %dma_start3A_1559 = arith.constant 0 : i32
      %dma_start3A_1560 = tpu.memref_slice %arg4[%add3A_1545, %dma_start3A_1558, %dma_start3A_1559] : memref<4096x50x32xf32, #tpu.memory_space<hbm>> -> memref<1x50x32xf32, #tpu.memory_space<hbm>>
      %dma_start3A_1561 = tpu.memref_squeeze %dma_start3A_1560 : memref<1x50x32xf32, #tpu.memory_space<hbm>> -> memref<50x32xf32, #tpu.memory_space<hbm>>
      %dma_start3A_1562 = arith.constant 0 : i32
      %dma_start3A_1563 = arith.constant 0 : i32
      %dma_start3A_1564 = tpu.memref_slice %arg6[%dma_start3A_1546, %dma_start3A_1562, %dma_start3A_1563] : memref<8x50x32xf32, #tpu.memory_space<vmem>> -> memref<1x50x32xf32, #tpu.memory_space<vmem>>
      %dma_start3A_1565 = tpu.memref_squeeze %dma_start3A_1564 : memref<1x50x32xf32, #tpu.memory_space<vmem>> -> memref<50x32xf32, #tpu.memory_space<vmem>>
      tpu.enqueue_dma source(%dma_start3A_1565 : memref<50x32xf32, #tpu.memory_space<vmem>>) target(%dma_start3A_1561 : memref<50x32xf32, #tpu.memory_space<hbm>>) target_semaphore(%dma_start3A_1557 : memref<!tpu.dma_semaphore, #tpu.memory_space<semaphore_mem>>)
      %dma_wait3A_1566 = arith.constant 2 : i32
      %dma_wait3A_1567 = arith.constant 2 : i32
      %dma_wait3A_1568 = arith.constant 0 : i32
      %dma_wait3A_1569 = arith.constant 0 : i32
      %dma_wait3A_1570 = tpu.memref_slice %arg6[%dma_wait3A_1566, %dma_wait3A_1568, %dma_wait3A_1569] : memref<8x50x32xf32, #tpu.memory_space<vmem>> -> memref<1x50x32xf32, #tpu.memory_space<vmem>>
      %dma_wait3A_1571 = tpu.memref_squeeze %dma_wait3A_1570 : memref<1x50x32xf32, #tpu.memory_space<vmem>> -> memref<50x32xf32, #tpu.memory_space<vmem>>
      %dma_wait3A_1572 = arith.constant 0 : i32
      %dma_wait3A_1573 = arith.constant 0 : i32
      %dma_wait3A_1574 = tpu.memref_slice %arg4[%mul3A_2, %dma_wait3A_1572, %dma_wait3A_1573] : memref<4096x50x32xf32, #tpu.memory_space<hbm>> -> memref<1x50x32xf32, #tpu.memory_space<hbm>>
      %dma_wait3A_1575 = tpu.memref_squeeze %dma_wait3A_1574 : memref<1x50x32xf32, #tpu.memory_space<hbm>> -> memref<50x32xf32, #tpu.memory_space<hbm>>
      %dma_wait3A_1576 = tpu.memref_slice %arg8[%dma_wait3A_1567] : memref<8x!tpu.dma_semaphore, #tpu.memory_space<semaphore_mem>> -> memref<1x!tpu.dma_semaphore, #tpu.memory_space<semaphore_mem>>
      %dma_wait3A_1577 = tpu.memref_squeeze %dma_wait3A_1576 : memref<1x!tpu.dma_semaphore, #tpu.memory_space<semaphore_mem>> -> memref<!tpu.dma_semaphore, #tpu.memory_space<semaphore_mem>>
      %dma_wait3A_1578 = arith.constant 0 : i32
      %dma_wait3A_1579 = arith.constant 0 : i32
      %dma_wait3A_1580 = tpu.memref_slice %arg4[%mul3A_2, %dma_wait3A_1578, %dma_wait3A_1579] : memref<4096x50x32xf32, #tpu.memory_space<hbm>> -> memref<1x50x32xf32, #tpu.memory_space<hbm>>
      %dma_wait3A_1581 = tpu.memref_squeeze %dma_wait3A_1580 : memref<1x50x32xf32, #tpu.memory_space<hbm>> -> memref<50x32xf32, #tpu.memory_space<hbm>>
      %dma_wait3A_1582 = arith.constant 0 : i32
      %dma_wait3A_1583 = arith.constant 0 : i32
      %dma_wait3A_1584 = tpu.memref_slice %arg6[%dma_wait3A_1566, %dma_wait3A_1582, %dma_wait3A_1583] : memref<8x50x32xf32, #tpu.memory_space<vmem>> -> memref<1x50x32xf32, #tpu.memory_space<vmem>>
      %dma_wait3A_1585 = tpu.memref_squeeze %dma_wait3A_1584 : memref<1x50x32xf32, #tpu.memory_space<vmem>> -> memref<50x32xf32, #tpu.memory_space<vmem>>
      tpu.wait_dma2 semaphore(%dma_wait3A_1577 : memref<!tpu.dma_semaphore, #tpu.memory_space<semaphore_mem>>) src(%dma_wait3A_1585 : memref<50x32xf32, #tpu.memory_space<vmem>>) dst(%dma_wait3A_1581 : memref<50x32xf32, #tpu.memory_space<hbm>>)
      %add3A_1586 = arith.constant 6 : i32
      %add3A_1587 = arith.addi %add3A_1526, %add3A_1586 : i32
      %dma_start3A_1588 = arith.constant 2 : i32
      %dma_start3A_1589 = arith.constant 2 : i32
      %dma_start3A_1590 = arith.constant 0 : i32
      %dma_start3A_1591 = arith.constant 0 : i32
      %dma_start3A_1592 = tpu.memref_slice %arg6[%dma_start3A_1588, %dma_start3A_1590, %dma_start3A_1591] : memref<8x50x32xf32, #tpu.memory_space<vmem>> -> memref<1x50x32xf32, #tpu.memory_space<vmem>>
      %dma_start3A_1593 = tpu.memref_squeeze %dma_start3A_1592 : memref<1x50x32xf32, #tpu.memory_space<vmem>> -> memref<50x32xf32, #tpu.memory_space<vmem>>
      %dma_start3A_1594 = arith.constant 0 : i32
      %dma_start3A_1595 = tpu.memref_slice %arg5[%add3A_1587, %dma_start3A_1594] : memref<128x50xi32, #tpu.memory_space<vmem>> -> memref<1x50xi32, #tpu.memory_space<vmem>>
      %dma_start3A_1596 = tpu.memref_squeeze %dma_start3A_1595 : memref<1x50xi32, #tpu.memory_space<vmem>> -> memref<50xi32, #tpu.memory_space<vmem>>
      %dma_start3A_1597 = arith.constant 0 : i32
      %dma_start3A_1598 = arith.constant 0 : i32
      %dma_start3A_1599 = tpu.memref_slice %arg3[%dma_start3A_1597, %dma_start3A_1598] : memref<1000000x32xf32, #tpu.memory_space<hbm>> -> memref<1000000x32xf32, #tpu.memory_space<hbm>>
      %dma_start3A_1600 = tpu.memref_slice %arg7[%dma_start3A_1589] : memref<8x!tpu.dma_semaphore, #tpu.memory_space<semaphore_mem>> -> memref<1x!tpu.dma_semaphore, #tpu.memory_space<semaphore_mem>>
      %dma_start3A_1601 = tpu.memref_squeeze %dma_start3A_1600 : memref<1x!tpu.dma_semaphore, #tpu.memory_space<semaphore_mem>> -> memref<!tpu.dma_semaphore, #tpu.memory_space<semaphore_mem>>
      tpu.enqueue_indirect_dma source(%dma_start3A_1599 : memref<1000000x32xf32, #tpu.memory_space<hbm>>) target(%dma_start3A_1593 : memref<50x32xf32, #tpu.memory_space<vmem>>) offsets(%dma_start3A_1596 : memref<50xi32, #tpu.memory_space<vmem>>) semaphore(%dma_start3A_1601 : memref<!tpu.dma_semaphore, #tpu.memory_space<semaphore_mem>>)
      %mul3A_1602 = arith.constant 8 : i32
      %mul3A_1603 = arith.muli %scan3A_1206, %mul3A_1602 : i32
      %add3A_1604 = arith.constant 5 : i32
      %add3A_1605 = arith.addi %mul3A_1603, %add3A_1604 : i32
      %dma_wait3A_1606 = arith.constant 5 : i32
      %dma_wait3A_1607 = arith.constant 5 : i32
      %dma_wait3A_1608 = arith.constant 0 : i32
      %dma_wait3A_1609 = arith.constant 0 : i32
      %dma_wait3A_1610 = tpu.memref_slice %arg6[%dma_wait3A_1606, %dma_wait3A_1608, %dma_wait3A_1609] : memref<8x50x32xf32, #tpu.memory_space<vmem>> -> memref<1x50x32xf32, #tpu.memory_space<vmem>>
      %dma_wait3A_1611 = tpu.memref_squeeze %dma_wait3A_1610 : memref<1x50x32xf32, #tpu.memory_space<vmem>> -> memref<50x32xf32, #tpu.memory_space<vmem>>
      %dma_wait3A_1612 = arith.constant 0 : i32
      %dma_wait3A_1613 = arith.constant 0 : i32
      %dma_wait3A_1614 = tpu.memref_slice %arg3[%dma_wait3A_1612, %dma_wait3A_1613] : memref<1000000x32xf32, #tpu.memory_space<hbm>> -> memref<50x32xf32, #tpu.memory_space<hbm>>
      %dma_wait3A_1615 = tpu.memref_slice %arg7[%dma_wait3A_1607] : memref<8x!tpu.dma_semaphore, #tpu.memory_space<semaphore_mem>> -> memref<1x!tpu.dma_semaphore, #tpu.memory_space<semaphore_mem>>
      %dma_wait3A_1616 = tpu.memref_squeeze %dma_wait3A_1615 : memref<1x!tpu.dma_semaphore, #tpu.memory_space<semaphore_mem>> -> memref<!tpu.dma_semaphore, #tpu.memory_space<semaphore_mem>>
      %dma_wait3A_1617 = arith.constant 0 : i32
      %dma_wait3A_1618 = arith.constant 0 : i32
      %dma_wait3A_1619 = tpu.memref_slice %arg6[%dma_wait3A_1606, %dma_wait3A_1617, %dma_wait3A_1618] : memref<8x50x32xf32, #tpu.memory_space<vmem>> -> memref<1x50x32xf32, #tpu.memory_space<vmem>>
      %dma_wait3A_1620 = tpu.memref_squeeze %dma_wait3A_1619 : memref<1x50x32xf32, #tpu.memory_space<vmem>> -> memref<50x32xf32, #tpu.memory_space<vmem>>
      %dma_wait3A_1621 = arith.constant 0 : i32
      %dma_wait3A_1622 = arith.constant 0 : i32
      %dma_wait3A_1623 = tpu.memref_slice %arg3[%dma_wait3A_1621, %dma_wait3A_1622] : memref<1000000x32xf32, #tpu.memory_space<hbm>> -> memref<50x32xf32, #tpu.memory_space<hbm>>
      tpu.wait_dma2 semaphore(%dma_wait3A_1616 : memref<!tpu.dma_semaphore, #tpu.memory_space<semaphore_mem>>) src(%dma_wait3A_1623 : memref<50x32xf32, #tpu.memory_space<hbm>>) dst(%dma_wait3A_1620 : memref<50x32xf32, #tpu.memory_space<vmem>>)
      %add3A_1624 = arith.addi %mul3A_2, %add3A_1605 : i32
      %dma_start3A_1625 = arith.constant 5 : i32
      %dma_start3A_1626 = arith.constant 5 : i32
      %dma_start3A_1627 = arith.constant 0 : i32
      %dma_start3A_1628 = arith.constant 0 : i32
      %dma_start3A_1629 = tpu.memref_slice %arg6[%dma_start3A_1625, %dma_start3A_1627, %dma_start3A_1628] : memref<8x50x32xf32, #tpu.memory_space<vmem>> -> memref<1x50x32xf32, #tpu.memory_space<vmem>>
      %dma_start3A_1630 = tpu.memref_squeeze %dma_start3A_1629 : memref<1x50x32xf32, #tpu.memory_space<vmem>> -> memref<50x32xf32, #tpu.memory_space<vmem>>
      %dma_start3A_1631 = arith.constant 0 : i32
      %dma_start3A_1632 = arith.constant 0 : i32
      %dma_start3A_1633 = tpu.memref_slice %arg4[%add3A_1624, %dma_start3A_1631, %dma_start3A_1632] : memref<4096x50x32xf32, #tpu.memory_space<hbm>> -> memref<1x50x32xf32, #tpu.memory_space<hbm>>
      %dma_start3A_1634 = tpu.memref_squeeze %dma_start3A_1633 : memref<1x50x32xf32, #tpu.memory_space<hbm>> -> memref<50x32xf32, #tpu.memory_space<hbm>>
      %dma_start3A_1635 = tpu.memref_slice %arg8[%dma_start3A_1626] : memref<8x!tpu.dma_semaphore, #tpu.memory_space<semaphore_mem>> -> memref<1x!tpu.dma_semaphore, #tpu.memory_space<semaphore_mem>>
      %dma_start3A_1636 = tpu.memref_squeeze %dma_start3A_1635 : memref<1x!tpu.dma_semaphore, #tpu.memory_space<semaphore_mem>> -> memref<!tpu.dma_semaphore, #tpu.memory_space<semaphore_mem>>
      %dma_start3A_1637 = arith.constant 0 : i32
      %dma_start3A_1638 = arith.constant 0 : i32
      %dma_start3A_1639 = tpu.memref_slice %arg4[%add3A_1624, %dma_start3A_1637, %dma_start3A_1638] : memref<4096x50x32xf32, #tpu.memory_space<hbm>> -> memref<1x50x32xf32, #tpu.memory_space<hbm>>
      %dma_start3A_1640 = tpu.memref_squeeze %dma_start3A_1639 : memref<1x50x32xf32, #tpu.memory_space<hbm>> -> memref<50x32xf32, #tpu.memory_space<hbm>>
      %dma_start3A_1641 = arith.constant 0 : i32
      %dma_start3A_1642 = arith.constant 0 : i32
      %dma_start3A_1643 = tpu.memref_slice %arg6[%dma_start3A_1625, %dma_start3A_1641, %dma_start3A_1642] : memref<8x50x32xf32, #tpu.memory_space<vmem>> -> memref<1x50x32xf32, #tpu.memory_space<vmem>>
      %dma_start3A_1644 = tpu.memref_squeeze %dma_start3A_1643 : memref<1x50x32xf32, #tpu.memory_space<vmem>> -> memref<50x32xf32, #tpu.memory_space<vmem>>
      tpu.enqueue_dma source(%dma_start3A_1644 : memref<50x32xf32, #tpu.memory_space<vmem>>) target(%dma_start3A_1640 : memref<50x32xf32, #tpu.memory_space<hbm>>) target_semaphore(%dma_start3A_1636 : memref<!tpu.dma_semaphore, #tpu.memory_space<semaphore_mem>>)
      %dma_wait3A_1645 = arith.constant 3 : i32
      %dma_wait3A_1646 = arith.constant 3 : i32
      %dma_wait3A_1647 = arith.constant 0 : i32
      %dma_wait3A_1648 = arith.constant 0 : i32
      %dma_wait3A_1649 = tpu.memref_slice %arg6[%dma_wait3A_1645, %dma_wait3A_1647, %dma_wait3A_1648] : memref<8x50x32xf32, #tpu.memory_space<vmem>> -> memref<1x50x32xf32, #tpu.memory_space<vmem>>
      %dma_wait3A_1650 = tpu.memref_squeeze %dma_wait3A_1649 : memref<1x50x32xf32, #tpu.memory_space<vmem>> -> memref<50x32xf32, #tpu.memory_space<vmem>>
      %dma_wait3A_1651 = arith.constant 0 : i32
      %dma_wait3A_1652 = arith.constant 0 : i32
      %dma_wait3A_1653 = tpu.memref_slice %arg4[%mul3A_2, %dma_wait3A_1651, %dma_wait3A_1652] : memref<4096x50x32xf32, #tpu.memory_space<hbm>> -> memref<1x50x32xf32, #tpu.memory_space<hbm>>
      %dma_wait3A_1654 = tpu.memref_squeeze %dma_wait3A_1653 : memref<1x50x32xf32, #tpu.memory_space<hbm>> -> memref<50x32xf32, #tpu.memory_space<hbm>>
      %dma_wait3A_1655 = tpu.memref_slice %arg8[%dma_wait3A_1646] : memref<8x!tpu.dma_semaphore, #tpu.memory_space<semaphore_mem>> -> memref<1x!tpu.dma_semaphore, #tpu.memory_space<semaphore_mem>>
      %dma_wait3A_1656 = tpu.memref_squeeze %dma_wait3A_1655 : memref<1x!tpu.dma_semaphore, #tpu.memory_space<semaphore_mem>> -> memref<!tpu.dma_semaphore, #tpu.memory_space<semaphore_mem>>
      %dma_wait3A_1657 = arith.constant 0 : i32
      %dma_wait3A_1658 = arith.constant 0 : i32
      %dma_wait3A_1659 = tpu.memref_slice %arg4[%mul3A_2, %dma_wait3A_1657, %dma_wait3A_1658] : memref<4096x50x32xf32, #tpu.memory_space<hbm>> -> memref<1x50x32xf32, #tpu.memory_space<hbm>>
      %dma_wait3A_1660 = tpu.memref_squeeze %dma_wait3A_1659 : memref<1x50x32xf32, #tpu.memory_space<hbm>> -> memref<50x32xf32, #tpu.memory_space<hbm>>
      %dma_wait3A_1661 = arith.constant 0 : i32
      %dma_wait3A_1662 = arith.constant 0 : i32
      %dma_wait3A_1663 = tpu.memref_slice %arg6[%dma_wait3A_1645, %dma_wait3A_1661, %dma_wait3A_1662] : memref<8x50x32xf32, #tpu.memory_space<vmem>> -> memref<1x50x32xf32, #tpu.memory_space<vmem>>
      %dma_wait3A_1664 = tpu.memref_squeeze %dma_wait3A_1663 : memref<1x50x32xf32, #tpu.memory_space<vmem>> -> memref<50x32xf32, #tpu.memory_space<vmem>>
      tpu.wait_dma2 semaphore(%dma_wait3A_1656 : memref<!tpu.dma_semaphore, #tpu.memory_space<semaphore_mem>>) src(%dma_wait3A_1664 : memref<50x32xf32, #tpu.memory_space<vmem>>) dst(%dma_wait3A_1660 : memref<50x32xf32, #tpu.memory_space<hbm>>)
      %add3A_1665 = arith.constant 6 : i32
      %add3A_1666 = arith.addi %add3A_1605, %add3A_1665 : i32
      %dma_start3A_1667 = arith.constant 3 : i32
      %dma_start3A_1668 = arith.constant 3 : i32
      %dma_start3A_1669 = arith.constant 0 : i32
      %dma_start3A_1670 = arith.constant 0 : i32
      %dma_start3A_1671 = tpu.memref_slice %arg6[%dma_start3A_1667, %dma_start3A_1669, %dma_start3A_1670] : memref<8x50x32xf32, #tpu.memory_space<vmem>> -> memref<1x50x32xf32, #tpu.memory_space<vmem>>
      %dma_start3A_1672 = tpu.memref_squeeze %dma_start3A_1671 : memref<1x50x32xf32, #tpu.memory_space<vmem>> -> memref<50x32xf32, #tpu.memory_space<vmem>>
      %dma_start3A_1673 = arith.constant 0 : i32
      %dma_start3A_1674 = tpu.memref_slice %arg5[%add3A_1666, %dma_start3A_1673] : memref<128x50xi32, #tpu.memory_space<vmem>> -> memref<1x50xi32, #tpu.memory_space<vmem>>
      %dma_start3A_1675 = tpu.memref_squeeze %dma_start3A_1674 : memref<1x50xi32, #tpu.memory_space<vmem>> -> memref<50xi32, #tpu.memory_space<vmem>>
      %dma_start3A_1676 = arith.constant 0 : i32
      %dma_start3A_1677 = arith.constant 0 : i32
      %dma_start3A_1678 = tpu.memref_slice %arg3[%dma_start3A_1676, %dma_start3A_1677] : memref<1000000x32xf32, #tpu.memory_space<hbm>> -> memref<1000000x32xf32, #tpu.memory_space<hbm>>
      %dma_start3A_1679 = tpu.memref_slice %arg7[%dma_start3A_1668] : memref<8x!tpu.dma_semaphore, #tpu.memory_space<semaphore_mem>> -> memref<1x!tpu.dma_semaphore, #tpu.memory_space<semaphore_mem>>
      %dma_start3A_1680 = tpu.memref_squeeze %dma_start3A_1679 : memref<1x!tpu.dma_semaphore, #tpu.memory_space<semaphore_mem>> -> memref<!tpu.dma_semaphore, #tpu.memory_space<semaphore_mem>>
      tpu.enqueue_indirect_dma source(%dma_start3A_1678 : memref<1000000x32xf32, #tpu.memory_space<hbm>>) target(%dma_start3A_1672 : memref<50x32xf32, #tpu.memory_space<vmem>>) offsets(%dma_start3A_1675 : memref<50xi32, #tpu.memory_space<vmem>>) semaphore(%dma_start3A_1680 : memref<!tpu.dma_semaphore, #tpu.memory_space<semaphore_mem>>)
      %mul3A_1681 = arith.constant 8 : i32
      %mul3A_1682 = arith.muli %scan3A_1206, %mul3A_1681 : i32
      %add3A_1683 = arith.constant 6 : i32
      %add3A_1684 = arith.addi %mul3A_1682, %add3A_1683 : i32
      %dma_wait3A_1685 = arith.constant 6 : i32
      %dma_wait3A_1686 = arith.constant 6 : i32
      %dma_wait3A_1687 = arith.constant 0 : i32
      %dma_wait3A_1688 = arith.constant 0 : i32
      %dma_wait3A_1689 = tpu.memref_slice %arg6[%dma_wait3A_1685, %dma_wait3A_1687, %dma_wait3A_1688] : memref<8x50x32xf32, #tpu.memory_space<vmem>> -> memref<1x50x32xf32, #tpu.memory_space<vmem>>
      %dma_wait3A_1690 = tpu.memref_squeeze %dma_wait3A_1689 : memref<1x50x32xf32, #tpu.memory_space<vmem>> -> memref<50x32xf32, #tpu.memory_space<vmem>>
      %dma_wait3A_1691 = arith.constant 0 : i32
      %dma_wait3A_1692 = arith.constant 0 : i32
      %dma_wait3A_1693 = tpu.memref_slice %arg3[%dma_wait3A_1691, %dma_wait3A_1692] : memref<1000000x32xf32, #tpu.memory_space<hbm>> -> memref<50x32xf32, #tpu.memory_space<hbm>>
      %dma_wait3A_1694 = tpu.memref_slice %arg7[%dma_wait3A_1686] : memref<8x!tpu.dma_semaphore, #tpu.memory_space<semaphore_mem>> -> memref<1x!tpu.dma_semaphore, #tpu.memory_space<semaphore_mem>>
      %dma_wait3A_1695 = tpu.memref_squeeze %dma_wait3A_1694 : memref<1x!tpu.dma_semaphore, #tpu.memory_space<semaphore_mem>> -> memref<!tpu.dma_semaphore, #tpu.memory_space<semaphore_mem>>
      %dma_wait3A_1696 = arith.constant 0 : i32
      %dma_wait3A_1697 = arith.constant 0 : i32
      %dma_wait3A_1698 = tpu.memref_slice %arg6[%dma_wait3A_1685, %dma_wait3A_1696, %dma_wait3A_1697] : memref<8x50x32xf32, #tpu.memory_space<vmem>> -> memref<1x50x32xf32, #tpu.memory_space<vmem>>
      %dma_wait3A_1699 = tpu.memref_squeeze %dma_wait3A_1698 : memref<1x50x32xf32, #tpu.memory_space<vmem>> -> memref<50x32xf32, #tpu.memory_space<vmem>>
      %dma_wait3A_1700 = arith.constant 0 : i32
      %dma_wait3A_1701 = arith.constant 0 : i32
      %dma_wait3A_1702 = tpu.memref_slice %arg3[%dma_wait3A_1700, %dma_wait3A_1701] : memref<1000000x32xf32, #tpu.memory_space<hbm>> -> memref<50x32xf32, #tpu.memory_space<hbm>>
      tpu.wait_dma2 semaphore(%dma_wait3A_1695 : memref<!tpu.dma_semaphore, #tpu.memory_space<semaphore_mem>>) src(%dma_wait3A_1702 : memref<50x32xf32, #tpu.memory_space<hbm>>) dst(%dma_wait3A_1699 : memref<50x32xf32, #tpu.memory_space<vmem>>)
      %add3A_1703 = arith.addi %mul3A_2, %add3A_1684 : i32
      %dma_start3A_1704 = arith.constant 6 : i32
      %dma_start3A_1705 = arith.constant 6 : i32
      %dma_start3A_1706 = arith.constant 0 : i32
      %dma_start3A_1707 = arith.constant 0 : i32
      %dma_start3A_1708 = tpu.memref_slice %arg6[%dma_start3A_1704, %dma_start3A_1706, %dma_start3A_1707] : memref<8x50x32xf32, #tpu.memory_space<vmem>> -> memref<1x50x32xf32, #tpu.memory_space<vmem>>
      %dma_start3A_1709 = tpu.memref_squeeze %dma_start3A_1708 : memref<1x50x32xf32, #tpu.memory_space<vmem>> -> memref<50x32xf32, #tpu.memory_space<vmem>>
      %dma_start3A_1710 = arith.constant 0 : i32
      %dma_start3A_1711 = arith.constant 0 : i32
      %dma_start3A_1712 = tpu.memref_slice %arg4[%add3A_1703, %dma_start3A_1710, %dma_start3A_1711] : memref<4096x50x32xf32, #tpu.memory_space<hbm>> -> memref<1x50x32xf32, #tpu.memory_space<hbm>>
      %dma_start3A_1713 = tpu.memref_squeeze %dma_start3A_1712 : memref<1x50x32xf32, #tpu.memory_space<hbm>> -> memref<50x32xf32, #tpu.memory_space<hbm>>
      %dma_start3A_1714 = tpu.memref_slice %arg8[%dma_start3A_1705] : memref<8x!tpu.dma_semaphore, #tpu.memory_space<semaphore_mem>> -> memref<1x!tpu.dma_semaphore, #tpu.memory_space<semaphore_mem>>
      %dma_start3A_1715 = tpu.memref_squeeze %dma_start3A_1714 : memref<1x!tpu.dma_semaphore, #tpu.memory_space<semaphore_mem>> -> memref<!tpu.dma_semaphore, #tpu.memory_space<semaphore_mem>>
      %dma_start3A_1716 = arith.constant 0 : i32
      %dma_start3A_1717 = arith.constant 0 : i32
      %dma_start3A_1718 = tpu.memref_slice %arg4[%add3A_1703, %dma_start3A_1716, %dma_start3A_1717] : memref<4096x50x32xf32, #tpu.memory_space<hbm>> -> memref<1x50x32xf32, #tpu.memory_space<hbm>>
      %dma_start3A_1719 = tpu.memref_squeeze %dma_start3A_1718 : memref<1x50x32xf32, #tpu.memory_space<hbm>> -> memref<50x32xf32, #tpu.memory_space<hbm>>
      %dma_start3A_1720 = arith.constant 0 : i32
      %dma_start3A_1721 = arith.constant 0 : i32
      %dma_start3A_1722 = tpu.memref_slice %arg6[%dma_start3A_1704, %dma_start3A_1720, %dma_start3A_1721] : memref<8x50x32xf32, #tpu.memory_space<vmem>> -> memref<1x50x32xf32, #tpu.memory_space<vmem>>
      %dma_start3A_1723 = tpu.memref_squeeze %dma_start3A_1722 : memref<1x50x32xf32, #tpu.memory_space<vmem>> -> memref<50x32xf32, #tpu.memory_space<vmem>>
      tpu.enqueue_dma source(%dma_start3A_1723 : memref<50x32xf32, #tpu.memory_space<vmem>>) target(%dma_start3A_1719 : memref<50x32xf32, #tpu.memory_space<hbm>>) target_semaphore(%dma_start3A_1715 : memref<!tpu.dma_semaphore, #tpu.memory_space<semaphore_mem>>)
      %dma_wait3A_1724 = arith.constant 4 : i32
      %dma_wait3A_1725 = arith.constant 4 : i32
      %dma_wait3A_1726 = arith.constant 0 : i32
      %dma_wait3A_1727 = arith.constant 0 : i32
      %dma_wait3A_1728 = tpu.memref_slice %arg6[%dma_wait3A_1724, %dma_wait3A_1726, %dma_wait3A_1727] : memref<8x50x32xf32, #tpu.memory_space<vmem>> -> memref<1x50x32xf32, #tpu.memory_space<vmem>>
      %dma_wait3A_1729 = tpu.memref_squeeze %dma_wait3A_1728 : memref<1x50x32xf32, #tpu.memory_space<vmem>> -> memref<50x32xf32, #tpu.memory_space<vmem>>
      %dma_wait3A_1730 = arith.constant 0 : i32
      %dma_wait3A_1731 = arith.constant 0 : i32
      %dma_wait3A_1732 = tpu.memref_slice %arg4[%mul3A_2, %dma_wait3A_1730, %dma_wait3A_1731] : memref<4096x50x32xf32, #tpu.memory_space<hbm>> -> memref<1x50x32xf32, #tpu.memory_space<hbm>>
      %dma_wait3A_1733 = tpu.memref_squeeze %dma_wait3A_1732 : memref<1x50x32xf32, #tpu.memory_space<hbm>> -> memref<50x32xf32, #tpu.memory_space<hbm>>
      %dma_wait3A_1734 = tpu.memref_slice %arg8[%dma_wait3A_1725] : memref<8x!tpu.dma_semaphore, #tpu.memory_space<semaphore_mem>> -> memref<1x!tpu.dma_semaphore, #tpu.memory_space<semaphore_mem>>
      %dma_wait3A_1735 = tpu.memref_squeeze %dma_wait3A_1734 : memref<1x!tpu.dma_semaphore, #tpu.memory_space<semaphore_mem>> -> memref<!tpu.dma_semaphore, #tpu.memory_space<semaphore_mem>>
      %dma_wait3A_1736 = arith.constant 0 : i32
      %dma_wait3A_1737 = arith.constant 0 : i32
      %dma_wait3A_1738 = tpu.memref_slice %arg4[%mul3A_2, %dma_wait3A_1736, %dma_wait3A_1737] : memref<4096x50x32xf32, #tpu.memory_space<hbm>> -> memref<1x50x32xf32, #tpu.memory_space<hbm>>
      %dma_wait3A_1739 = tpu.memref_squeeze %dma_wait3A_1738 : memref<1x50x32xf32, #tpu.memory_space<hbm>> -> memref<50x32xf32, #tpu.memory_space<hbm>>
      %dma_wait3A_1740 = arith.constant 0 : i32
      %dma_wait3A_1741 = arith.constant 0 : i32
      %dma_wait3A_1742 = tpu.memref_slice %arg6[%dma_wait3A_1724, %dma_wait3A_1740, %dma_wait3A_1741] : memref<8x50x32xf32, #tpu.memory_space<vmem>> -> memref<1x50x32xf32, #tpu.memory_space<vmem>>
      %dma_wait3A_1743 = tpu.memref_squeeze %dma_wait3A_1742 : memref<1x50x32xf32, #tpu.memory_space<vmem>> -> memref<50x32xf32, #tpu.memory_space<vmem>>
      tpu.wait_dma2 semaphore(%dma_wait3A_1735 : memref<!tpu.dma_semaphore, #tpu.memory_space<semaphore_mem>>) src(%dma_wait3A_1743 : memref<50x32xf32, #tpu.memory_space<vmem>>) dst(%dma_wait3A_1739 : memref<50x32xf32, #tpu.memory_space<hbm>>)
      %add3A_1744 = arith.constant 6 : i32
      %add3A_1745 = arith.addi %add3A_1684, %add3A_1744 : i32
      %dma_start3A_1746 = arith.constant 4 : i32
      %dma_start3A_1747 = arith.constant 4 : i32
      %dma_start3A_1748 = arith.constant 0 : i32
      %dma_start3A_1749 = arith.constant 0 : i32
      %dma_start3A_1750 = tpu.memref_slice %arg6[%dma_start3A_1746, %dma_start3A_1748, %dma_start3A_1749] : memref<8x50x32xf32, #tpu.memory_space<vmem>> -> memref<1x50x32xf32, #tpu.memory_space<vmem>>
      %dma_start3A_1751 = tpu.memref_squeeze %dma_start3A_1750 : memref<1x50x32xf32, #tpu.memory_space<vmem>> -> memref<50x32xf32, #tpu.memory_space<vmem>>
      %dma_start3A_1752 = arith.constant 0 : i32
      %dma_start3A_1753 = tpu.memref_slice %arg5[%add3A_1745, %dma_start3A_1752] : memref<128x50xi32, #tpu.memory_space<vmem>> -> memref<1x50xi32, #tpu.memory_space<vmem>>
      %dma_start3A_1754 = tpu.memref_squeeze %dma_start3A_1753 : memref<1x50xi32, #tpu.memory_space<vmem>> -> memref<50xi32, #tpu.memory_space<vmem>>
      %dma_start3A_1755 = arith.constant 0 : i32
      %dma_start3A_1756 = arith.constant 0 : i32
      %dma_start3A_1757 = tpu.memref_slice %arg3[%dma_start3A_1755, %dma_start3A_1756] : memref<1000000x32xf32, #tpu.memory_space<hbm>> -> memref<1000000x32xf32, #tpu.memory_space<hbm>>
      %dma_start3A_1758 = tpu.memref_slice %arg7[%dma_start3A_1747] : memref<8x!tpu.dma_semaphore, #tpu.memory_space<semaphore_mem>> -> memref<1x!tpu.dma_semaphore, #tpu.memory_space<semaphore_mem>>
      %dma_start3A_1759 = tpu.memref_squeeze %dma_start3A_1758 : memref<1x!tpu.dma_semaphore, #tpu.memory_space<semaphore_mem>> -> memref<!tpu.dma_semaphore, #tpu.memory_space<semaphore_mem>>
      tpu.enqueue_indirect_dma source(%dma_start3A_1757 : memref<1000000x32xf32, #tpu.memory_space<hbm>>) target(%dma_start3A_1751 : memref<50x32xf32, #tpu.memory_space<vmem>>) offsets(%dma_start3A_1754 : memref<50xi32, #tpu.memory_space<vmem>>) semaphore(%dma_start3A_1759 : memref<!tpu.dma_semaphore, #tpu.memory_space<semaphore_mem>>)
      %mul3A_1760 = arith.constant 8 : i32
      %mul3A_1761 = arith.muli %scan3A_1206, %mul3A_1760 : i32
      %add3A_1762 = arith.constant 7 : i32
      %add3A_1763 = arith.addi %mul3A_1761, %add3A_1762 : i32
      %dma_wait3A_1764 = arith.constant 7 : i32
      %dma_wait3A_1765 = arith.constant 7 : i32
      %dma_wait3A_1766 = arith.constant 0 : i32
      %dma_wait3A_1767 = arith.constant 0 : i32
      %dma_wait3A_1768 = tpu.memref_slice %arg6[%dma_wait3A_1764, %dma_wait3A_1766, %dma_wait3A_1767] : memref<8x50x32xf32, #tpu.memory_space<vmem>> -> memref<1x50x32xf32, #tpu.memory_space<vmem>>
      %dma_wait3A_1769 = tpu.memref_squeeze %dma_wait3A_1768 : memref<1x50x32xf32, #tpu.memory_space<vmem>> -> memref<50x32xf32, #tpu.memory_space<vmem>>
      %dma_wait3A_1770 = arith.constant 0 : i32
      %dma_wait3A_1771 = arith.constant 0 : i32
      %dma_wait3A_1772 = tpu.memref_slice %arg3[%dma_wait3A_1770, %dma_wait3A_1771] : memref<1000000x32xf32, #tpu.memory_space<hbm>> -> memref<50x32xf32, #tpu.memory_space<hbm>>
      %dma_wait3A_1773 = tpu.memref_slice %arg7[%dma_wait3A_1765] : memref<8x!tpu.dma_semaphore, #tpu.memory_space<semaphore_mem>> -> memref<1x!tpu.dma_semaphore, #tpu.memory_space<semaphore_mem>>
      %dma_wait3A_1774 = tpu.memref_squeeze %dma_wait3A_1773 : memref<1x!tpu.dma_semaphore, #tpu.memory_space<semaphore_mem>> -> memref<!tpu.dma_semaphore, #tpu.memory_space<semaphore_mem>>
      %dma_wait3A_1775 = arith.constant 0 : i32
      %dma_wait3A_1776 = arith.constant 0 : i32
      %dma_wait3A_1777 = tpu.memref_slice %arg6[%dma_wait3A_1764, %dma_wait3A_1775, %dma_wait3A_1776] : memref<8x50x32xf32, #tpu.memory_space<vmem>> -> memref<1x50x32xf32, #tpu.memory_space<vmem>>
      %dma_wait3A_1778 = tpu.memref_squeeze %dma_wait3A_1777 : memref<1x50x32xf32, #tpu.memory_space<vmem>> -> memref<50x32xf32, #tpu.memory_space<vmem>>
      %dma_wait3A_1779 = arith.constant 0 : i32
      %dma_wait3A_1780 = arith.constant 0 : i32
      %dma_wait3A_1781 = tpu.memref_slice %arg3[%dma_wait3A_1779, %dma_wait3A_1780] : memref<1000000x32xf32, #tpu.memory_space<hbm>> -> memref<50x32xf32, #tpu.memory_space<hbm>>
      tpu.wait_dma2 semaphore(%dma_wait3A_1774 : memref<!tpu.dma_semaphore, #tpu.memory_space<semaphore_mem>>) src(%dma_wait3A_1781 : memref<50x32xf32, #tpu.memory_space<hbm>>) dst(%dma_wait3A_1778 : memref<50x32xf32, #tpu.memory_space<vmem>>)
      %add3A_1782 = arith.addi %mul3A_2, %add3A_1763 : i32
      %dma_start3A_1783 = arith.constant 7 : i32
      %dma_start3A_1784 = arith.constant 7 : i32
      %dma_start3A_1785 = arith.constant 0 : i32
      %dma_start3A_1786 = arith.constant 0 : i32
      %dma_start3A_1787 = tpu.memref_slice %arg6[%dma_start3A_1783, %dma_start3A_1785, %dma_start3A_1786] : memref<8x50x32xf32, #tpu.memory_space<vmem>> -> memref<1x50x32xf32, #tpu.memory_space<vmem>>
      %dma_start3A_1788 = tpu.memref_squeeze %dma_start3A_1787 : memref<1x50x32xf32, #tpu.memory_space<vmem>> -> memref<50x32xf32, #tpu.memory_space<vmem>>
      %dma_start3A_1789 = arith.constant 0 : i32
      %dma_start3A_1790 = arith.constant 0 : i32
      %dma_start3A_1791 = tpu.memref_slice %arg4[%add3A_1782, %dma_start3A_1789, %dma_start3A_1790] : memref<4096x50x32xf32, #tpu.memory_space<hbm>> -> memref<1x50x32xf32, #tpu.memory_space<hbm>>
      %dma_start3A_1792 = tpu.memref_squeeze %dma_start3A_1791 : memref<1x50x32xf32, #tpu.memory_space<hbm>> -> memref<50x32xf32, #tpu.memory_space<hbm>>
      %dma_start3A_1793 = tpu.memref_slice %arg8[%dma_start3A_1784] : memref<8x!tpu.dma_semaphore, #tpu.memory_space<semaphore_mem>> -> memref<1x!tpu.dma_semaphore, #tpu.memory_space<semaphore_mem>>
      %dma_start3A_1794 = tpu.memref_squeeze %dma_start3A_1793 : memref<1x!tpu.dma_semaphore, #tpu.memory_space<semaphore_mem>> -> memref<!tpu.dma_semaphore, #tpu.memory_space<semaphore_mem>>
      %dma_start3A_1795 = arith.constant 0 : i32
      %dma_start3A_1796 = arith.constant 0 : i32
      %dma_start3A_1797 = tpu.memref_slice %arg4[%add3A_1782, %dma_start3A_1795, %dma_start3A_1796] : memref<4096x50x32xf32, #tpu.memory_space<hbm>> -> memref<1x50x32xf32, #tpu.memory_space<hbm>>
      %dma_start3A_1798 = tpu.memref_squeeze %dma_start3A_1797 : memref<1x50x32xf32, #tpu.memory_space<hbm>> -> memref<50x32xf32, #tpu.memory_space<hbm>>
      %dma_start3A_1799 = arith.constant 0 : i32
      %dma_start3A_1800 = arith.constant 0 : i32
      %dma_start3A_1801 = tpu.memref_slice %arg6[%dma_start3A_1783, %dma_start3A_1799, %dma_start3A_1800] : memref<8x50x32xf32, #tpu.memory_space<vmem>> -> memref<1x50x32xf32, #tpu.memory_space<vmem>>
      %dma_start3A_1802 = tpu.memref_squeeze %dma_start3A_1801 : memref<1x50x32xf32, #tpu.memory_space<vmem>> -> memref<50x32xf32, #tpu.memory_space<vmem>>
      tpu.enqueue_dma source(%dma_start3A_1802 : memref<50x32xf32, #tpu.memory_space<vmem>>) target(%dma_start3A_1798 : memref<50x32xf32, #tpu.memory_space<hbm>>) target_semaphore(%dma_start3A_1794 : memref<!tpu.dma_semaphore, #tpu.memory_space<semaphore_mem>>)
      %dma_wait3A_1803 = arith.constant 5 : i32
      %dma_wait3A_1804 = arith.constant 5 : i32
      %dma_wait3A_1805 = arith.constant 0 : i32
      %dma_wait3A_1806 = arith.constant 0 : i32
      %dma_wait3A_1807 = tpu.memref_slice %arg6[%dma_wait3A_1803, %dma_wait3A_1805, %dma_wait3A_1806] : memref<8x50x32xf32, #tpu.memory_space<vmem>> -> memref<1x50x32xf32, #tpu.memory_space<vmem>>
      %dma_wait3A_1808 = tpu.memref_squeeze %dma_wait3A_1807 : memref<1x50x32xf32, #tpu.memory_space<vmem>> -> memref<50x32xf32, #tpu.memory_space<vmem>>
      %dma_wait3A_1809 = arith.constant 0 : i32
      %dma_wait3A_1810 = arith.constant 0 : i32
      %dma_wait3A_1811 = tpu.memref_slice %arg4[%mul3A_2, %dma_wait3A_1809, %dma_wait3A_1810] : memref<4096x50x32xf32, #tpu.memory_space<hbm>> -> memref<1x50x32xf32, #tpu.memory_space<hbm>>
      %dma_wait3A_1812 = tpu.memref_squeeze %dma_wait3A_1811 : memref<1x50x32xf32, #tpu.memory_space<hbm>> -> memref<50x32xf32, #tpu.memory_space<hbm>>
      %dma_wait3A_1813 = tpu.memref_slice %arg8[%dma_wait3A_1804] : memref<8x!tpu.dma_semaphore, #tpu.memory_space<semaphore_mem>> -> memref<1x!tpu.dma_semaphore, #tpu.memory_space<semaphore_mem>>
      %dma_wait3A_1814 = tpu.memref_squeeze %dma_wait3A_1813 : memref<1x!tpu.dma_semaphore, #tpu.memory_space<semaphore_mem>> -> memref<!tpu.dma_semaphore, #tpu.memory_space<semaphore_mem>>
      %dma_wait3A_1815 = arith.constant 0 : i32
      %dma_wait3A_1816 = arith.constant 0 : i32
      %dma_wait3A_1817 = tpu.memref_slice %arg4[%mul3A_2, %dma_wait3A_1815, %dma_wait3A_1816] : memref<4096x50x32xf32, #tpu.memory_space<hbm>> -> memref<1x50x32xf32, #tpu.memory_space<hbm>>
      %dma_wait3A_1818 = tpu.memref_squeeze %dma_wait3A_1817 : memref<1x50x32xf32, #tpu.memory_space<hbm>> -> memref<50x32xf32, #tpu.memory_space<hbm>>
      %dma_wait3A_1819 = arith.constant 0 : i32
      %dma_wait3A_1820 = arith.constant 0 : i32
      %dma_wait3A_1821 = tpu.memref_slice %arg6[%dma_wait3A_1803, %dma_wait3A_1819, %dma_wait3A_1820] : memref<8x50x32xf32, #tpu.memory_space<vmem>> -> memref<1x50x32xf32, #tpu.memory_space<vmem>>
      %dma_wait3A_1822 = tpu.memref_squeeze %dma_wait3A_1821 : memref<1x50x32xf32, #tpu.memory_space<vmem>> -> memref<50x32xf32, #tpu.memory_space<vmem>>
      tpu.wait_dma2 semaphore(%dma_wait3A_1814 : memref<!tpu.dma_semaphore, #tpu.memory_space<semaphore_mem>>) src(%dma_wait3A_1822 : memref<50x32xf32, #tpu.memory_space<vmem>>) dst(%dma_wait3A_1818 : memref<50x32xf32, #tpu.memory_space<hbm>>)
      %add3A_1823 = arith.constant 6 : i32
      %add3A_1824 = arith.addi %add3A_1763, %add3A_1823 : i32
      %dma_start3A_1825 = arith.constant 5 : i32
      %dma_start3A_1826 = arith.constant 5 : i32
      %dma_start3A_1827 = arith.constant 0 : i32
      %dma_start3A_1828 = arith.constant 0 : i32
      %dma_start3A_1829 = tpu.memref_slice %arg6[%dma_start3A_1825, %dma_start3A_1827, %dma_start3A_1828] : memref<8x50x32xf32, #tpu.memory_space<vmem>> -> memref<1x50x32xf32, #tpu.memory_space<vmem>>
      %dma_start3A_1830 = tpu.memref_squeeze %dma_start3A_1829 : memref<1x50x32xf32, #tpu.memory_space<vmem>> -> memref<50x32xf32, #tpu.memory_space<vmem>>
      %dma_start3A_1831 = arith.constant 0 : i32
      %dma_start3A_1832 = tpu.memref_slice %arg5[%add3A_1824, %dma_start3A_1831] : memref<128x50xi32, #tpu.memory_space<vmem>> -> memref<1x50xi32, #tpu.memory_space<vmem>>
      %dma_start3A_1833 = tpu.memref_squeeze %dma_start3A_1832 : memref<1x50xi32, #tpu.memory_space<vmem>> -> memref<50xi32, #tpu.memory_space<vmem>>
      %dma_start3A_1834 = arith.constant 0 : i32
      %dma_start3A_1835 = arith.constant 0 : i32
      %dma_start3A_1836 = tpu.memref_slice %arg3[%dma_start3A_1834, %dma_start3A_1835] : memref<1000000x32xf32, #tpu.memory_space<hbm>> -> memref<1000000x32xf32, #tpu.memory_space<hbm>>
      %dma_start3A_1837 = tpu.memref_slice %arg7[%dma_start3A_1826] : memref<8x!tpu.dma_semaphore, #tpu.memory_space<semaphore_mem>> -> memref<1x!tpu.dma_semaphore, #tpu.memory_space<semaphore_mem>>
      %dma_start3A_1838 = tpu.memref_squeeze %dma_start3A_1837 : memref<1x!tpu.dma_semaphore, #tpu.memory_space<semaphore_mem>> -> memref<!tpu.dma_semaphore, #tpu.memory_space<semaphore_mem>>
      tpu.enqueue_indirect_dma source(%dma_start3A_1836 : memref<1000000x32xf32, #tpu.memory_space<hbm>>) target(%dma_start3A_1830 : memref<50x32xf32, #tpu.memory_space<vmem>>) offsets(%dma_start3A_1833 : memref<50xi32, #tpu.memory_space<vmem>>) semaphore(%dma_start3A_1838 : memref<!tpu.dma_semaphore, #tpu.memory_space<semaphore_mem>>)
    }
    %scan3A_655 = arith.constant 14 : i32
    %dma_wait3A_656 = arith.constant 0 : i32
    %dma_wait3A_657 = arith.constant 0 : i32
    %dma_wait3A_658 = arith.constant 0 : i32
    %dma_wait3A_659 = arith.constant 0 : i32
    %dma_wait3A_660 = tpu.memref_slice %arg6[%dma_wait3A_656, %dma_wait3A_658, %dma_wait3A_659] : memref<8x50x32xf32, #tpu.memory_space<vmem>> -> memref<1x50x32xf32, #tpu.memory_space<vmem>>
    %dma_wait3A_661 = tpu.memref_squeeze %dma_wait3A_660 : memref<1x50x32xf32, #tpu.memory_space<vmem>> -> memref<50x32xf32, #tpu.memory_space<vmem>>
    %dma_wait3A_662 = arith.constant 0 : i32
    %dma_wait3A_663 = arith.constant 0 : i32
    %dma_wait3A_664 = tpu.memref_slice %arg3[%dma_wait3A_662, %dma_wait3A_663] : memref<1000000x32xf32, #tpu.memory_space<hbm>> -> memref<50x32xf32, #tpu.memory_space<hbm>>
    %dma_wait3A_665 = tpu.memref_slice %arg7[%dma_wait3A_657] : memref<8x!tpu.dma_semaphore, #tpu.memory_space<semaphore_mem>> -> memref<1x!tpu.dma_semaphore, #tpu.memory_space<semaphore_mem>>
    %dma_wait3A_666 = tpu.memref_squeeze %dma_wait3A_665 : memref<1x!tpu.dma_semaphore, #tpu.memory_space<semaphore_mem>> -> memref<!tpu.dma_semaphore, #tpu.memory_space<semaphore_mem>>
    %dma_wait3A_667 = arith.constant 0 : i32
    %dma_wait3A_668 = arith.constant 0 : i32
    %dma_wait3A_669 = tpu.memref_slice %arg6[%dma_wait3A_656, %dma_wait3A_667, %dma_wait3A_668] : memref<8x50x32xf32, #tpu.memory_space<vmem>> -> memref<1x50x32xf32, #tpu.memory_space<vmem>>
    %dma_wait3A_670 = tpu.memref_squeeze %dma_wait3A_669 : memref<1x50x32xf32, #tpu.memory_space<vmem>> -> memref<50x32xf32, #tpu.memory_space<vmem>>
    %dma_wait3A_671 = arith.constant 0 : i32
    %dma_wait3A_672 = arith.constant 0 : i32
    %dma_wait3A_673 = tpu.memref_slice %arg3[%dma_wait3A_671, %dma_wait3A_672] : memref<1000000x32xf32, #tpu.memory_space<hbm>> -> memref<50x32xf32, #tpu.memory_space<hbm>>
    tpu.wait_dma2 semaphore(%dma_wait3A_666 : memref<!tpu.dma_semaphore, #tpu.memory_space<semaphore_mem>>) src(%dma_wait3A_673 : memref<50x32xf32, #tpu.memory_space<hbm>>) dst(%dma_wait3A_670 : memref<50x32xf32, #tpu.memory_space<vmem>>)
    %add3A_674 = arith.constant 120 : i32
    %add3A_675 = arith.addi %mul3A_2, %add3A_674 : i32
    %dma_start3A_676 = arith.constant 0 : i32
    %dma_start3A_677 = arith.constant 0 : i32
    %dma_start3A_678 = arith.constant 0 : i32
    %dma_start3A_679 = arith.constant 0 : i32
    %dma_start3A_680 = tpu.memref_slice %arg6[%dma_start3A_676, %dma_start3A_678, %dma_start3A_679] : memref<8x50x32xf32, #tpu.memory_space<vmem>> -> memref<1x50x32xf32, #tpu.memory_space<vmem>>
    %dma_start3A_681 = tpu.memref_squeeze %dma_start3A_680 : memref<1x50x32xf32, #tpu.memory_space<vmem>> -> memref<50x32xf32, #tpu.memory_space<vmem>>
    %dma_start3A_682 = arith.constant 0 : i32
    %dma_start3A_683 = arith.constant 0 : i32
    %dma_start3A_684 = tpu.memref_slice %arg4[%add3A_675, %dma_start3A_682, %dma_start3A_683] : memref<4096x50x32xf32, #tpu.memory_space<hbm>> -> memref<1x50x32xf32, #tpu.memory_space<hbm>>
    %dma_start3A_685 = tpu.memref_squeeze %dma_start3A_684 : memref<1x50x32xf32, #tpu.memory_space<hbm>> -> memref<50x32xf32, #tpu.memory_space<hbm>>
    %dma_start3A_686 = tpu.memref_slice %arg8[%dma_start3A_677] : memref<8x!tpu.dma_semaphore, #tpu.memory_space<semaphore_mem>> -> memref<1x!tpu.dma_semaphore, #tpu.memory_space<semaphore_mem>>
    %dma_start3A_687 = tpu.memref_squeeze %dma_start3A_686 : memref<1x!tpu.dma_semaphore, #tpu.memory_space<semaphore_mem>> -> memref<!tpu.dma_semaphore, #tpu.memory_space<semaphore_mem>>
    %dma_start3A_688 = arith.constant 0 : i32
    %dma_start3A_689 = arith.constant 0 : i32
    %dma_start3A_690 = tpu.memref_slice %arg4[%add3A_675, %dma_start3A_688, %dma_start3A_689] : memref<4096x50x32xf32, #tpu.memory_space<hbm>> -> memref<1x50x32xf32, #tpu.memory_space<hbm>>
    %dma_start3A_691 = tpu.memref_squeeze %dma_start3A_690 : memref<1x50x32xf32, #tpu.memory_space<hbm>> -> memref<50x32xf32, #tpu.memory_space<hbm>>
    %dma_start3A_692 = arith.constant 0 : i32
    %dma_start3A_693 = arith.constant 0 : i32
    %dma_start3A_694 = tpu.memref_slice %arg6[%dma_start3A_676, %dma_start3A_692, %dma_start3A_693] : memref<8x50x32xf32, #tpu.memory_space<vmem>> -> memref<1x50x32xf32, #tpu.memory_space<vmem>>
    %dma_start3A_695 = tpu.memref_squeeze %dma_start3A_694 : memref<1x50x32xf32, #tpu.memory_space<vmem>> -> memref<50x32xf32, #tpu.memory_space<vmem>>
    tpu.enqueue_dma source(%dma_start3A_695 : memref<50x32xf32, #tpu.memory_space<vmem>>) target(%dma_start3A_691 : memref<50x32xf32, #tpu.memory_space<hbm>>) target_semaphore(%dma_start3A_687 : memref<!tpu.dma_semaphore, #tpu.memory_space<semaphore_mem>>)
    %dma_wait3A_696 = arith.constant 6 : i32
    %dma_wait3A_697 = arith.constant 6 : i32
    %dma_wait3A_698 = arith.constant 0 : i32
    %dma_wait3A_699 = arith.constant 0 : i32
    %dma_wait3A_700 = tpu.memref_slice %arg6[%dma_wait3A_696, %dma_wait3A_698, %dma_wait3A_699] : memref<8x50x32xf32, #tpu.memory_space<vmem>> -> memref<1x50x32xf32, #tpu.memory_space<vmem>>
    %dma_wait3A_701 = tpu.memref_squeeze %dma_wait3A_700 : memref<1x50x32xf32, #tpu.memory_space<vmem>> -> memref<50x32xf32, #tpu.memory_space<vmem>>
    %dma_wait3A_702 = arith.constant 0 : i32
    %dma_wait3A_703 = arith.constant 0 : i32
    %dma_wait3A_704 = tpu.memref_slice %arg4[%mul3A_2, %dma_wait3A_702, %dma_wait3A_703] : memref<4096x50x32xf32, #tpu.memory_space<hbm>> -> memref<1x50x32xf32, #tpu.memory_space<hbm>>
    %dma_wait3A_705 = tpu.memref_squeeze %dma_wait3A_704 : memref<1x50x32xf32, #tpu.memory_space<hbm>> -> memref<50x32xf32, #tpu.memory_space<hbm>>
    %dma_wait3A_706 = tpu.memref_slice %arg8[%dma_wait3A_697] : memref<8x!tpu.dma_semaphore, #tpu.memory_space<semaphore_mem>> -> memref<1x!tpu.dma_semaphore, #tpu.memory_space<semaphore_mem>>
    %dma_wait3A_707 = tpu.memref_squeeze %dma_wait3A_706 : memref<1x!tpu.dma_semaphore, #tpu.memory_space<semaphore_mem>> -> memref<!tpu.dma_semaphore, #tpu.memory_space<semaphore_mem>>
    %dma_wait3A_708 = arith.constant 0 : i32
    %dma_wait3A_709 = arith.constant 0 : i32
    %dma_wait3A_710 = tpu.memref_slice %arg4[%mul3A_2, %dma_wait3A_708, %dma_wait3A_709] : memref<4096x50x32xf32, #tpu.memory_space<hbm>> -> memref<1x50x32xf32, #tpu.memory_space<hbm>>
    %dma_wait3A_711 = tpu.memref_squeeze %dma_wait3A_710 : memref<1x50x32xf32, #tpu.memory_space<hbm>> -> memref<50x32xf32, #tpu.memory_space<hbm>>
    %dma_wait3A_712 = arith.constant 0 : i32
    %dma_wait3A_713 = arith.constant 0 : i32
    %dma_wait3A_714 = tpu.memref_slice %arg6[%dma_wait3A_696, %dma_wait3A_712, %dma_wait3A_713] : memref<8x50x32xf32, #tpu.memory_space<vmem>> -> memref<1x50x32xf32, #tpu.memory_space<vmem>>
    %dma_wait3A_715 = tpu.memref_squeeze %dma_wait3A_714 : memref<1x50x32xf32, #tpu.memory_space<vmem>> -> memref<50x32xf32, #tpu.memory_space<vmem>>
    tpu.wait_dma2 semaphore(%dma_wait3A_707 : memref<!tpu.dma_semaphore, #tpu.memory_space<semaphore_mem>>) src(%dma_wait3A_715 : memref<50x32xf32, #tpu.memory_space<vmem>>) dst(%dma_wait3A_711 : memref<50x32xf32, #tpu.memory_space<hbm>>)
    %dma_start3A_716 = arith.constant 126 : i32
    %dma_start3A_717 = arith.constant 6 : i32
    %dma_start3A_718 = arith.constant 6 : i32
    %dma_start3A_719 = arith.constant 0 : i32
    %dma_start3A_720 = arith.constant 0 : i32
    %dma_start3A_721 = tpu.memref_slice %arg6[%dma_start3A_717, %dma_start3A_719, %dma_start3A_720] : memref<8x50x32xf32, #tpu.memory_space<vmem>> -> memref<1x50x32xf32, #tpu.memory_space<vmem>>
    %dma_start3A_722 = tpu.memref_squeeze %dma_start3A_721 : memref<1x50x32xf32, #tpu.memory_space<vmem>> -> memref<50x32xf32, #tpu.memory_space<vmem>>
    %dma_start3A_723 = arith.constant 0 : i32
    %dma_start3A_724 = tpu.memref_slice %arg5[%dma_start3A_716, %dma_start3A_723] : memref<128x50xi32, #tpu.memory_space<vmem>> -> memref<1x50xi32, #tpu.memory_space<vmem>>
    %dma_start3A_725 = tpu.memref_squeeze %dma_start3A_724 : memref<1x50xi32, #tpu.memory_space<vmem>> -> memref<50xi32, #tpu.memory_space<vmem>>
    %dma_start3A_726 = arith.constant 0 : i32
    %dma_start3A_727 = arith.constant 0 : i32
    %dma_start3A_728 = tpu.memref_slice %arg3[%dma_start3A_726, %dma_start3A_727] : memref<1000000x32xf32, #tpu.memory_space<hbm>> -> memref<1000000x32xf32, #tpu.memory_space<hbm>>
    %dma_start3A_729 = tpu.memref_slice %arg7[%dma_start3A_718] : memref<8x!tpu.dma_semaphore, #tpu.memory_space<semaphore_mem>> -> memref<1x!tpu.dma_semaphore, #tpu.memory_space<semaphore_mem>>
    %dma_start3A_730 = tpu.memref_squeeze %dma_start3A_729 : memref<1x!tpu.dma_semaphore, #tpu.memory_space<semaphore_mem>> -> memref<!tpu.dma_semaphore, #tpu.memory_space<semaphore_mem>>
    tpu.enqueue_indirect_dma source(%dma_start3A_728 : memref<1000000x32xf32, #tpu.memory_space<hbm>>) target(%dma_start3A_722 : memref<50x32xf32, #tpu.memory_space<vmem>>) offsets(%dma_start3A_725 : memref<50xi32, #tpu.memory_space<vmem>>) semaphore(%dma_start3A_730 : memref<!tpu.dma_semaphore, #tpu.memory_space<semaphore_mem>>)
    %dma_wait3A_731 = arith.constant 1 : i32
    %dma_wait3A_732 = arith.constant 1 : i32
    %dma_wait3A_733 = arith.constant 0 : i32
    %dma_wait3A_734 = arith.constant 0 : i32
    %dma_wait3A_735 = tpu.memref_slice %arg6[%dma_wait3A_731, %dma_wait3A_733, %dma_wait3A_734] : memref<8x50x32xf32, #tpu.memory_space<vmem>> -> memref<1x50x32xf32, #tpu.memory_space<vmem>>
    %dma_wait3A_736 = tpu.memref_squeeze %dma_wait3A_735 : memref<1x50x32xf32, #tpu.memory_space<vmem>> -> memref<50x32xf32, #tpu.memory_space<vmem>>
    %dma_wait3A_737 = arith.constant 0 : i32
    %dma_wait3A_738 = arith.constant 0 : i32
    %dma_wait3A_739 = tpu.memref_slice %arg3[%dma_wait3A_737, %dma_wait3A_738] : memref<1000000x32xf32, #tpu.memory_space<hbm>> -> memref<50x32xf32, #tpu.memory_space<hbm>>
    %dma_wait3A_740 = tpu.memref_slice %arg7[%dma_wait3A_732] : memref<8x!tpu.dma_semaphore, #tpu.memory_space<semaphore_mem>> -> memref<1x!tpu.dma_semaphore, #tpu.memory_space<semaphore_mem>>
    %dma_wait3A_741 = tpu.memref_squeeze %dma_wait3A_740 : memref<1x!tpu.dma_semaphore, #tpu.memory_space<semaphore_mem>> -> memref<!tpu.dma_semaphore, #tpu.memory_space<semaphore_mem>>
    %dma_wait3A_742 = arith.constant 0 : i32
    %dma_wait3A_743 = arith.constant 0 : i32
    %dma_wait3A_744 = tpu.memref_slice %arg6[%dma_wait3A_731, %dma_wait3A_742, %dma_wait3A_743] : memref<8x50x32xf32, #tpu.memory_space<vmem>> -> memref<1x50x32xf32, #tpu.memory_space<vmem>>
    %dma_wait3A_745 = tpu.memref_squeeze %dma_wait3A_744 : memref<1x50x32xf32, #tpu.memory_space<vmem>> -> memref<50x32xf32, #tpu.memory_space<vmem>>
    %dma_wait3A_746 = arith.constant 0 : i32
    %dma_wait3A_747 = arith.constant 0 : i32
    %dma_wait3A_748 = tpu.memref_slice %arg3[%dma_wait3A_746, %dma_wait3A_747] : memref<1000000x32xf32, #tpu.memory_space<hbm>> -> memref<50x32xf32, #tpu.memory_space<hbm>>
    tpu.wait_dma2 semaphore(%dma_wait3A_741 : memref<!tpu.dma_semaphore, #tpu.memory_space<semaphore_mem>>) src(%dma_wait3A_748 : memref<50x32xf32, #tpu.memory_space<hbm>>) dst(%dma_wait3A_745 : memref<50x32xf32, #tpu.memory_space<vmem>>)
    %add3A_749 = arith.constant 121 : i32
    %add3A_750 = arith.addi %mul3A_2, %add3A_749 : i32
    %dma_start3A_751 = arith.constant 1 : i32
    %dma_start3A_752 = arith.constant 1 : i32
    %dma_start3A_753 = arith.constant 0 : i32
    %dma_start3A_754 = arith.constant 0 : i32
    %dma_start3A_755 = tpu.memref_slice %arg6[%dma_start3A_751, %dma_start3A_753, %dma_start3A_754] : memref<8x50x32xf32, #tpu.memory_space<vmem>> -> memref<1x50x32xf32, #tpu.memory_space<vmem>>
    %dma_start3A_756 = tpu.memref_squeeze %dma_start3A_755 : memref<1x50x32xf32, #tpu.memory_space<vmem>> -> memref<50x32xf32, #tpu.memory_space<vmem>>
    %dma_start3A_757 = arith.constant 0 : i32
    %dma_start3A_758 = arith.constant 0 : i32
    %dma_start3A_759 = tpu.memref_slice %arg4[%add3A_750, %dma_start3A_757, %dma_start3A_758] : memref<4096x50x32xf32, #tpu.memory_space<hbm>> -> memref<1x50x32xf32, #tpu.memory_space<hbm>>
    %dma_start3A_760 = tpu.memref_squeeze %dma_start3A_759 : memref<1x50x32xf32, #tpu.memory_space<hbm>> -> memref<50x32xf32, #tpu.memory_space<hbm>>
    %dma_start3A_761 = tpu.memref_slice %arg8[%dma_start3A_752] : memref<8x!tpu.dma_semaphore, #tpu.memory_space<semaphore_mem>> -> memref<1x!tpu.dma_semaphore, #tpu.memory_space<semaphore_mem>>
    %dma_start3A_762 = tpu.memref_squeeze %dma_start3A_761 : memref<1x!tpu.dma_semaphore, #tpu.memory_space<semaphore_mem>> -> memref<!tpu.dma_semaphore, #tpu.memory_space<semaphore_mem>>
    %dma_start3A_763 = arith.constant 0 : i32
    %dma_start3A_764 = arith.constant 0 : i32
    %dma_start3A_765 = tpu.memref_slice %arg4[%add3A_750, %dma_start3A_763, %dma_start3A_764] : memref<4096x50x32xf32, #tpu.memory_space<hbm>> -> memref<1x50x32xf32, #tpu.memory_space<hbm>>
    %dma_start3A_766 = tpu.memref_squeeze %dma_start3A_765 : memref<1x50x32xf32, #tpu.memory_space<hbm>> -> memref<50x32xf32, #tpu.memory_space<hbm>>
    %dma_start3A_767 = arith.constant 0 : i32
    %dma_start3A_768 = arith.constant 0 : i32
    %dma_start3A_769 = tpu.memref_slice %arg6[%dma_start3A_751, %dma_start3A_767, %dma_start3A_768] : memref<8x50x32xf32, #tpu.memory_space<vmem>> -> memref<1x50x32xf32, #tpu.memory_space<vmem>>
    %dma_start3A_770 = tpu.memref_squeeze %dma_start3A_769 : memref<1x50x32xf32, #tpu.memory_space<vmem>> -> memref<50x32xf32, #tpu.memory_space<vmem>>
    tpu.enqueue_dma source(%dma_start3A_770 : memref<50x32xf32, #tpu.memory_space<vmem>>) target(%dma_start3A_766 : memref<50x32xf32, #tpu.memory_space<hbm>>) target_semaphore(%dma_start3A_762 : memref<!tpu.dma_semaphore, #tpu.memory_space<semaphore_mem>>)
    %dma_wait3A_771 = arith.constant 7 : i32
    %dma_wait3A_772 = arith.constant 7 : i32
    %dma_wait3A_773 = arith.constant 0 : i32
    %dma_wait3A_774 = arith.constant 0 : i32
    %dma_wait3A_775 = tpu.memref_slice %arg6[%dma_wait3A_771, %dma_wait3A_773, %dma_wait3A_774] : memref<8x50x32xf32, #tpu.memory_space<vmem>> -> memref<1x50x32xf32, #tpu.memory_space<vmem>>
    %dma_wait3A_776 = tpu.memref_squeeze %dma_wait3A_775 : memref<1x50x32xf32, #tpu.memory_space<vmem>> -> memref<50x32xf32, #tpu.memory_space<vmem>>
    %dma_wait3A_777 = arith.constant 0 : i32
    %dma_wait3A_778 = arith.constant 0 : i32
    %dma_wait3A_779 = tpu.memref_slice %arg4[%mul3A_2, %dma_wait3A_777, %dma_wait3A_778] : memref<4096x50x32xf32, #tpu.memory_space<hbm>> -> memref<1x50x32xf32, #tpu.memory_space<hbm>>
    %dma_wait3A_780 = tpu.memref_squeeze %dma_wait3A_779 : memref<1x50x32xf32, #tpu.memory_space<hbm>> -> memref<50x32xf32, #tpu.memory_space<hbm>>
    %dma_wait3A_781 = tpu.memref_slice %arg8[%dma_wait3A_772] : memref<8x!tpu.dma_semaphore, #tpu.memory_space<semaphore_mem>> -> memref<1x!tpu.dma_semaphore, #tpu.memory_space<semaphore_mem>>
    %dma_wait3A_782 = tpu.memref_squeeze %dma_wait3A_781 : memref<1x!tpu.dma_semaphore, #tpu.memory_space<semaphore_mem>> -> memref<!tpu.dma_semaphore, #tpu.memory_space<semaphore_mem>>
    %dma_wait3A_783 = arith.constant 0 : i32
    %dma_wait3A_784 = arith.constant 0 : i32
    %dma_wait3A_785 = tpu.memref_slice %arg4[%mul3A_2, %dma_wait3A_783, %dma_wait3A_784] : memref<4096x50x32xf32, #tpu.memory_space<hbm>> -> memref<1x50x32xf32, #tpu.memory_space<hbm>>
    %dma_wait3A_786 = tpu.memref_squeeze %dma_wait3A_785 : memref<1x50x32xf32, #tpu.memory_space<hbm>> -> memref<50x32xf32, #tpu.memory_space<hbm>>
    %dma_wait3A_787 = arith.constant 0 : i32
    %dma_wait3A_788 = arith.constant 0 : i32
    %dma_wait3A_789 = tpu.memref_slice %arg6[%dma_wait3A_771, %dma_wait3A_787, %dma_wait3A_788] : memref<8x50x32xf32, #tpu.memory_space<vmem>> -> memref<1x50x32xf32, #tpu.memory_space<vmem>>
    %dma_wait3A_790 = tpu.memref_squeeze %dma_wait3A_789 : memref<1x50x32xf32, #tpu.memory_space<vmem>> -> memref<50x32xf32, #tpu.memory_space<vmem>>
    tpu.wait_dma2 semaphore(%dma_wait3A_782 : memref<!tpu.dma_semaphore, #tpu.memory_space<semaphore_mem>>) src(%dma_wait3A_790 : memref<50x32xf32, #tpu.memory_space<vmem>>) dst(%dma_wait3A_786 : memref<50x32xf32, #tpu.memory_space<hbm>>)
    %dma_start3A_791 = arith.constant 127 : i32
    %dma_start3A_792 = arith.constant 7 : i32
    %dma_start3A_793 = arith.constant 7 : i32
    %dma_start3A_794 = arith.constant 0 : i32
    %dma_start3A_795 = arith.constant 0 : i32
    %dma_start3A_796 = tpu.memref_slice %arg6[%dma_start3A_792, %dma_start3A_794, %dma_start3A_795] : memref<8x50x32xf32, #tpu.memory_space<vmem>> -> memref<1x50x32xf32, #tpu.memory_space<vmem>>
    %dma_start3A_797 = tpu.memref_squeeze %dma_start3A_796 : memref<1x50x32xf32, #tpu.memory_space<vmem>> -> memref<50x32xf32, #tpu.memory_space<vmem>>
    %dma_start3A_798 = arith.constant 0 : i32
    %dma_start3A_799 = tpu.memref_slice %arg5[%dma_start3A_791, %dma_start3A_798] : memref<128x50xi32, #tpu.memory_space<vmem>> -> memref<1x50xi32, #tpu.memory_space<vmem>>
    %dma_start3A_800 = tpu.memref_squeeze %dma_start3A_799 : memref<1x50xi32, #tpu.memory_space<vmem>> -> memref<50xi32, #tpu.memory_space<vmem>>
    %dma_start3A_801 = arith.constant 0 : i32
    %dma_start3A_802 = arith.constant 0 : i32
    %dma_start3A_803 = tpu.memref_slice %arg3[%dma_start3A_801, %dma_start3A_802] : memref<1000000x32xf32, #tpu.memory_space<hbm>> -> memref<1000000x32xf32, #tpu.memory_space<hbm>>
    %dma_start3A_804 = tpu.memref_slice %arg7[%dma_start3A_793] : memref<8x!tpu.dma_semaphore, #tpu.memory_space<semaphore_mem>> -> memref<1x!tpu.dma_semaphore, #tpu.memory_space<semaphore_mem>>
    %dma_start3A_805 = tpu.memref_squeeze %dma_start3A_804 : memref<1x!tpu.dma_semaphore, #tpu.memory_space<semaphore_mem>> -> memref<!tpu.dma_semaphore, #tpu.memory_space<semaphore_mem>>
    tpu.enqueue_indirect_dma source(%dma_start3A_803 : memref<1000000x32xf32, #tpu.memory_space<hbm>>) target(%dma_start3A_797 : memref<50x32xf32, #tpu.memory_space<vmem>>) offsets(%dma_start3A_800 : memref<50xi32, #tpu.memory_space<vmem>>) semaphore(%dma_start3A_805 : memref<!tpu.dma_semaphore, #tpu.memory_space<semaphore_mem>>)
    %dma_wait3A_806 = arith.constant 2 : i32
    %dma_wait3A_807 = arith.constant 2 : i32
    %dma_wait3A_808 = arith.constant 0 : i32
    %dma_wait3A_809 = arith.constant 0 : i32
    %dma_wait3A_810 = tpu.memref_slice %arg6[%dma_wait3A_806, %dma_wait3A_808, %dma_wait3A_809] : memref<8x50x32xf32, #tpu.memory_space<vmem>> -> memref<1x50x32xf32, #tpu.memory_space<vmem>>
    %dma_wait3A_811 = tpu.memref_squeeze %dma_wait3A_810 : memref<1x50x32xf32, #tpu.memory_space<vmem>> -> memref<50x32xf32, #tpu.memory_space<vmem>>
    %dma_wait3A_812 = arith.constant 0 : i32
    %dma_wait3A_813 = arith.constant 0 : i32
    %dma_wait3A_814 = tpu.memref_slice %arg3[%dma_wait3A_812, %dma_wait3A_813] : memref<1000000x32xf32, #tpu.memory_space<hbm>> -> memref<50x32xf32, #tpu.memory_space<hbm>>
    %dma_wait3A_815 = tpu.memref_slice %arg7[%dma_wait3A_807] : memref<8x!tpu.dma_semaphore, #tpu.memory_space<semaphore_mem>> -> memref<1x!tpu.dma_semaphore, #tpu.memory_space<semaphore_mem>>
    %dma_wait3A_816 = tpu.memref_squeeze %dma_wait3A_815 : memref<1x!tpu.dma_semaphore, #tpu.memory_space<semaphore_mem>> -> memref<!tpu.dma_semaphore, #tpu.memory_space<semaphore_mem>>
    %dma_wait3A_817 = arith.constant 0 : i32
    %dma_wait3A_818 = arith.constant 0 : i32
    %dma_wait3A_819 = tpu.memref_slice %arg6[%dma_wait3A_806, %dma_wait3A_817, %dma_wait3A_818] : memref<8x50x32xf32, #tpu.memory_space<vmem>> -> memref<1x50x32xf32, #tpu.memory_space<vmem>>
    %dma_wait3A_820 = tpu.memref_squeeze %dma_wait3A_819 : memref<1x50x32xf32, #tpu.memory_space<vmem>> -> memref<50x32xf32, #tpu.memory_space<vmem>>
    %dma_wait3A_821 = arith.constant 0 : i32
    %dma_wait3A_822 = arith.constant 0 : i32
    %dma_wait3A_823 = tpu.memref_slice %arg3[%dma_wait3A_821, %dma_wait3A_822] : memref<1000000x32xf32, #tpu.memory_space<hbm>> -> memref<50x32xf32, #tpu.memory_space<hbm>>
    tpu.wait_dma2 semaphore(%dma_wait3A_816 : memref<!tpu.dma_semaphore, #tpu.memory_space<semaphore_mem>>) src(%dma_wait3A_823 : memref<50x32xf32, #tpu.memory_space<hbm>>) dst(%dma_wait3A_820 : memref<50x32xf32, #tpu.memory_space<vmem>>)
    %add3A_824 = arith.constant 122 : i32
    %add3A_825 = arith.addi %mul3A_2, %add3A_824 : i32
    %dma_start3A_826 = arith.constant 2 : i32
    %dma_start3A_827 = arith.constant 2 : i32
    %dma_start3A_828 = arith.constant 0 : i32
    %dma_start3A_829 = arith.constant 0 : i32
    %dma_start3A_830 = tpu.memref_slice %arg6[%dma_start3A_826, %dma_start3A_828, %dma_start3A_829] : memref<8x50x32xf32, #tpu.memory_space<vmem>> -> memref<1x50x32xf32, #tpu.memory_space<vmem>>
    %dma_start3A_831 = tpu.memref_squeeze %dma_start3A_830 : memref<1x50x32xf32, #tpu.memory_space<vmem>> -> memref<50x32xf32, #tpu.memory_space<vmem>>
    %dma_start3A_832 = arith.constant 0 : i32
    %dma_start3A_833 = arith.constant 0 : i32
    %dma_start3A_834 = tpu.memref_slice %arg4[%add3A_825, %dma_start3A_832, %dma_start3A_833] : memref<4096x50x32xf32, #tpu.memory_space<hbm>> -> memref<1x50x32xf32, #tpu.memory_space<hbm>>
    %dma_start3A_835 = tpu.memref_squeeze %dma_start3A_834 : memref<1x50x32xf32, #tpu.memory_space<hbm>> -> memref<50x32xf32, #tpu.memory_space<hbm>>
    %dma_start3A_836 = tpu.memref_slice %arg8[%dma_start3A_827] : memref<8x!tpu.dma_semaphore, #tpu.memory_space<semaphore_mem>> -> memref<1x!tpu.dma_semaphore, #tpu.memory_space<semaphore_mem>>
    %dma_start3A_837 = tpu.memref_squeeze %dma_start3A_836 : memref<1x!tpu.dma_semaphore, #tpu.memory_space<semaphore_mem>> -> memref<!tpu.dma_semaphore, #tpu.memory_space<semaphore_mem>>
    %dma_start3A_838 = arith.constant 0 : i32
    %dma_start3A_839 = arith.constant 0 : i32
    %dma_start3A_840 = tpu.memref_slice %arg4[%add3A_825, %dma_start3A_838, %dma_start3A_839] : memref<4096x50x32xf32, #tpu.memory_space<hbm>> -> memref<1x50x32xf32, #tpu.memory_space<hbm>>
    %dma_start3A_841 = tpu.memref_squeeze %dma_start3A_840 : memref<1x50x32xf32, #tpu.memory_space<hbm>> -> memref<50x32xf32, #tpu.memory_space<hbm>>
    %dma_start3A_842 = arith.constant 0 : i32
    %dma_start3A_843 = arith.constant 0 : i32
    %dma_start3A_844 = tpu.memref_slice %arg6[%dma_start3A_826, %dma_start3A_842, %dma_start3A_843] : memref<8x50x32xf32, #tpu.memory_space<vmem>> -> memref<1x50x32xf32, #tpu.memory_space<vmem>>
    %dma_start3A_845 = tpu.memref_squeeze %dma_start3A_844 : memref<1x50x32xf32, #tpu.memory_space<vmem>> -> memref<50x32xf32, #tpu.memory_space<vmem>>
    tpu.enqueue_dma source(%dma_start3A_845 : memref<50x32xf32, #tpu.memory_space<vmem>>) target(%dma_start3A_841 : memref<50x32xf32, #tpu.memory_space<hbm>>) target_semaphore(%dma_start3A_837 : memref<!tpu.dma_semaphore, #tpu.memory_space<semaphore_mem>>)
    %dma_wait3A_846 = arith.constant 3 : i32
    %dma_wait3A_847 = arith.constant 3 : i32
    %dma_wait3A_848 = arith.constant 0 : i32
    %dma_wait3A_849 = arith.constant 0 : i32
    %dma_wait3A_850 = tpu.memref_slice %arg6[%dma_wait3A_846, %dma_wait3A_848, %dma_wait3A_849] : memref<8x50x32xf32, #tpu.memory_space<vmem>> -> memref<1x50x32xf32, #tpu.memory_space<vmem>>
    %dma_wait3A_851 = tpu.memref_squeeze %dma_wait3A_850 : memref<1x50x32xf32, #tpu.memory_space<vmem>> -> memref<50x32xf32, #tpu.memory_space<vmem>>
    %dma_wait3A_852 = arith.constant 0 : i32
    %dma_wait3A_853 = arith.constant 0 : i32
    %dma_wait3A_854 = tpu.memref_slice %arg3[%dma_wait3A_852, %dma_wait3A_853] : memref<1000000x32xf32, #tpu.memory_space<hbm>> -> memref<50x32xf32, #tpu.memory_space<hbm>>
    %dma_wait3A_855 = tpu.memref_slice %arg7[%dma_wait3A_847] : memref<8x!tpu.dma_semaphore, #tpu.memory_space<semaphore_mem>> -> memref<1x!tpu.dma_semaphore, #tpu.memory_space<semaphore_mem>>
    %dma_wait3A_856 = tpu.memref_squeeze %dma_wait3A_855 : memref<1x!tpu.dma_semaphore, #tpu.memory_space<semaphore_mem>> -> memref<!tpu.dma_semaphore, #tpu.memory_space<semaphore_mem>>
    %dma_wait3A_857 = arith.constant 0 : i32
    %dma_wait3A_858 = arith.constant 0 : i32
    %dma_wait3A_859 = tpu.memref_slice %arg6[%dma_wait3A_846, %dma_wait3A_857, %dma_wait3A_858] : memref<8x50x32xf32, #tpu.memory_space<vmem>> -> memref<1x50x32xf32, #tpu.memory_space<vmem>>
    %dma_wait3A_860 = tpu.memref_squeeze %dma_wait3A_859 : memref<1x50x32xf32, #tpu.memory_space<vmem>> -> memref<50x32xf32, #tpu.memory_space<vmem>>
    %dma_wait3A_861 = arith.constant 0 : i32
    %dma_wait3A_862 = arith.constant 0 : i32
    %dma_wait3A_863 = tpu.memref_slice %arg3[%dma_wait3A_861, %dma_wait3A_862] : memref<1000000x32xf32, #tpu.memory_space<hbm>> -> memref<50x32xf32, #tpu.memory_space<hbm>>
    tpu.wait_dma2 semaphore(%dma_wait3A_856 : memref<!tpu.dma_semaphore, #tpu.memory_space<semaphore_mem>>) src(%dma_wait3A_863 : memref<50x32xf32, #tpu.memory_space<hbm>>) dst(%dma_wait3A_860 : memref<50x32xf32, #tpu.memory_space<vmem>>)
    %add3A_864 = arith.constant 123 : i32
    %add3A_865 = arith.addi %mul3A_2, %add3A_864 : i32
    %dma_start3A_866 = arith.constant 3 : i32
    %dma_start3A_867 = arith.constant 3 : i32
    %dma_start3A_868 = arith.constant 0 : i32
    %dma_start3A_869 = arith.constant 0 : i32
    %dma_start3A_870 = tpu.memref_slice %arg6[%dma_start3A_866, %dma_start3A_868, %dma_start3A_869] : memref<8x50x32xf32, #tpu.memory_space<vmem>> -> memref<1x50x32xf32, #tpu.memory_space<vmem>>
    %dma_start3A_871 = tpu.memref_squeeze %dma_start3A_870 : memref<1x50x32xf32, #tpu.memory_space<vmem>> -> memref<50x32xf32, #tpu.memory_space<vmem>>
    %dma_start3A_872 = arith.constant 0 : i32
    %dma_start3A_873 = arith.constant 0 : i32
    %dma_start3A_874 = tpu.memref_slice %arg4[%add3A_865, %dma_start3A_872, %dma_start3A_873] : memref<4096x50x32xf32, #tpu.memory_space<hbm>> -> memref<1x50x32xf32, #tpu.memory_space<hbm>>
    %dma_start3A_875 = tpu.memref_squeeze %dma_start3A_874 : memref<1x50x32xf32, #tpu.memory_space<hbm>> -> memref<50x32xf32, #tpu.memory_space<hbm>>
    %dma_start3A_876 = tpu.memref_slice %arg8[%dma_start3A_867] : memref<8x!tpu.dma_semaphore, #tpu.memory_space<semaphore_mem>> -> memref<1x!tpu.dma_semaphore, #tpu.memory_space<semaphore_mem>>
    %dma_start3A_877 = tpu.memref_squeeze %dma_start3A_876 : memref<1x!tpu.dma_semaphore, #tpu.memory_space<semaphore_mem>> -> memref<!tpu.dma_semaphore, #tpu.memory_space<semaphore_mem>>
    %dma_start3A_878 = arith.constant 0 : i32
    %dma_start3A_879 = arith.constant 0 : i32
    %dma_start3A_880 = tpu.memref_slice %arg4[%add3A_865, %dma_start3A_878, %dma_start3A_879] : memref<4096x50x32xf32, #tpu.memory_space<hbm>> -> memref<1x50x32xf32, #tpu.memory_space<hbm>>
    %dma_start3A_881 = tpu.memref_squeeze %dma_start3A_880 : memref<1x50x32xf32, #tpu.memory_space<hbm>> -> memref<50x32xf32, #tpu.memory_space<hbm>>
    %dma_start3A_882 = arith.constant 0 : i32
    %dma_start3A_883 = arith.constant 0 : i32
    %dma_start3A_884 = tpu.memref_slice %arg6[%dma_start3A_866, %dma_start3A_882, %dma_start3A_883] : memref<8x50x32xf32, #tpu.memory_space<vmem>> -> memref<1x50x32xf32, #tpu.memory_space<vmem>>
    %dma_start3A_885 = tpu.memref_squeeze %dma_start3A_884 : memref<1x50x32xf32, #tpu.memory_space<vmem>> -> memref<50x32xf32, #tpu.memory_space<vmem>>
    tpu.enqueue_dma source(%dma_start3A_885 : memref<50x32xf32, #tpu.memory_space<vmem>>) target(%dma_start3A_881 : memref<50x32xf32, #tpu.memory_space<hbm>>) target_semaphore(%dma_start3A_877 : memref<!tpu.dma_semaphore, #tpu.memory_space<semaphore_mem>>)
    %dma_wait3A_886 = arith.constant 4 : i32
    %dma_wait3A_887 = arith.constant 4 : i32
    %dma_wait3A_888 = arith.constant 0 : i32
    %dma_wait3A_889 = arith.constant 0 : i32
    %dma_wait3A_890 = tpu.memref_slice %arg6[%dma_wait3A_886, %dma_wait3A_888, %dma_wait3A_889] : memref<8x50x32xf32, #tpu.memory_space<vmem>> -> memref<1x50x32xf32, #tpu.memory_space<vmem>>
    %dma_wait3A_891 = tpu.memref_squeeze %dma_wait3A_890 : memref<1x50x32xf32, #tpu.memory_space<vmem>> -> memref<50x32xf32, #tpu.memory_space<vmem>>
    %dma_wait3A_892 = arith.constant 0 : i32
    %dma_wait3A_893 = arith.constant 0 : i32
    %dma_wait3A_894 = tpu.memref_slice %arg3[%dma_wait3A_892, %dma_wait3A_893] : memref<1000000x32xf32, #tpu.memory_space<hbm>> -> memref<50x32xf32, #tpu.memory_space<hbm>>
    %dma_wait3A_895 = tpu.memref_slice %arg7[%dma_wait3A_887] : memref<8x!tpu.dma_semaphore, #tpu.memory_space<semaphore_mem>> -> memref<1x!tpu.dma_semaphore, #tpu.memory_space<semaphore_mem>>
    %dma_wait3A_896 = tpu.memref_squeeze %dma_wait3A_895 : memref<1x!tpu.dma_semaphore, #tpu.memory_space<semaphore_mem>> -> memref<!tpu.dma_semaphore, #tpu.memory_space<semaphore_mem>>
    %dma_wait3A_897 = arith.constant 0 : i32
    %dma_wait3A_898 = arith.constant 0 : i32
    %dma_wait3A_899 = tpu.memref_slice %arg6[%dma_wait3A_886, %dma_wait3A_897, %dma_wait3A_898] : memref<8x50x32xf32, #tpu.memory_space<vmem>> -> memref<1x50x32xf32, #tpu.memory_space<vmem>>
    %dma_wait3A_900 = tpu.memref_squeeze %dma_wait3A_899 : memref<1x50x32xf32, #tpu.memory_space<vmem>> -> memref<50x32xf32, #tpu.memory_space<vmem>>
    %dma_wait3A_901 = arith.constant 0 : i32
    %dma_wait3A_902 = arith.constant 0 : i32
    %dma_wait3A_903 = tpu.memref_slice %arg3[%dma_wait3A_901, %dma_wait3A_902] : memref<1000000x32xf32, #tpu.memory_space<hbm>> -> memref<50x32xf32, #tpu.memory_space<hbm>>
    tpu.wait_dma2 semaphore(%dma_wait3A_896 : memref<!tpu.dma_semaphore, #tpu.memory_space<semaphore_mem>>) src(%dma_wait3A_903 : memref<50x32xf32, #tpu.memory_space<hbm>>) dst(%dma_wait3A_900 : memref<50x32xf32, #tpu.memory_space<vmem>>)
    %add3A_904 = arith.constant 124 : i32
    %add3A_905 = arith.addi %mul3A_2, %add3A_904 : i32
    %dma_start3A_906 = arith.constant 4 : i32
    %dma_start3A_907 = arith.constant 4 : i32
    %dma_start3A_908 = arith.constant 0 : i32
    %dma_start3A_909 = arith.constant 0 : i32
    %dma_start3A_910 = tpu.memref_slice %arg6[%dma_start3A_906, %dma_start3A_908, %dma_start3A_909] : memref<8x50x32xf32, #tpu.memory_space<vmem>> -> memref<1x50x32xf32, #tpu.memory_space<vmem>>
    %dma_start3A_911 = tpu.memref_squeeze %dma_start3A_910 : memref<1x50x32xf32, #tpu.memory_space<vmem>> -> memref<50x32xf32, #tpu.memory_space<vmem>>
    %dma_start3A_912 = arith.constant 0 : i32
    %dma_start3A_913 = arith.constant 0 : i32
    %dma_start3A_914 = tpu.memref_slice %arg4[%add3A_905, %dma_start3A_912, %dma_start3A_913] : memref<4096x50x32xf32, #tpu.memory_space<hbm>> -> memref<1x50x32xf32, #tpu.memory_space<hbm>>
    %dma_start3A_915 = tpu.memref_squeeze %dma_start3A_914 : memref<1x50x32xf32, #tpu.memory_space<hbm>> -> memref<50x32xf32, #tpu.memory_space<hbm>>
    %dma_start3A_916 = tpu.memref_slice %arg8[%dma_start3A_907] : memref<8x!tpu.dma_semaphore, #tpu.memory_space<semaphore_mem>> -> memref<1x!tpu.dma_semaphore, #tpu.memory_space<semaphore_mem>>
    %dma_start3A_917 = tpu.memref_squeeze %dma_start3A_916 : memref<1x!tpu.dma_semaphore, #tpu.memory_space<semaphore_mem>> -> memref<!tpu.dma_semaphore, #tpu.memory_space<semaphore_mem>>
    %dma_start3A_918 = arith.constant 0 : i32
    %dma_start3A_919 = arith.constant 0 : i32
    %dma_start3A_920 = tpu.memref_slice %arg4[%add3A_905, %dma_start3A_918, %dma_start3A_919] : memref<4096x50x32xf32, #tpu.memory_space<hbm>> -> memref<1x50x32xf32, #tpu.memory_space<hbm>>
    %dma_start3A_921 = tpu.memref_squeeze %dma_start3A_920 : memref<1x50x32xf32, #tpu.memory_space<hbm>> -> memref<50x32xf32, #tpu.memory_space<hbm>>
    %dma_start3A_922 = arith.constant 0 : i32
    %dma_start3A_923 = arith.constant 0 : i32
    %dma_start3A_924 = tpu.memref_slice %arg6[%dma_start3A_906, %dma_start3A_922, %dma_start3A_923] : memref<8x50x32xf32, #tpu.memory_space<vmem>> -> memref<1x50x32xf32, #tpu.memory_space<vmem>>
    %dma_start3A_925 = tpu.memref_squeeze %dma_start3A_924 : memref<1x50x32xf32, #tpu.memory_space<vmem>> -> memref<50x32xf32, #tpu.memory_space<vmem>>
    tpu.enqueue_dma source(%dma_start3A_925 : memref<50x32xf32, #tpu.memory_space<vmem>>) target(%dma_start3A_921 : memref<50x32xf32, #tpu.memory_space<hbm>>) target_semaphore(%dma_start3A_917 : memref<!tpu.dma_semaphore, #tpu.memory_space<semaphore_mem>>)
    %dma_wait3A_926 = arith.constant 5 : i32
    %dma_wait3A_927 = arith.constant 5 : i32
    %dma_wait3A_928 = arith.constant 0 : i32
    %dma_wait3A_929 = arith.constant 0 : i32
    %dma_wait3A_930 = tpu.memref_slice %arg6[%dma_wait3A_926, %dma_wait3A_928, %dma_wait3A_929] : memref<8x50x32xf32, #tpu.memory_space<vmem>> -> memref<1x50x32xf32, #tpu.memory_space<vmem>>
    %dma_wait3A_931 = tpu.memref_squeeze %dma_wait3A_930 : memref<1x50x32xf32, #tpu.memory_space<vmem>> -> memref<50x32xf32, #tpu.memory_space<vmem>>
    %dma_wait3A_932 = arith.constant 0 : i32
    %dma_wait3A_933 = arith.constant 0 : i32
    %dma_wait3A_934 = tpu.memref_slice %arg3[%dma_wait3A_932, %dma_wait3A_933] : memref<1000000x32xf32, #tpu.memory_space<hbm>> -> memref<50x32xf32, #tpu.memory_space<hbm>>
    %dma_wait3A_935 = tpu.memref_slice %arg7[%dma_wait3A_927] : memref<8x!tpu.dma_semaphore, #tpu.memory_space<semaphore_mem>> -> memref<1x!tpu.dma_semaphore, #tpu.memory_space<semaphore_mem>>
    %dma_wait3A_936 = tpu.memref_squeeze %dma_wait3A_935 : memref<1x!tpu.dma_semaphore, #tpu.memory_space<semaphore_mem>> -> memref<!tpu.dma_semaphore, #tpu.memory_space<semaphore_mem>>
    %dma_wait3A_937 = arith.constant 0 : i32
    %dma_wait3A_938 = arith.constant 0 : i32
    %dma_wait3A_939 = tpu.memref_slice %arg6[%dma_wait3A_926, %dma_wait3A_937, %dma_wait3A_938] : memref<8x50x32xf32, #tpu.memory_space<vmem>> -> memref<1x50x32xf32, #tpu.memory_space<vmem>>
    %dma_wait3A_940 = tpu.memref_squeeze %dma_wait3A_939 : memref<1x50x32xf32, #tpu.memory_space<vmem>> -> memref<50x32xf32, #tpu.memory_space<vmem>>
    %dma_wait3A_941 = arith.constant 0 : i32
    %dma_wait3A_942 = arith.constant 0 : i32
    %dma_wait3A_943 = tpu.memref_slice %arg3[%dma_wait3A_941, %dma_wait3A_942] : memref<1000000x32xf32, #tpu.memory_space<hbm>> -> memref<50x32xf32, #tpu.memory_space<hbm>>
    tpu.wait_dma2 semaphore(%dma_wait3A_936 : memref<!tpu.dma_semaphore, #tpu.memory_space<semaphore_mem>>) src(%dma_wait3A_943 : memref<50x32xf32, #tpu.memory_space<hbm>>) dst(%dma_wait3A_940 : memref<50x32xf32, #tpu.memory_space<vmem>>)
    %add3A_944 = arith.constant 125 : i32
    %add3A_945 = arith.addi %mul3A_2, %add3A_944 : i32
    %dma_start3A_946 = arith.constant 5 : i32
    %dma_start3A_947 = arith.constant 5 : i32
    %dma_start3A_948 = arith.constant 0 : i32
    %dma_start3A_949 = arith.constant 0 : i32
    %dma_start3A_950 = tpu.memref_slice %arg6[%dma_start3A_946, %dma_start3A_948, %dma_start3A_949] : memref<8x50x32xf32, #tpu.memory_space<vmem>> -> memref<1x50x32xf32, #tpu.memory_space<vmem>>
    %dma_start3A_951 = tpu.memref_squeeze %dma_start3A_950 : memref<1x50x32xf32, #tpu.memory_space<vmem>> -> memref<50x32xf32, #tpu.memory_space<vmem>>
    %dma_start3A_952 = arith.constant 0 : i32
    %dma_start3A_953 = arith.constant 0 : i32
    %dma_start3A_954 = tpu.memref_slice %arg4[%add3A_945, %dma_start3A_952, %dma_start3A_953] : memref<4096x50x32xf32, #tpu.memory_space<hbm>> -> memref<1x50x32xf32, #tpu.memory_space<hbm>>
    %dma_start3A_955 = tpu.memref_squeeze %dma_start3A_954 : memref<1x50x32xf32, #tpu.memory_space<hbm>> -> memref<50x32xf32, #tpu.memory_space<hbm>>
    %dma_start3A_956 = tpu.memref_slice %arg8[%dma_start3A_947] : memref<8x!tpu.dma_semaphore, #tpu.memory_space<semaphore_mem>> -> memref<1x!tpu.dma_semaphore, #tpu.memory_space<semaphore_mem>>
    %dma_start3A_957 = tpu.memref_squeeze %dma_start3A_956 : memref<1x!tpu.dma_semaphore, #tpu.memory_space<semaphore_mem>> -> memref<!tpu.dma_semaphore, #tpu.memory_space<semaphore_mem>>
    %dma_start3A_958 = arith.constant 0 : i32
    %dma_start3A_959 = arith.constant 0 : i32
    %dma_start3A_960 = tpu.memref_slice %arg4[%add3A_945, %dma_start3A_958, %dma_start3A_959] : memref<4096x50x32xf32, #tpu.memory_space<hbm>> -> memref<1x50x32xf32, #tpu.memory_space<hbm>>
    %dma_start3A_961 = tpu.memref_squeeze %dma_start3A_960 : memref<1x50x32xf32, #tpu.memory_space<hbm>> -> memref<50x32xf32, #tpu.memory_space<hbm>>
    %dma_start3A_962 = arith.constant 0 : i32
    %dma_start3A_963 = arith.constant 0 : i32
    %dma_start3A_964 = tpu.memref_slice %arg6[%dma_start3A_946, %dma_start3A_962, %dma_start3A_963] : memref<8x50x32xf32, #tpu.memory_space<vmem>> -> memref<1x50x32xf32, #tpu.memory_space<vmem>>
    %dma_start3A_965 = tpu.memref_squeeze %dma_start3A_964 : memref<1x50x32xf32, #tpu.memory_space<vmem>> -> memref<50x32xf32, #tpu.memory_space<vmem>>
    tpu.enqueue_dma source(%dma_start3A_965 : memref<50x32xf32, #tpu.memory_space<vmem>>) target(%dma_start3A_961 : memref<50x32xf32, #tpu.memory_space<hbm>>) target_semaphore(%dma_start3A_957 : memref<!tpu.dma_semaphore, #tpu.memory_space<semaphore_mem>>)
    %dma_wait3A_966 = arith.constant 6 : i32
    %dma_wait3A_967 = arith.constant 6 : i32
    %dma_wait3A_968 = arith.constant 0 : i32
    %dma_wait3A_969 = arith.constant 0 : i32
    %dma_wait3A_970 = tpu.memref_slice %arg6[%dma_wait3A_966, %dma_wait3A_968, %dma_wait3A_969] : memref<8x50x32xf32, #tpu.memory_space<vmem>> -> memref<1x50x32xf32, #tpu.memory_space<vmem>>
    %dma_wait3A_971 = tpu.memref_squeeze %dma_wait3A_970 : memref<1x50x32xf32, #tpu.memory_space<vmem>> -> memref<50x32xf32, #tpu.memory_space<vmem>>
    %dma_wait3A_972 = arith.constant 0 : i32
    %dma_wait3A_973 = arith.constant 0 : i32
    %dma_wait3A_974 = tpu.memref_slice %arg3[%dma_wait3A_972, %dma_wait3A_973] : memref<1000000x32xf32, #tpu.memory_space<hbm>> -> memref<50x32xf32, #tpu.memory_space<hbm>>
    %dma_wait3A_975 = tpu.memref_slice %arg7[%dma_wait3A_967] : memref<8x!tpu.dma_semaphore, #tpu.memory_space<semaphore_mem>> -> memref<1x!tpu.dma_semaphore, #tpu.memory_space<semaphore_mem>>
    %dma_wait3A_976 = tpu.memref_squeeze %dma_wait3A_975 : memref<1x!tpu.dma_semaphore, #tpu.memory_space<semaphore_mem>> -> memref<!tpu.dma_semaphore, #tpu.memory_space<semaphore_mem>>
    %dma_wait3A_977 = arith.constant 0 : i32
    %dma_wait3A_978 = arith.constant 0 : i32
    %dma_wait3A_979 = tpu.memref_slice %arg6[%dma_wait3A_966, %dma_wait3A_977, %dma_wait3A_978] : memref<8x50x32xf32, #tpu.memory_space<vmem>> -> memref<1x50x32xf32, #tpu.memory_space<vmem>>
    %dma_wait3A_980 = tpu.memref_squeeze %dma_wait3A_979 : memref<1x50x32xf32, #tpu.memory_space<vmem>> -> memref<50x32xf32, #tpu.memory_space<vmem>>
    %dma_wait3A_981 = arith.constant 0 : i32
    %dma_wait3A_982 = arith.constant 0 : i32
    %dma_wait3A_983 = tpu.memref_slice %arg3[%dma_wait3A_981, %dma_wait3A_982] : memref<1000000x32xf32, #tpu.memory_space<hbm>> -> memref<50x32xf32, #tpu.memory_space<hbm>>
    tpu.wait_dma2 semaphore(%dma_wait3A_976 : memref<!tpu.dma_semaphore, #tpu.memory_space<semaphore_mem>>) src(%dma_wait3A_983 : memref<50x32xf32, #tpu.memory_space<hbm>>) dst(%dma_wait3A_980 : memref<50x32xf32, #tpu.memory_space<vmem>>)
    %add3A_984 = arith.constant 126 : i32
    %add3A_985 = arith.addi %mul3A_2, %add3A_984 : i32
    %dma_start3A_986 = arith.constant 6 : i32
    %dma_start3A_987 = arith.constant 6 : i32
    %dma_start3A_988 = arith.constant 0 : i32
    %dma_start3A_989 = arith.constant 0 : i32
    %dma_start3A_990 = tpu.memref_slice %arg6[%dma_start3A_986, %dma_start3A_988, %dma_start3A_989] : memref<8x50x32xf32, #tpu.memory_space<vmem>> -> memref<1x50x32xf32, #tpu.memory_space<vmem>>
    %dma_start3A_991 = tpu.memref_squeeze %dma_start3A_990 : memref<1x50x32xf32, #tpu.memory_space<vmem>> -> memref<50x32xf32, #tpu.memory_space<vmem>>
    %dma_start3A_992 = arith.constant 0 : i32
    %dma_start3A_993 = arith.constant 0 : i32
    %dma_start3A_994 = tpu.memref_slice %arg4[%add3A_985, %dma_start3A_992, %dma_start3A_993] : memref<4096x50x32xf32, #tpu.memory_space<hbm>> -> memref<1x50x32xf32, #tpu.memory_space<hbm>>
    %dma_start3A_995 = tpu.memref_squeeze %dma_start3A_994 : memref<1x50x32xf32, #tpu.memory_space<hbm>> -> memref<50x32xf32, #tpu.memory_space<hbm>>
    %dma_start3A_996 = tpu.memref_slice %arg8[%dma_start3A_987] : memref<8x!tpu.dma_semaphore, #tpu.memory_space<semaphore_mem>> -> memref<1x!tpu.dma_semaphore, #tpu.memory_space<semaphore_mem>>
    %dma_start3A_997 = tpu.memref_squeeze %dma_start3A_996 : memref<1x!tpu.dma_semaphore, #tpu.memory_space<semaphore_mem>> -> memref<!tpu.dma_semaphore, #tpu.memory_space<semaphore_mem>>
    %dma_start3A_998 = arith.constant 0 : i32
    %dma_start3A_999 = arith.constant 0 : i32
    %dma_start3A_1000 = tpu.memref_slice %arg4[%add3A_985, %dma_start3A_998, %dma_start3A_999] : memref<4096x50x32xf32, #tpu.memory_space<hbm>> -> memref<1x50x32xf32, #tpu.memory_space<hbm>>
    %dma_start3A_1001 = tpu.memref_squeeze %dma_start3A_1000 : memref<1x50x32xf32, #tpu.memory_space<hbm>> -> memref<50x32xf32, #tpu.memory_space<hbm>>
    %dma_start3A_1002 = arith.constant 0 : i32
    %dma_start3A_1003 = arith.constant 0 : i32
    %dma_start3A_1004 = tpu.memref_slice %arg6[%dma_start3A_986, %dma_start3A_1002, %dma_start3A_1003] : memref<8x50x32xf32, #tpu.memory_space<vmem>> -> memref<1x50x32xf32, #tpu.memory_space<vmem>>
    %dma_start3A_1005 = tpu.memref_squeeze %dma_start3A_1004 : memref<1x50x32xf32, #tpu.memory_space<vmem>> -> memref<50x32xf32, #tpu.memory_space<vmem>>
    tpu.enqueue_dma source(%dma_start3A_1005 : memref<50x32xf32, #tpu.memory_space<vmem>>) target(%dma_start3A_1001 : memref<50x32xf32, #tpu.memory_space<hbm>>) target_semaphore(%dma_start3A_997 : memref<!tpu.dma_semaphore, #tpu.memory_space<semaphore_mem>>)
    %dma_wait3A_1006 = arith.constant 7 : i32
    %dma_wait3A_1007 = arith.constant 7 : i32
    %dma_wait3A_1008 = arith.constant 0 : i32
    %dma_wait3A_1009 = arith.constant 0 : i32
    %dma_wait3A_1010 = tpu.memref_slice %arg6[%dma_wait3A_1006, %dma_wait3A_1008, %dma_wait3A_1009] : memref<8x50x32xf32, #tpu.memory_space<vmem>> -> memref<1x50x32xf32, #tpu.memory_space<vmem>>
    %dma_wait3A_1011 = tpu.memref_squeeze %dma_wait3A_1010 : memref<1x50x32xf32, #tpu.memory_space<vmem>> -> memref<50x32xf32, #tpu.memory_space<vmem>>
    %dma_wait3A_1012 = arith.constant 0 : i32
    %dma_wait3A_1013 = arith.constant 0 : i32
    %dma_wait3A_1014 = tpu.memref_slice %arg3[%dma_wait3A_1012, %dma_wait3A_1013] : memref<1000000x32xf32, #tpu.memory_space<hbm>> -> memref<50x32xf32, #tpu.memory_space<hbm>>
    %dma_wait3A_1015 = tpu.memref_slice %arg7[%dma_wait3A_1007] : memref<8x!tpu.dma_semaphore, #tpu.memory_space<semaphore_mem>> -> memref<1x!tpu.dma_semaphore, #tpu.memory_space<semaphore_mem>>
    %dma_wait3A_1016 = tpu.memref_squeeze %dma_wait3A_1015 : memref<1x!tpu.dma_semaphore, #tpu.memory_space<semaphore_mem>> -> memref<!tpu.dma_semaphore, #tpu.memory_space<semaphore_mem>>
    %dma_wait3A_1017 = arith.constant 0 : i32
    %dma_wait3A_1018 = arith.constant 0 : i32
    %dma_wait3A_1019 = tpu.memref_slice %arg6[%dma_wait3A_1006, %dma_wait3A_1017, %dma_wait3A_1018] : memref<8x50x32xf32, #tpu.memory_space<vmem>> -> memref<1x50x32xf32, #tpu.memory_space<vmem>>
    %dma_wait3A_1020 = tpu.memref_squeeze %dma_wait3A_1019 : memref<1x50x32xf32, #tpu.memory_space<vmem>> -> memref<50x32xf32, #tpu.memory_space<vmem>>
    %dma_wait3A_1021 = arith.constant 0 : i32
    %dma_wait3A_1022 = arith.constant 0 : i32
    %dma_wait3A_1023 = tpu.memref_slice %arg3[%dma_wait3A_1021, %dma_wait3A_1022] : memref<1000000x32xf32, #tpu.memory_space<hbm>> -> memref<50x32xf32, #tpu.memory_space<hbm>>
    tpu.wait_dma2 semaphore(%dma_wait3A_1016 : memref<!tpu.dma_semaphore, #tpu.memory_space<semaphore_mem>>) src(%dma_wait3A_1023 : memref<50x32xf32, #tpu.memory_space<hbm>>) dst(%dma_wait3A_1020 : memref<50x32xf32, #tpu.memory_space<vmem>>)
    %add3A_1024 = arith.constant 127 : i32
    %add3A_1025 = arith.addi %mul3A_2, %add3A_1024 : i32
    %dma_start3A_1026 = arith.constant 7 : i32
    %dma_start3A_1027 = arith.constant 7 : i32
    %dma_start3A_1028 = arith.constant 0 : i32
    %dma_start3A_1029 = arith.constant 0 : i32
    %dma_start3A_1030 = tpu.memref_slice %arg6[%dma_start3A_1026, %dma_start3A_1028, %dma_start3A_1029] : memref<8x50x32xf32, #tpu.memory_space<vmem>> -> memref<1x50x32xf32, #tpu.memory_space<vmem>>
    %dma_start3A_1031 = tpu.memref_squeeze %dma_start3A_1030 : memref<1x50x32xf32, #tpu.memory_space<vmem>> -> memref<50x32xf32, #tpu.memory_space<vmem>>
    %dma_start3A_1032 = arith.constant 0 : i32
    %dma_start3A_1033 = arith.constant 0 : i32
    %dma_start3A_1034 = tpu.memref_slice %arg4[%add3A_1025, %dma_start3A_1032, %dma_start3A_1033] : memref<4096x50x32xf32, #tpu.memory_space<hbm>> -> memref<1x50x32xf32, #tpu.memory_space<hbm>>
    %dma_start3A_1035 = tpu.memref_squeeze %dma_start3A_1034 : memref<1x50x32xf32, #tpu.memory_space<hbm>> -> memref<50x32xf32, #tpu.memory_space<hbm>>
    %dma_start3A_1036 = tpu.memref_slice %arg8[%dma_start3A_1027] : memref<8x!tpu.dma_semaphore, #tpu.memory_space<semaphore_mem>> -> memref<1x!tpu.dma_semaphore, #tpu.memory_space<semaphore_mem>>
    %dma_start3A_1037 = tpu.memref_squeeze %dma_start3A_1036 : memref<1x!tpu.dma_semaphore, #tpu.memory_space<semaphore_mem>> -> memref<!tpu.dma_semaphore, #tpu.memory_space<semaphore_mem>>
    %dma_start3A_1038 = arith.constant 0 : i32
    %dma_start3A_1039 = arith.constant 0 : i32
    %dma_start3A_1040 = tpu.memref_slice %arg4[%add3A_1025, %dma_start3A_1038, %dma_start3A_1039] : memref<4096x50x32xf32, #tpu.memory_space<hbm>> -> memref<1x50x32xf32, #tpu.memory_space<hbm>>
    %dma_start3A_1041 = tpu.memref_squeeze %dma_start3A_1040 : memref<1x50x32xf32, #tpu.memory_space<hbm>> -> memref<50x32xf32, #tpu.memory_space<hbm>>
    %dma_start3A_1042 = arith.constant 0 : i32
    %dma_start3A_1043 = arith.constant 0 : i32
    %dma_start3A_1044 = tpu.memref_slice %arg6[%dma_start3A_1026, %dma_start3A_1042, %dma_start3A_1043] : memref<8x50x32xf32, #tpu.memory_space<vmem>> -> memref<1x50x32xf32, #tpu.memory_space<vmem>>
    %dma_start3A_1045 = tpu.memref_squeeze %dma_start3A_1044 : memref<1x50x32xf32, #tpu.memory_space<vmem>> -> memref<50x32xf32, #tpu.memory_space<vmem>>
    tpu.enqueue_dma source(%dma_start3A_1045 : memref<50x32xf32, #tpu.memory_space<vmem>>) target(%dma_start3A_1041 : memref<50x32xf32, #tpu.memory_space<hbm>>) target_semaphore(%dma_start3A_1037 : memref<!tpu.dma_semaphore, #tpu.memory_space<semaphore_mem>>)
    %dma_wait3A_1046 = arith.constant 0 : i32
    %dma_wait3A_1047 = arith.constant 0 : i32
    %dma_wait3A_1048 = arith.constant 0 : i32
    %dma_wait3A_1049 = arith.constant 0 : i32
    %dma_wait3A_1050 = tpu.memref_slice %arg6[%dma_wait3A_1046, %dma_wait3A_1048, %dma_wait3A_1049] : memref<8x50x32xf32, #tpu.memory_space<vmem>> -> memref<1x50x32xf32, #tpu.memory_space<vmem>>
    %dma_wait3A_1051 = tpu.memref_squeeze %dma_wait3A_1050 : memref<1x50x32xf32, #tpu.memory_space<vmem>> -> memref<50x32xf32, #tpu.memory_space<vmem>>
    %dma_wait3A_1052 = arith.constant 0 : i32
    %dma_wait3A_1053 = arith.constant 0 : i32
    %dma_wait3A_1054 = tpu.memref_slice %arg4[%mul3A_2, %dma_wait3A_1052, %dma_wait3A_1053] : memref<4096x50x32xf32, #tpu.memory_space<hbm>> -> memref<1x50x32xf32, #tpu.memory_space<hbm>>
    %dma_wait3A_1055 = tpu.memref_squeeze %dma_wait3A_1054 : memref<1x50x32xf32, #tpu.memory_space<hbm>> -> memref<50x32xf32, #tpu.memory_space<hbm>>
    %dma_wait3A_1056 = tpu.memref_slice %arg8[%dma_wait3A_1047] : memref<8x!tpu.dma_semaphore, #tpu.memory_space<semaphore_mem>> -> memref<1x!tpu.dma_semaphore, #tpu.memory_space<semaphore_mem>>
    %dma_wait3A_1057 = tpu.memref_squeeze %dma_wait3A_1056 : memref<1x!tpu.dma_semaphore, #tpu.memory_space<semaphore_mem>> -> memref<!tpu.dma_semaphore, #tpu.memory_space<semaphore_mem>>
    %dma_wait3A_1058 = arith.constant 0 : i32
    %dma_wait3A_1059 = arith.constant 0 : i32
    %dma_wait3A_1060 = tpu.memref_slice %arg4[%mul3A_2, %dma_wait3A_1058, %dma_wait3A_1059] : memref<4096x50x32xf32, #tpu.memory_space<hbm>> -> memref<1x50x32xf32, #tpu.memory_space<hbm>>
    %dma_wait3A_1061 = tpu.memref_squeeze %dma_wait3A_1060 : memref<1x50x32xf32, #tpu.memory_space<hbm>> -> memref<50x32xf32, #tpu.memory_space<hbm>>
    %dma_wait3A_1062 = arith.constant 0 : i32
    %dma_wait3A_1063 = arith.constant 0 : i32
    %dma_wait3A_1064 = tpu.memref_slice %arg6[%dma_wait3A_1046, %dma_wait3A_1062, %dma_wait3A_1063] : memref<8x50x32xf32, #tpu.memory_space<vmem>> -> memref<1x50x32xf32, #tpu.memory_space<vmem>>
    %dma_wait3A_1065 = tpu.memref_squeeze %dma_wait3A_1064 : memref<1x50x32xf32, #tpu.memory_space<vmem>> -> memref<50x32xf32, #tpu.memory_space<vmem>>
    tpu.wait_dma2 semaphore(%dma_wait3A_1057 : memref<!tpu.dma_semaphore, #tpu.memory_space<semaphore_mem>>) src(%dma_wait3A_1065 : memref<50x32xf32, #tpu.memory_space<vmem>>) dst(%dma_wait3A_1061 : memref<50x32xf32, #tpu.memory_space<hbm>>)
    %dma_wait3A_1066 = arith.constant 1 : i32
    %dma_wait3A_1067 = arith.constant 1 : i32
    %dma_wait3A_1068 = arith.constant 0 : i32
    %dma_wait3A_1069 = arith.constant 0 : i32
    %dma_wait3A_1070 = tpu.memref_slice %arg6[%dma_wait3A_1066, %dma_wait3A_1068, %dma_wait3A_1069] : memref<8x50x32xf32, #tpu.memory_space<vmem>> -> memref<1x50x32xf32, #tpu.memory_space<vmem>>
    %dma_wait3A_1071 = tpu.memref_squeeze %dma_wait3A_1070 : memref<1x50x32xf32, #tpu.memory_space<vmem>> -> memref<50x32xf32, #tpu.memory_space<vmem>>
    %dma_wait3A_1072 = arith.constant 0 : i32
    %dma_wait3A_1073 = arith.constant 0 : i32
    %dma_wait3A_1074 = tpu.memref_slice %arg4[%mul3A_2, %dma_wait3A_1072, %dma_wait3A_1073] : memref<4096x50x32xf32, #tpu.memory_space<hbm>> -> memref<1x50x32xf32, #tpu.memory_space<hbm>>
    %dma_wait3A_1075 = tpu.memref_squeeze %dma_wait3A_1074 : memref<1x50x32xf32, #tpu.memory_space<hbm>> -> memref<50x32xf32, #tpu.memory_space<hbm>>
    %dma_wait3A_1076 = tpu.memref_slice %arg8[%dma_wait3A_1067] : memref<8x!tpu.dma_semaphore, #tpu.memory_space<semaphore_mem>> -> memref<1x!tpu.dma_semaphore, #tpu.memory_space<semaphore_mem>>
    %dma_wait3A_1077 = tpu.memref_squeeze %dma_wait3A_1076 : memref<1x!tpu.dma_semaphore, #tpu.memory_space<semaphore_mem>> -> memref<!tpu.dma_semaphore, #tpu.memory_space<semaphore_mem>>
    %dma_wait3A_1078 = arith.constant 0 : i32
    %dma_wait3A_1079 = arith.constant 0 : i32
    %dma_wait3A_1080 = tpu.memref_slice %arg4[%mul3A_2, %dma_wait3A_1078, %dma_wait3A_1079] : memref<4096x50x32xf32, #tpu.memory_space<hbm>> -> memref<1x50x32xf32, #tpu.memory_space<hbm>>
    %dma_wait3A_1081 = tpu.memref_squeeze %dma_wait3A_1080 : memref<1x50x32xf32, #tpu.memory_space<hbm>> -> memref<50x32xf32, #tpu.memory_space<hbm>>
    %dma_wait3A_1082 = arith.constant 0 : i32
    %dma_wait3A_1083 = arith.constant 0 : i32
    %dma_wait3A_1084 = tpu.memref_slice %arg6[%dma_wait3A_1066, %dma_wait3A_1082, %dma_wait3A_1083] : memref<8x50x32xf32, #tpu.memory_space<vmem>> -> memref<1x50x32xf32, #tpu.memory_space<vmem>>
    %dma_wait3A_1085 = tpu.memref_squeeze %dma_wait3A_1084 : memref<1x50x32xf32, #tpu.memory_space<vmem>> -> memref<50x32xf32, #tpu.memory_space<vmem>>
    tpu.wait_dma2 semaphore(%dma_wait3A_1077 : memref<!tpu.dma_semaphore, #tpu.memory_space<semaphore_mem>>) src(%dma_wait3A_1085 : memref<50x32xf32, #tpu.memory_space<vmem>>) dst(%dma_wait3A_1081 : memref<50x32xf32, #tpu.memory_space<hbm>>)
    %dma_wait3A_1086 = arith.constant 2 : i32
    %dma_wait3A_1087 = arith.constant 2 : i32
    %dma_wait3A_1088 = arith.constant 0 : i32
    %dma_wait3A_1089 = arith.constant 0 : i32
    %dma_wait3A_1090 = tpu.memref_slice %arg6[%dma_wait3A_1086, %dma_wait3A_1088, %dma_wait3A_1089] : memref<8x50x32xf32, #tpu.memory_space<vmem>> -> memref<1x50x32xf32, #tpu.memory_space<vmem>>
    %dma_wait3A_1091 = tpu.memref_squeeze %dma_wait3A_1090 : memref<1x50x32xf32, #tpu.memory_space<vmem>> -> memref<50x32xf32, #tpu.memory_space<vmem>>
    %dma_wait3A_1092 = arith.constant 0 : i32
    %dma_wait3A_1093 = arith.constant 0 : i32
    %dma_wait3A_1094 = tpu.memref_slice %arg4[%mul3A_2, %dma_wait3A_1092, %dma_wait3A_1093] : memref<4096x50x32xf32, #tpu.memory_space<hbm>> -> memref<1x50x32xf32, #tpu.memory_space<hbm>>
    %dma_wait3A_1095 = tpu.memref_squeeze %dma_wait3A_1094 : memref<1x50x32xf32, #tpu.memory_space<hbm>> -> memref<50x32xf32, #tpu.memory_space<hbm>>
    %dma_wait3A_1096 = tpu.memref_slice %arg8[%dma_wait3A_1087] : memref<8x!tpu.dma_semaphore, #tpu.memory_space<semaphore_mem>> -> memref<1x!tpu.dma_semaphore, #tpu.memory_space<semaphore_mem>>
    %dma_wait3A_1097 = tpu.memref_squeeze %dma_wait3A_1096 : memref<1x!tpu.dma_semaphore, #tpu.memory_space<semaphore_mem>> -> memref<!tpu.dma_semaphore, #tpu.memory_space<semaphore_mem>>
    %dma_wait3A_1098 = arith.constant 0 : i32
    %dma_wait3A_1099 = arith.constant 0 : i32
    %dma_wait3A_1100 = tpu.memref_slice %arg4[%mul3A_2, %dma_wait3A_1098, %dma_wait3A_1099] : memref<4096x50x32xf32, #tpu.memory_space<hbm>> -> memref<1x50x32xf32, #tpu.memory_space<hbm>>
    %dma_wait3A_1101 = tpu.memref_squeeze %dma_wait3A_1100 : memref<1x50x32xf32, #tpu.memory_space<hbm>> -> memref<50x32xf32, #tpu.memory_space<hbm>>
    %dma_wait3A_1102 = arith.constant 0 : i32
    %dma_wait3A_1103 = arith.constant 0 : i32
    %dma_wait3A_1104 = tpu.memref_slice %arg6[%dma_wait3A_1086, %dma_wait3A_1102, %dma_wait3A_1103] : memref<8x50x32xf32, #tpu.memory_space<vmem>> -> memref<1x50x32xf32, #tpu.memory_space<vmem>>
    %dma_wait3A_1105 = tpu.memref_squeeze %dma_wait3A_1104 : memref<1x50x32xf32, #tpu.memory_space<vmem>> -> memref<50x32xf32, #tpu.memory_space<vmem>>
    tpu.wait_dma2 semaphore(%dma_wait3A_1097 : memref<!tpu.dma_semaphore, #tpu.memory_space<semaphore_mem>>) src(%dma_wait3A_1105 : memref<50x32xf32, #tpu.memory_space<vmem>>) dst(%dma_wait3A_1101 : memref<50x32xf32, #tpu.memory_space<hbm>>)
    %dma_wait3A_1106 = arith.constant 3 : i32
    %dma_wait3A_1107 = arith.constant 3 : i32
    %dma_wait3A_1108 = arith.constant 0 : i32
    %dma_wait3A_1109 = arith.constant 0 : i32
    %dma_wait3A_1110 = tpu.memref_slice %arg6[%dma_wait3A_1106, %dma_wait3A_1108, %dma_wait3A_1109] : memref<8x50x32xf32, #tpu.memory_space<vmem>> -> memref<1x50x32xf32, #tpu.memory_space<vmem>>
    %dma_wait3A_1111 = tpu.memref_squeeze %dma_wait3A_1110 : memref<1x50x32xf32, #tpu.memory_space<vmem>> -> memref<50x32xf32, #tpu.memory_space<vmem>>
    %dma_wait3A_1112 = arith.constant 0 : i32
    %dma_wait3A_1113 = arith.constant 0 : i32
    %dma_wait3A_1114 = tpu.memref_slice %arg4[%mul3A_2, %dma_wait3A_1112, %dma_wait3A_1113] : memref<4096x50x32xf32, #tpu.memory_space<hbm>> -> memref<1x50x32xf32, #tpu.memory_space<hbm>>
    %dma_wait3A_1115 = tpu.memref_squeeze %dma_wait3A_1114 : memref<1x50x32xf32, #tpu.memory_space<hbm>> -> memref<50x32xf32, #tpu.memory_space<hbm>>
    %dma_wait3A_1116 = tpu.memref_slice %arg8[%dma_wait3A_1107] : memref<8x!tpu.dma_semaphore, #tpu.memory_space<semaphore_mem>> -> memref<1x!tpu.dma_semaphore, #tpu.memory_space<semaphore_mem>>
    %dma_wait3A_1117 = tpu.memref_squeeze %dma_wait3A_1116 : memref<1x!tpu.dma_semaphore, #tpu.memory_space<semaphore_mem>> -> memref<!tpu.dma_semaphore, #tpu.memory_space<semaphore_mem>>
    %dma_wait3A_1118 = arith.constant 0 : i32
    %dma_wait3A_1119 = arith.constant 0 : i32
    %dma_wait3A_1120 = tpu.memref_slice %arg4[%mul3A_2, %dma_wait3A_1118, %dma_wait3A_1119] : memref<4096x50x32xf32, #tpu.memory_space<hbm>> -> memref<1x50x32xf32, #tpu.memory_space<hbm>>
    %dma_wait3A_1121 = tpu.memref_squeeze %dma_wait3A_1120 : memref<1x50x32xf32, #tpu.memory_space<hbm>> -> memref<50x32xf32, #tpu.memory_space<hbm>>
    %dma_wait3A_1122 = arith.constant 0 : i32
    %dma_wait3A_1123 = arith.constant 0 : i32
    %dma_wait3A_1124 = tpu.memref_slice %arg6[%dma_wait3A_1106, %dma_wait3A_1122, %dma_wait3A_1123] : memref<8x50x32xf32, #tpu.memory_space<vmem>> -> memref<1x50x32xf32, #tpu.memory_space<vmem>>
    %dma_wait3A_1125 = tpu.memref_squeeze %dma_wait3A_1124 : memref<1x50x32xf32, #tpu.memory_space<vmem>> -> memref<50x32xf32, #tpu.memory_space<vmem>>
    tpu.wait_dma2 semaphore(%dma_wait3A_1117 : memref<!tpu.dma_semaphore, #tpu.memory_space<semaphore_mem>>) src(%dma_wait3A_1125 : memref<50x32xf32, #tpu.memory_space<vmem>>) dst(%dma_wait3A_1121 : memref<50x32xf32, #tpu.memory_space<hbm>>)
    %dma_wait3A_1126 = arith.constant 4 : i32
    %dma_wait3A_1127 = arith.constant 4 : i32
    %dma_wait3A_1128 = arith.constant 0 : i32
    %dma_wait3A_1129 = arith.constant 0 : i32
    %dma_wait3A_1130 = tpu.memref_slice %arg6[%dma_wait3A_1126, %dma_wait3A_1128, %dma_wait3A_1129] : memref<8x50x32xf32, #tpu.memory_space<vmem>> -> memref<1x50x32xf32, #tpu.memory_space<vmem>>
    %dma_wait3A_1131 = tpu.memref_squeeze %dma_wait3A_1130 : memref<1x50x32xf32, #tpu.memory_space<vmem>> -> memref<50x32xf32, #tpu.memory_space<vmem>>
    %dma_wait3A_1132 = arith.constant 0 : i32
    %dma_wait3A_1133 = arith.constant 0 : i32
    %dma_wait3A_1134 = tpu.memref_slice %arg4[%mul3A_2, %dma_wait3A_1132, %dma_wait3A_1133] : memref<4096x50x32xf32, #tpu.memory_space<hbm>> -> memref<1x50x32xf32, #tpu.memory_space<hbm>>
    %dma_wait3A_1135 = tpu.memref_squeeze %dma_wait3A_1134 : memref<1x50x32xf32, #tpu.memory_space<hbm>> -> memref<50x32xf32, #tpu.memory_space<hbm>>
    %dma_wait3A_1136 = tpu.memref_slice %arg8[%dma_wait3A_1127] : memref<8x!tpu.dma_semaphore, #tpu.memory_space<semaphore_mem>> -> memref<1x!tpu.dma_semaphore, #tpu.memory_space<semaphore_mem>>
    %dma_wait3A_1137 = tpu.memref_squeeze %dma_wait3A_1136 : memref<1x!tpu.dma_semaphore, #tpu.memory_space<semaphore_mem>> -> memref<!tpu.dma_semaphore, #tpu.memory_space<semaphore_mem>>
    %dma_wait3A_1138 = arith.constant 0 : i32
    %dma_wait3A_1139 = arith.constant 0 : i32
    %dma_wait3A_1140 = tpu.memref_slice %arg4[%mul3A_2, %dma_wait3A_1138, %dma_wait3A_1139] : memref<4096x50x32xf32, #tpu.memory_space<hbm>> -> memref<1x50x32xf32, #tpu.memory_space<hbm>>
    %dma_wait3A_1141 = tpu.memref_squeeze %dma_wait3A_1140 : memref<1x50x32xf32, #tpu.memory_space<hbm>> -> memref<50x32xf32, #tpu.memory_space<hbm>>
    %dma_wait3A_1142 = arith.constant 0 : i32
    %dma_wait3A_1143 = arith.constant 0 : i32
    %dma_wait3A_1144 = tpu.memref_slice %arg6[%dma_wait3A_1126, %dma_wait3A_1142, %dma_wait3A_1143] : memref<8x50x32xf32, #tpu.memory_space<vmem>> -> memref<1x50x32xf32, #tpu.memory_space<vmem>>
    %dma_wait3A_1145 = tpu.memref_squeeze %dma_wait3A_1144 : memref<1x50x32xf32, #tpu.memory_space<vmem>> -> memref<50x32xf32, #tpu.memory_space<vmem>>
    tpu.wait_dma2 semaphore(%dma_wait3A_1137 : memref<!tpu.dma_semaphore, #tpu.memory_space<semaphore_mem>>) src(%dma_wait3A_1145 : memref<50x32xf32, #tpu.memory_space<vmem>>) dst(%dma_wait3A_1141 : memref<50x32xf32, #tpu.memory_space<hbm>>)
    %dma_wait3A_1146 = arith.constant 5 : i32
    %dma_wait3A_1147 = arith.constant 5 : i32
    %dma_wait3A_1148 = arith.constant 0 : i32
    %dma_wait3A_1149 = arith.constant 0 : i32
    %dma_wait3A_1150 = tpu.memref_slice %arg6[%dma_wait3A_1146, %dma_wait3A_1148, %dma_wait3A_1149] : memref<8x50x32xf32, #tpu.memory_space<vmem>> -> memref<1x50x32xf32, #tpu.memory_space<vmem>>
    %dma_wait3A_1151 = tpu.memref_squeeze %dma_wait3A_1150 : memref<1x50x32xf32, #tpu.memory_space<vmem>> -> memref<50x32xf32, #tpu.memory_space<vmem>>
    %dma_wait3A_1152 = arith.constant 0 : i32
    %dma_wait3A_1153 = arith.constant 0 : i32
    %dma_wait3A_1154 = tpu.memref_slice %arg4[%mul3A_2, %dma_wait3A_1152, %dma_wait3A_1153] : memref<4096x50x32xf32, #tpu.memory_space<hbm>> -> memref<1x50x32xf32, #tpu.memory_space<hbm>>
    %dma_wait3A_1155 = tpu.memref_squeeze %dma_wait3A_1154 : memref<1x50x32xf32, #tpu.memory_space<hbm>> -> memref<50x32xf32, #tpu.memory_space<hbm>>
    %dma_wait3A_1156 = tpu.memref_slice %arg8[%dma_wait3A_1147] : memref<8x!tpu.dma_semaphore, #tpu.memory_space<semaphore_mem>> -> memref<1x!tpu.dma_semaphore, #tpu.memory_space<semaphore_mem>>
    %dma_wait3A_1157 = tpu.memref_squeeze %dma_wait3A_1156 : memref<1x!tpu.dma_semaphore, #tpu.memory_space<semaphore_mem>> -> memref<!tpu.dma_semaphore, #tpu.memory_space<semaphore_mem>>
    %dma_wait3A_1158 = arith.constant 0 : i32
    %dma_wait3A_1159 = arith.constant 0 : i32
    %dma_wait3A_1160 = tpu.memref_slice %arg4[%mul3A_2, %dma_wait3A_1158, %dma_wait3A_1159] : memref<4096x50x32xf32, #tpu.memory_space<hbm>> -> memref<1x50x32xf32, #tpu.memory_space<hbm>>
    %dma_wait3A_1161 = tpu.memref_squeeze %dma_wait3A_1160 : memref<1x50x32xf32, #tpu.memory_space<hbm>> -> memref<50x32xf32, #tpu.memory_space<hbm>>
    %dma_wait3A_1162 = arith.constant 0 : i32
    %dma_wait3A_1163 = arith.constant 0 : i32
    %dma_wait3A_1164 = tpu.memref_slice %arg6[%dma_wait3A_1146, %dma_wait3A_1162, %dma_wait3A_1163] : memref<8x50x32xf32, #tpu.memory_space<vmem>> -> memref<1x50x32xf32, #tpu.memory_space<vmem>>
    %dma_wait3A_1165 = tpu.memref_squeeze %dma_wait3A_1164 : memref<1x50x32xf32, #tpu.memory_space<vmem>> -> memref<50x32xf32, #tpu.memory_space<vmem>>
    tpu.wait_dma2 semaphore(%dma_wait3A_1157 : memref<!tpu.dma_semaphore, #tpu.memory_space<semaphore_mem>>) src(%dma_wait3A_1165 : memref<50x32xf32, #tpu.memory_space<vmem>>) dst(%dma_wait3A_1161 : memref<50x32xf32, #tpu.memory_space<hbm>>)
    %dma_wait3A_1166 = arith.constant 6 : i32
    %dma_wait3A_1167 = arith.constant 6 : i32
    %dma_wait3A_1168 = arith.constant 0 : i32
    %dma_wait3A_1169 = arith.constant 0 : i32
    %dma_wait3A_1170 = tpu.memref_slice %arg6[%dma_wait3A_1166, %dma_wait3A_1168, %dma_wait3A_1169] : memref<8x50x32xf32, #tpu.memory_space<vmem>> -> memref<1x50x32xf32, #tpu.memory_space<vmem>>
    %dma_wait3A_1171 = tpu.memref_squeeze %dma_wait3A_1170 : memref<1x50x32xf32, #tpu.memory_space<vmem>> -> memref<50x32xf32, #tpu.memory_space<vmem>>
    %dma_wait3A_1172 = arith.constant 0 : i32
    %dma_wait3A_1173 = arith.constant 0 : i32
    %dma_wait3A_1174 = tpu.memref_slice %arg4[%mul3A_2, %dma_wait3A_1172, %dma_wait3A_1173] : memref<4096x50x32xf32, #tpu.memory_space<hbm>> -> memref<1x50x32xf32, #tpu.memory_space<hbm>>
    %dma_wait3A_1175 = tpu.memref_squeeze %dma_wait3A_1174 : memref<1x50x32xf32, #tpu.memory_space<hbm>> -> memref<50x32xf32, #tpu.memory_space<hbm>>
    %dma_wait3A_1176 = tpu.memref_slice %arg8[%dma_wait3A_1167] : memref<8x!tpu.dma_semaphore, #tpu.memory_space<semaphore_mem>> -> memref<1x!tpu.dma_semaphore, #tpu.memory_space<semaphore_mem>>
    %dma_wait3A_1177 = tpu.memref_squeeze %dma_wait3A_1176 : memref<1x!tpu.dma_semaphore, #tpu.memory_space<semaphore_mem>> -> memref<!tpu.dma_semaphore, #tpu.memory_space<semaphore_mem>>
    %dma_wait3A_1178 = arith.constant 0 : i32
    %dma_wait3A_1179 = arith.constant 0 : i32
    %dma_wait3A_1180 = tpu.memref_slice %arg4[%mul3A_2, %dma_wait3A_1178, %dma_wait3A_1179] : memref<4096x50x32xf32, #tpu.memory_space<hbm>> -> memref<1x50x32xf32, #tpu.memory_space<hbm>>
    %dma_wait3A_1181 = tpu.memref_squeeze %dma_wait3A_1180 : memref<1x50x32xf32, #tpu.memory_space<hbm>> -> memref<50x32xf32, #tpu.memory_space<hbm>>
    %dma_wait3A_1182 = arith.constant 0 : i32
    %dma_wait3A_1183 = arith.constant 0 : i32
    %dma_wait3A_1184 = tpu.memref_slice %arg6[%dma_wait3A_1166, %dma_wait3A_1182, %dma_wait3A_1183] : memref<8x50x32xf32, #tpu.memory_space<vmem>> -> memref<1x50x32xf32, #tpu.memory_space<vmem>>
    %dma_wait3A_1185 = tpu.memref_squeeze %dma_wait3A_1184 : memref<1x50x32xf32, #tpu.memory_space<vmem>> -> memref<50x32xf32, #tpu.memory_space<vmem>>
    tpu.wait_dma2 semaphore(%dma_wait3A_1177 : memref<!tpu.dma_semaphore, #tpu.memory_space<semaphore_mem>>) src(%dma_wait3A_1185 : memref<50x32xf32, #tpu.memory_space<vmem>>) dst(%dma_wait3A_1181 : memref<50x32xf32, #tpu.memory_space<hbm>>)
    %dma_wait3A_1186 = arith.constant 7 : i32
    %dma_wait3A_1187 = arith.constant 7 : i32
    %dma_wait3A_1188 = arith.constant 0 : i32
    %dma_wait3A_1189 = arith.constant 0 : i32
    %dma_wait3A_1190 = tpu.memref_slice %arg6[%dma_wait3A_1186, %dma_wait3A_1188, %dma_wait3A_1189] : memref<8x50x32xf32, #tpu.memory_space<vmem>> -> memref<1x50x32xf32, #tpu.memory_space<vmem>>
    %dma_wait3A_1191 = tpu.memref_squeeze %dma_wait3A_1190 : memref<1x50x32xf32, #tpu.memory_space<vmem>> -> memref<50x32xf32, #tpu.memory_space<vmem>>
    %dma_wait3A_1192 = arith.constant 0 : i32
    %dma_wait3A_1193 = arith.constant 0 : i32
    %dma_wait3A_1194 = tpu.memref_slice %arg4[%mul3A_2, %dma_wait3A_1192, %dma_wait3A_1193] : memref<4096x50x32xf32, #tpu.memory_space<hbm>> -> memref<1x50x32xf32, #tpu.memory_space<hbm>>
    %dma_wait3A_1195 = tpu.memref_squeeze %dma_wait3A_1194 : memref<1x50x32xf32, #tpu.memory_space<hbm>> -> memref<50x32xf32, #tpu.memory_space<hbm>>
    %dma_wait3A_1196 = tpu.memref_slice %arg8[%dma_wait3A_1187] : memref<8x!tpu.dma_semaphore, #tpu.memory_space<semaphore_mem>> -> memref<1x!tpu.dma_semaphore, #tpu.memory_space<semaphore_mem>>
    %dma_wait3A_1197 = tpu.memref_squeeze %dma_wait3A_1196 : memref<1x!tpu.dma_semaphore, #tpu.memory_space<semaphore_mem>> -> memref<!tpu.dma_semaphore, #tpu.memory_space<semaphore_mem>>
    %dma_wait3A_1198 = arith.constant 0 : i32
    %dma_wait3A_1199 = arith.constant 0 : i32
    %dma_wait3A_1200 = tpu.memref_slice %arg4[%mul3A_2, %dma_wait3A_1198, %dma_wait3A_1199] : memref<4096x50x32xf32, #tpu.memory_space<hbm>> -> memref<1x50x32xf32, #tpu.memory_space<hbm>>
    %dma_wait3A_1201 = tpu.memref_squeeze %dma_wait3A_1200 : memref<1x50x32xf32, #tpu.memory_space<hbm>> -> memref<50x32xf32, #tpu.memory_space<hbm>>
    %dma_wait3A_1202 = arith.constant 0 : i32
    %dma_wait3A_1203 = arith.constant 0 : i32
    %dma_wait3A_1204 = tpu.memref_slice %arg6[%dma_wait3A_1186, %dma_wait3A_1202, %dma_wait3A_1203] : memref<8x50x32xf32, #tpu.memory_space<vmem>> -> memref<1x50x32xf32, #tpu.memory_space<vmem>>
    %dma_wait3A_1205 = tpu.memref_squeeze %dma_wait3A_1204 : memref<1x50x32xf32, #tpu.memory_space<vmem>> -> memref<50x32xf32, #tpu.memory_space<vmem>>
    tpu.wait_dma2 semaphore(%dma_wait3A_1197 : memref<!tpu.dma_semaphore, #tpu.memory_space<semaphore_mem>>) src(%dma_wait3A_1205 : memref<50x32xf32, #tpu.memory_space<vmem>>) dst(%dma_wait3A_1201 : memref<50x32xf32, #tpu.memory_space<hbm>>)
    return
  }
}

</mosaic_0001>

<sc_bundles>
// kernel: kernel.3.cloned.1.call-start
scs
__scs_entry_jumppad:
0x0: {  	(pc) =	sbr.rel $0x88, $3  }
0x1: {  	(tag) =	ssettag $0x0;
	lr =	simm.s32 $0x1  }
0x2: {  	[smem:$0x3F9F] =	sst lr;
	_ =	strace $0xD0000000  }
0x3: {  	_ = 	snop  }
0x4: {  	_ = 	snop  }
0x5: {  	_ = 	snop  }
0x6: {  	_ = 	snop  }
0x7: {  	_ = 	snop  }
__scs_overlays_trampoline_lowered:
0x8: {  	[smem:$0x3FAE] =	sst s0  }
0x9: {  	[smem:$0x3FAF] =	sst s1  }
0xa: {  	[smem:$0x3FB0] =	sst s2  }
0xb: {  	[smem:$0x3FB1] =	sst s3  }
0xc: {  	[smem:$0x3FB2] =	sst s4  }
0xd: {  	[smem:$0x3FB3] =	sst s5  }
0xe: {  	[smem:$0x3FB4] =	sst s6  }
0xf: {  	[smem:$0x3FB5] =	sst s7  }
0x10: {  	[smem:$0x3FB6] =	sst s8  }
0x11: {  	[smem:$0x3FB7] =	sst s9;
	s0 =	simm.s32 @!p0 $0x0  }
0x12: {  	s1 =	sld [smem:$0x3F9D];
	s0 =	simm.s32 @p0 $0x1  }
0x13: {  	[smem:$0x3FB8] =	sst s0;
	s0 =	simm.s32 @!p1 $0x0  }
0x14: {  	s2 =	sld [smem:$0x3F9C];
	s0 =	simm.s32 @p1 $0x1  }
0x15: {  	[smem:$0x3FB9] =	sst s0;
	s0 =	simm.s32 @!p2 $0x0  }
0x16: {  	s3 =	sld [smem:$0x3FDB];
	s0 =	simm.s32 @p2 $0x1  }
0x17: {  	s4 =	simm.s32 $0x1BF5;
	[smem:$0x3FBB] =	sst s0  }
0x18: {  	s0 =	sld [smem:$0x3F9E];
	_ =	swait.ge [sflag:s4], $0x0  }
0x19: {  	s7 =	sld [smem:$0x3F9F]  }
0x1a: {  	s8 =	sadd.s32 $0xFFFFE003, lr  }
0x1b: {  	s9 =	sadd.s32 $0xFFFFFEF7, lr;
	s5 =	simm.s32 $0xFFFFFFFF;
	p2 =	slt.u32 s8, $0xFFFFF086  }
0x1c: {  	p1 =	slt.u32 s9, $0xF7A;
	s5 =	simm.s32 @!p2 $0x0  }
0x1d: {  	s5 =	simm.s32 @p1 $0x1;
	p0 =	seq.s32 s7, s2  }
0x1e: {  	s7 =	smul.u32 @!p0 $0xF7A, s2;
	p2 =	seq.s32 @!p0 s5, $0x0  }
0x1f: {  	s9 =	smul.u32 $0xF7A, s1;
	s8 =	simm.s32 @!p0 $0x1BF5;
	p2 =	por !p2, p0  }
0x20: {  	[sflag:s8] =	ssyncset.s32 @!p0 $0xFFFFF086;
	s6 =	sadd.s32 @!p0 s3, s7;
	s7 =	simm.s32 @!p0 $0x108  }
0x21: {  	s3 =	sadd.s32 s3, s9;
	s6 =	sadd.s32 @!p0 $0x88, s6;
	s7 =	simm.s32 @p2 $0x1082  }
0x22: {  	[simem:s7], [sflag:s8] =	dma.local @!p0 [hbm:s6], $0xF7A  }
0x23: {  	s9 =	sor.u32 $0xD0000000, s2;
	s6 =	simm.s32 $0x108;
	_ =	swait.ge @!p0 [sflag:s8], $0x0  }
0x24: {  	s3 =	sadd.s32 $0x88, s3;
	s6 =	simm.s32 @!p1 $0x1082;
	[sflag:s4] =	ssyncset.s32 $0xFFFFF086  }
0x25: {  	[simem:s6], [sflag:s4] =	dma.local [hbm:s3], $0xF7A  }
0x26: {  	[smem:$0x3F9F] =	sst s1;
	(tag) =	ssettag s2;
	_ =	strace s9  }
0x27: {  	s1 =	sld [smem:$0x3FAF]  }
0x28: {  	s2 =	sld [smem:$0x3FB0]  }
0x29: {  	s4 =	sld [smem:$0x3FB2]  }
0x2a: {  	p0 =	seq.s32 s5, $0x0;
	s5 =	sld [smem:$0x3FB3]  }
0x2b: {  	s6 =	sld [smem:$0x3FB4]  }
0x2c: {  	s7 =	sld [smem:$0x3FB5]  }
0x2d: {  	s3 =	simm.s32 $0x108;
	s8 =	sld [smem:$0x3FB6]  }
0x2e: {  	s3 =	simm.s32 @!p0 $0x1082;
	s9 =	sld [smem:$0x3FB7]  }
0x2f: {  	lr =	sadd.s32 s0, s3;
	s0 =	sld [smem:$0x3FAE]  }
0x30: {  	s3 =	sld [smem:$0x3FB1]  }
0x31: {  	[smem:$0x3FBA] =	sst s10  }
0x32: {  	s10 =	sld [smem:$0x3FB8];
	_ =	sdelay $0x3  }
0x33: {  	p0 =	seq.s32 s10, $0x1;
	s10 =	sld [smem:$0x3FBA];
	_ =	sdelay $0x3  }
0x34: {  	[smem:$0x3FBA] =	sst s10  }
0x35: {  	s10 =	sld [smem:$0x3FB9];
	_ =	sdelay $0x3  }
0x36: {  	p1 =	seq.s32 s10, $0x1;
	s10 =	sld [smem:$0x3FBA];
	_ =	sdelay $0x3  }
0x37: {  	[smem:$0x3FBA] =	sst s10  }
0x38: {  	s10 =	sld [smem:$0x3FBB]  }
0x39: {  	_ = 	snop;
	(pc) =	sbr.ind lr, $3  }
0x3a: {  	_ = 	snop  }
0x3b: {  	_ = 	snop  }
0x3c: {  	p2 =	seq.s32 s10, $0x1;
	s10 =	sld [smem:$0x3FBA]  }
0x3d: {  	_ =	shalt  }
0x3e: {  	_ =	shalt  }
0x3f: {  	_ =	shalt  }
0x40: {  	_ =	shalt  }
0x41: {  	_ =	shalt  }
0x42: {  	_ =	shalt  }
0x43: {  	_ =	shalt  }
0x44: {  	_ =	shalt  }
0x45: {  	_ =	shalt  }
0x46: {  	_ =	shalt  }
0x47: {  	_ =	shalt  }
0x48: {  	_ =	shalt  }
0x49: {  	_ =	shalt  }
0x4a: {  	_ =	shalt  }
0x4b: {  	_ =	shalt  }
0x4c: {  	_ =	shalt  }
0x4d: {  	_ =	shalt  }
0x4e: {  	_ =	shalt  }
0x4f: {  	_ =	shalt  }
0x50: {  	_ =	shalt  }
0x51: {  	_ =	shalt  }
0x52: {  	_ =	shalt  }
0x53: {  	_ =	shalt  }
0x54: {  	_ =	shalt  }
0x55: {  	_ =	shalt  }
0x56: {  	_ =	shalt  }
0x57: {  	_ =	shalt  }
0x58: {  	_ =	shalt  }
0x59: {  	_ =	shalt  }
0x5a: {  	_ =	shalt  }
0x5b: {  	_ =	shalt  }
0x5c: {  	_ =	shalt  }
0x5d: {  	_ =	shalt  }
0x5e: {  	_ =	shalt  }
0x5f: {  	_ =	shalt  }
0x60: {  	_ =	shalt  }
0x61: {  	_ =	shalt  }
0x62: {  	_ =	shalt  }
0x63: {  	_ =	shalt  }
0x64: {  	_ =	shalt  }
0x65: {  	_ =	shalt  }
0x66: {  	_ =	shalt  }
0x67: {  	_ =	shalt  }
0x68: {  	_ =	shalt  }
0x69: {  	_ =	shalt  }
0x6a: {  	_ =	shalt  }
0x6b: {  	_ =	shalt  }
0x6c: {  	_ =	shalt  }
0x6d: {  	_ =	shalt  }
0x6e: {  	_ =	shalt  }
0x6f: {  	_ =	shalt  }
0x70: {  	_ =	shalt  }
0x71: {  	_ =	shalt  }
0x72: {  	_ =	shalt  }
0x73: {  	_ =	shalt  }
0x74: {  	_ =	shalt  }
0x75: {  	_ =	shalt  }
0x76: {  	_ =	shalt  }
0x77: {  	_ =	shalt  }
0x78: {  	_ =	shalt  }
0x79: {  	_ =	shalt  }
0x7a: {  	_ =	shalt  }
0x7b: {  	_ =	shalt  }
0x7c: {  	_ =	shalt  }
0x7d: {  	_ =	shalt  }
0x7e: {  	_ =	shalt  }
0x7f: {  	_ =	shalt  }
0x80: {  	_ =	shalt  }
0x81: {  	_ =	shalt  }
0x82: {  	_ =	shalt  }
0x83: {  	_ =	shalt  }
0x84: {  	_ =	shalt  }
0x85: {  	_ =	shalt  }
0x86: {  	_ =	shalt  }
0x87: {  	_ =	shalt  }
.Lfunc_end0:
.L_simem_size_0:
called_computation_lowered:
.L_overlay_start_0:
0x88: {  	s2 =	sld [smem:$0x3FD9]  }
0x89: {  	s3 =	sld [smem:$0x3FFE];
	_ =	sdelay $0x1  }
0x8a: {  	s1 =	srdreg.scid  }
0x8b: {  	s0 =	sand.u32 $0x1, s1  }
0x8c: {  	s17 =	sshll.u32 s0, $0xA;
	s2 =	sadd.s32 s3, s2  }
0x8d: {  	s2 =	sadd.s32 s2, s17  }
0x8e: {  	[smem:$0x3FC6] =	sst s2  }
0x8f: {  	_ = 	snop  }
0x90: {  	s2 =	sld [smem:$0x3FD0];
	(tm) =	ssettm $0x1  }
0x91: {  	s18 =	sld [smem:$0x3FFB];
	_ =	sdelay $0x3  }
0x92: {  	_ =	strace s18  }
0x93: {  	s3 =	sld [smem:$0x3FFC];
	_ =	sdelay $0x3  }
0x94: {  	_ =	strace s3  }
0x95: {  	s3 =	sld [smem:$0x3FFD];
	_ =	sdelay $0x3  }
0x96: {  	_ =	strace s3  }
0x97: {  	_ =	strace $0x8FFFFFFF  }
0x98: {  	s19 =	sld [smem:$0x3FDB];
	_ =	sdelay $0x1  }
0x99: {  	s4 =	simm.s32 $_scs_section_size  }
0x9a: {  	s5 =	simm.s32 $_size__tile_overlayer_lowered;
	s6 =	simm.s32 $_tile_overlayer_lowered  }
0x9b: {  	s22 =	simm.s32 $0x1BFF;
	s21 =	sshll.u32 s6, $0x1;
	s3 =	sadd.s32 s4, s19  }
0x9c: {  	s7 =	simm.s32 $0x0;
	s20 =	sshll.u32 s5, $0x1;
	s5 =	sadd.s32 s21, s3  }
0x9d: {  	[timem:s7], [sflag:s22] =	dma.local [hbm:s5], s20  }
0x9e: {  	_ =	swait.ge [sflag:s22], s20  }
0x9f: {  	s4 =	ssub.s32 $0x0, s20;
	[sflag:s22] =	ssyncset.done $0x0  }
0xa0: {  	[sflag:s22] =	ssyncadd.s32 s4;
	_ =	sdelay $0x1  }
0xa1: {  	s23 =	simm.s32 $0x1B8B  }
0xa2: {  	_ =	swait.ge [sflag:s23], $0x1  }
0xa3: {  	[sflag:s23] =	ssyncset.done $0x0  }
0xa4: {  	s25 =	simm.s32 $0x1B8E;
	s24 =	sld [smem:$0x3FFE];
	[sflag:s23] =	ssyncadd.s32 $0xFFFFFFFF  }
0xa5: {  	s26 =	simm.s32 $execute0_lowered;
	[smem:$0x3FD2] =	sst s25  }
0xa6: {  	s5 =	sshll.u32 s26, $0x1;
	_ =	strace $0x80000046;
	[dreg:$0x1] =	wrdreg $0xFFFFFFFF  }
0xa7: {  	s28 =	simm.s32 $_size_execute0_lowered;
	s3 =	sadd.s32 s3, s5;
	[dreg:$0x0] =	wrdreg $0x0  }
0xa8: {  	s5 =	sshll.u32 s28, $0x1;
	[dreg:$0x2] =	wrdreg s3  }
0xa9: {  	[dreg:$0x3] =	wrdreg s5  }
0xaa: {  	[dreg:$0x4] =	wrdreg $0xC0  }
0xab: {  	_ =	task [dreg:s7], $0x5FFFF  }
0xac: {  	[dreg:$0x1] =	wrdreg $0xFFFFFFFF  }
0xad: {  	[dreg:$0x0] =	wrdreg $0x60  }
0xae: {  	[dreg:$0x2] =	wrdreg s24  }
0xaf: {  	[dreg:$0x3] =	wrdreg s2  }
0xb0: {  	[dreg:$0x4] =	wrdreg $0x9  }
0xb1: {  	_ =	task.clear_ibuf [dreg:s7], $0x5FFFF;
	_ =	strace $0x90000046  }
0xb2: {  	s29 =	simm.s32 $0x9;
	_ =	strace $0x80000048  }
0xb3: {  	_ =	swait.ge [sflag:s29], $0x1  }
0xb4: {  	[sflag:s29] =	ssyncadd.s32 $0xFFFFFFFF  }
0xb5: {  	_ =	strace $0x90000048  }
0xb6: {  	_ =	sfence  }
0xb7: {  	s30 =	sld [smem:$0x0];
	_ =	sdelay $0x2  }
0xb8: {  	s31 =	sshll.u32 s1, $0xD;
	s1 =	sshrl.u32 s1, $0x2  }
0xb9: {  	s3 =	sand.u32 $0x4000, s31;
	s1 =	sadd.s32 s1, s30  }
0xba: {  	s0 =	sor.u32 s3, s0;
	s1 =	sshll.u32 s1, $0x11  }
0xbb: {  	s0 =	sor.u32 s1, s0  }
0xbc: {  	s0 =	sadd.s32 $0x8F2B, s0  }
0xbd: {  	[sflag:s0] =	ssyncadd.remote.s32 $0x1  }
0xbe: {  	_ =	sfence.sel $0xFFFF  }
0xbf: {  	[dreg:$0x0] =	wrdreg $0xFFFFFFFF;
	(pc) =	sbr.abs _section_cstart, $3  }
0xc0: {  	[dreg:$0x1] =	wrdreg $0xFFFFFFFF  }
0xc1: {  	_ =	task.clear_ibuf [dreg:s7], $0x2FFFF;
	_ =	strace $0x9FFFFFFF  }
0xc2: {  	(tm) =	ssettm $0x7FFFFFFF  }
0xc3: {  	_ =	shalt  }
tec
execute0_lowered:
.L_overlay_start_1:
0x0: {  	(tag) =	ssettag $0x1  }
0x1: {  	s0 =	srdreg.scid;
	s1 =	rddreg [dreg:$0x0]  }
0x2: {  	s10 =	stileid.u32;
	s4 =	rddreg [dreg:$0x1];
	s2 =	simm.s32 $0x0  }
0x3: {  	s28 =	simm.s32 $0x2240;
	s30 =	simm.s32 $0x2880;
	s0 =	sand.u32 $0x1, s0  }
0x4: {  	s3 =	sshll.u32 s10, $0x8;
	s19 =	smul.u32 $0xC800, s10;
	s5 =	sshll.u32 s0, $0x7  }
0x5: {  	s6 =	ssub.s32 $0x2, s0;
	s0 =	smul.u32 $0x6400, s0;
	s3 =	sor.u32 s5, s3  }
0x6: {  	s31 =	simm.s32 $0x3B40;
	s29 =	simm.s32 $0x4180;
	s5 =	smul.u32 $0x7, s3  }
0x7: {  	[smem:$0x7FF] =	sst s2;
	s10 =	simm.s32 $0xA;
	s7 =	smul.u32 $0xC8, s3  }
0x8: {  	_ =	strace $0x80000047;
	s8 =	sshrl.u32 s6, $0x1;
	s9 =	smul.u32 $0x640, s3  }
0x9: {  	s3 =	sadd.s32 $0xF42A00, s1;
	s8 =	ssub.s32 s6, s8;
	s11 =	sadd.s32 s4, s7  }
0xa: {  	s5 =	sadd.s32 s5, s1;
	s1 =	smax.u32 s8, $0x1;
	[dreg:$0x3] =	wrdreg s11  }
0xb: {  	s13 =	sshrl.u32 s9, $0x3;
	s5 =	sadd.s32 $0x600, s5;
	[dreg:$0x14] =	wrdreg s1  }
0xc: {  	s8 =	simm.s32 $0x9;
	s12 =	sadd.s32 $0xC8, s11;
	[dreg:$0x4] =	wrdreg s5  }
0xd: {  	s9 =	simm.s32 $0x4;
	s7 =	sadd.s32 $0x190, s11;
	[dreg:$0x5] =	wrdreg s12  }
0xe: {  	s14 =	sadd.s32 $0x258, s11;
	s15 =	sadd.s32 $0x320, s11;
	[dreg:$0x6] =	wrdreg s7  }
0xf: {  	s6 =	sadd.s32 $0x3E8, s11;
	s1 =	simm.s32 $0x2EC0;
	[dreg:$0x7] =	wrdreg s14  }
0x10: {  	s11 =	simm.s32 $0x5;
	s5 =	sadd.s32 s4, s13;
	[dreg:$0x8] =	wrdreg s15  }
0x11: {  	[dreg:$0x9] =	wrdreg s6;
	s4 =	sadd.s32 s19, s4;
	s16 =	sadd.s32 $0x4B0, s5  }
0x12: {  	s6 =	simm.s32 $0x47C0;
	s17 =	sadd.s32 $0x578, s5;
	[dreg:$0xa] =	wrdreg s16  }
0x13: {  	s7 =	simm.s32 $0x3;
	s18 =	sadd.s32 $0x5DC0, s5;
	[dreg:$0xb] =	wrdreg s17  }
0x14: {  	s12 =	simm.s32 $0xB;
	s20 =	sadd.s32 $0x5E88, s5;
	[dreg:$0xc] =	wrdreg s18  }
0x15: {  	s13 =	simm.s32 $0x6;
	s21 =	sadd.s32 $0x5F50, s5;
	[dreg:$0xd] =	wrdreg s20  }
0x16: {  	s14 =	simm.s32 $0xC;
	s22 =	sadd.s32 $0x6018, s5;
	[dreg:$0xe] =	wrdreg s21  }
0x17: {  	s15 =	simm.s32 $0x7;
	s23 =	sadd.s32 $0x60E0, s5;
	[dreg:$0xf] =	wrdreg s22  }
0x18: {  	s19 =	simm.s32 $0xF;
	s24 =	sadd.s32 $0x61A8, s5;
	[dreg:$0x10] =	wrdreg s23  }
0x19: {  	s25 =	sadd.s32 $0x6270, s5;
	s0 =	sadd.s32 s0, s4;
	[dreg:$0x11] =	wrdreg s24  }
0x1a: {  	s26 =	sadd.s32 $0x6338, s5;
	s5 =	simm.s32 $0x2;
	[dreg:$0x12] =	wrdreg s25  }
0x1b: {  	[dreg:$0x13] =	wrdreg s26;
	s0 =	sadd.s32 $0x640, s0;
	s24 =	simm.s32 $0x32  }
0x1c: {  	s25 =	simm.s32 $0x1C00;
	s26 =	simm.s32 $0x3500;
	s16 =	simm.s32 $0xD  }
0x1d: {  	s17 =	simm.s32 $0x8;
	s18 =	simm.s32 $0xE;
	s20 =	simm.s32 $0x10  }
0x1e: {  	s21 =	simm.s32 $0x0;
	[dreg:$0x15] =	wrdreg s0;
	s0 =	simm.s32 $0x1  }
.LBB2_1:
0x1f: {  	[dreg:$0x16] =	wrdreg s21  }
0x20: {  	s4 =	rddreg [dreg:$0x4];
	s23 =	simm.s32 $0x11  }
0x21: {  	[tilespmem:s2], [sflag:$0x11] =	stream.linear.gather [hbm4b:s4+s2], $0x1C00, $0x38;
	[tilespmem:$0x4E00] =	vst v63  }
0x22: {  	_ =	swait.ge [sflag:s23], $0x1C00  }
0x23: {  	[sflag:s23] =	ssyncset.done $0x0  }
0x24: {  	[sflag:s23] =	ssyncadd.s32 $0xFFFFE400  }
0x25: {  	[tilespmem:s25], [sflag:$0x1] =	stream.indirect.gather [hbm4b:s3+s24], $0x20, s2, s24, $0xb8;
	[tilespmem:$0x4E00] =	vst v63  }
0x26: {  	s21 =	simm.s32 $0x38  }
0x27: {  	[tilespmem:s28], [sflag:$0x2] =	stream.indirect.gather [hbm4b:s3+s24], $0x20, s21, s24, $0xb8;
	[tilespmem:$0x4E00] =	vst v63  }
0x28: {  	s22 =	simm.s32 $0x70  }
0x29: {  	[tilespmem:s30], [sflag:$0x3] =	stream.indirect.gather [hbm4b:s3+s24], $0x20, s22, s24, $0xb8;
	[tilespmem:$0x4E00] =	vst v63  }
0x2a: {  	s23 =	simm.s32 $0xA8  }
0x2b: {  	[tilespmem:s1], [sflag:$0x4] =	stream.indirect.gather [hbm4b:s3+s24], $0x20, s23, s24, $0xb8;
	[tilespmem:$0x4E00] =	vst v63  }
0x2c: {  	s21 =	simm.s32 $0xE0  }
0x2d: {  	[tilespmem:s26], [sflag:$0x5] =	stream.indirect.gather [hbm4b:s3+s24], $0x20, s21, s24, $0xb8;
	[tilespmem:$0x4E00] =	vst v63  }
0x2e: {  	s22 =	simm.s32 $0x118  }
0x2f: {  	[tilespmem:s31], [sflag:$0x6] =	stream.indirect.gather [hbm4b:s3+s24], $0x20, s22, s24, $0xb8;
	[tilespmem:$0x4E00] =	vst v63  }
0x30: {  	_ =	swait.ge [sflag:s0], $0x640  }
0x31: {  	[sflag:s0] =	ssyncset.done $0x0  }
0x32: {  	s23 =	rddreg [dreg:$0x3];
	[sflag:s0] =	ssyncadd.s32 $0xFFFFF9C0  }
0x33: {  	[hbm4b:s23+s2] =	stream.linear.scatter [tilespmem:s25], [sflag:$0x9], $0x640, $0x38;
	[tilespmem:$0x4E00] =	vst v63  }
0x34: {  	s21 =	simm.s32 $0x150  }
0x35: {  	[tilespmem:s29], [sflag:$0x7] =	stream.indirect.gather [hbm4b:s3+s24], $0x20, s21, s24, $0xb8;
	[tilespmem:$0x4E00] =	vst v63  }
0x36: {  	_ =	swait.ge [sflag:s5], $0x640  }
0x37: {  	[sflag:s5] =	ssyncset.done $0x0  }
0x38: {  	s22 =	rddreg [dreg:$0x5];
	[sflag:s5] =	ssyncadd.s32 $0xFFFFF9C0  }
0x39: {  	[hbm4b:s22+s2] =	stream.linear.scatter [tilespmem:s28], [sflag:$0xA], $0x640, $0x38;
	[tilespmem:$0x4E00] =	vst v63  }
0x3a: {  	s23 =	simm.s32 $0x188  }
0x3b: {  	[tilespmem:s6], [sflag:$0x8] =	stream.indirect.gather [hbm4b:s3+s24], $0x20, s23, s24, $0xb8;
	[tilespmem:$0x4E00] =	vst v63  }
0x3c: {  	_ =	swait.ge [sflag:s7], $0x640  }
0x3d: {  	[sflag:s7] =	ssyncset.done $0x0  }
0x3e: {  	s21 =	rddreg [dreg:$0x6];
	[sflag:s7] =	ssyncadd.s32 $0xFFFFF9C0  }
0x3f: {  	[hbm4b:s21+s2] =	stream.linear.scatter [tilespmem:s30], [sflag:$0xB], $0x640, $0x38;
	[tilespmem:$0x4E00] =	vst v63  }
0x40: {  	_ =	swait.ge [sflag:s8], $0x640  }
0x41: {  	[sflag:s8] =	ssyncset.done $0x0  }
0x42: {  	s22 =	simm.s32 $0x1C0;
	[sflag:s8] =	ssyncadd.s32 $0xFFFFF9C0  }
0x43: {  	[tilespmem:s25], [sflag:$0x1] =	stream.indirect.gather [hbm4b:s3+s24], $0x20, s22, s24, $0xb8;
	[tilespmem:$0x4E00] =	vst v63  }
0x44: {  	_ =	swait.ge [sflag:s9], $0x640  }
0x45: {  	[sflag:s9] =	ssyncset.done $0x0  }
0x46: {  	s23 =	rddreg [dreg:$0x7];
	[sflag:s9] =	ssyncadd.s32 $0xFFFFF9C0  }
0x47: {  	[hbm4b:s23+s2] =	stream.linear.scatter [tilespmem:s1], [sflag:$0xC], $0x640, $0x38;
	[tilespmem:$0x4E00] =	vst v63  }
0x48: {  	_ =	swait.ge [sflag:s10], $0x640  }
0x49: {  	[sflag:s10] =	ssyncset.done $0x0  }
0x4a: {  	s21 =	simm.s32 $0x1F8;
	[sflag:s10] =	ssyncadd.s32 $0xFFFFF9C0  }
0x4b: {  	[tilespmem:s28], [sflag:$0x2] =	stream.indirect.gather [hbm4b:s3+s24], $0x20, s21, s24, $0xb8;
	[tilespmem:$0x4E00] =	vst v63  }
0x4c: {  	_ =	swait.ge [sflag:s11], $0x640  }
0x4d: {  	[sflag:s11] =	ssyncset.done $0x0  }
0x4e: {  	s22 =	rddreg [dreg:$0x8];
	[sflag:s11] =	ssyncadd.s32 $0xFFFFF9C0  }
0x4f: {  	[hbm4b:s22+s2] =	stream.linear.scatter [tilespmem:s26], [sflag:$0xD], $0x640, $0x38;
	[tilespmem:$0x4E00] =	vst v63  }
0x50: {  	_ =	swait.ge [sflag:s12], $0x640  }
0x51: {  	[sflag:s12] =	ssyncset.done $0x0  }
0x52: {  	s23 =	simm.s32 $0x230;
	[sflag:s12] =	ssyncadd.s32 $0xFFFFF9C0  }
0x53: {  	[tilespmem:s30], [sflag:$0x3] =	stream.indirect.gather [hbm4b:s3+s24], $0x20, s23, s24, $0xb8;
	[tilespmem:$0x4E00] =	vst v63  }
0x54: {  	_ =	swait.ge [sflag:s13], $0x640  }
0x55: {  	[sflag:s13] =	ssyncset.done $0x0  }
0x56: {  	s21 =	rddreg [dreg:$0x9];
	[sflag:s13] =	ssyncadd.s32 $0xFFFFF9C0  }
0x57: {  	[hbm4b:s21+s2] =	stream.linear.scatter [tilespmem:s31], [sflag:$0xE], $0x640, $0x38;
	[tilespmem:$0x4E00] =	vst v63  }
0x58: {  	_ =	swait.ge [sflag:s14], $0x640  }
0x59: {  	[sflag:s14] =	ssyncset.done $0x0  }
0x5a: {  	s22 =	simm.s32 $0x268;
	[sflag:s14] =	ssyncadd.s32 $0xFFFFF9C0  }
0x5b: {  	[tilespmem:s1], [sflag:$0x4] =	stream.indirect.gather [hbm4b:s3+s24], $0x20, s22, s24, $0xb8;
	[tilespmem:$0x4E00] =	vst v63  }
0x5c: {  	_ =	swait.ge [sflag:s15], $0x640  }
0x5d: {  	[sflag:s15] =	ssyncset.done $0x0  }
0x5e: {  	s23 =	rddreg [dreg:$0xa];
	[sflag:s15] =	ssyncadd.s32 $0xFFFFF9C0  }
0x5f: {  	[hbm4b:s23+s2] =	stream.linear.scatter [tilespmem:s29], [sflag:$0xF], $0x640, $0x38;
	[tilespmem:$0x4E00] =	vst v63  }
0x60: {  	_ =	swait.ge [sflag:s16], $0x640  }
0x61: {  	[sflag:s16] =	ssyncset.done $0x0  }
0x62: {  	s21 =	simm.s32 $0x2A0;
	[sflag:s16] =	ssyncadd.s32 $0xFFFFF9C0  }
0x63: {  	[tilespmem:s26], [sflag:$0x5] =	stream.indirect.gather [hbm4b:s3+s24], $0x20, s21, s24, $0xb8;
	[tilespmem:$0x4E00] =	vst v63  }
0x64: {  	_ =	swait.ge [sflag:s17], $0x640  }
0x65: {  	[sflag:s17] =	ssyncset.done $0x0  }
0x66: {  	s22 =	rddreg [dreg:$0xb];
	[sflag:s17] =	ssyncadd.s32 $0xFFFFF9C0  }
0x67: {  	[hbm4b:s22+s2] =	stream.linear.scatter [tilespmem:s6], [sflag:$0x10], $0x640, $0x38;
	[tilespmem:$0x4E00] =	vst v63  }
0x68: {  	_ =	swait.ge [sflag:s18], $0x640  }
0x69: {  	[sflag:s18] =	ssyncset.done $0x0  }
0x6a: {  	s23 =	simm.s32 $0x2D8;
	[sflag:s18] =	ssyncadd.s32 $0xFFFFF9C0  }
0x6b: {  	[tilespmem:s31], [sflag:$0x6] =	stream.indirect.gather [hbm4b:s3+s24], $0x20, s23, s24, $0xb8;
	[tilespmem:$0x4E00] =	vst v63  }
0x6c: {  	_ =	swait.ge [sflag:s0], $0x640  }
0x6d: {  	[sflag:s0] =	ssyncset.done $0x0  }
0x6e: {  	s22 =	rddreg [dreg:$0x15];
	[sflag:s0] =	ssyncadd.s32 $0xFFFFF9C0  }
0x6f: {  	[hbm4b:s22+s2] =	stream.linear.scatter [tilespmem:s25], [sflag:$0x9], $0x640, $0x38;
	[tilespmem:$0x4E00] =	vst v63  }
0x70: {  	_ =	swait.ge [sflag:s19], $0x640  }
0x71: {  	[sflag:s19] =	ssyncset.done $0x0  }
0x72: {  	s21 =	simm.s32 $0x310;
	[sflag:s19] =	ssyncadd.s32 $0xFFFFF9C0  }
0x73: {  	[tilespmem:s29], [sflag:$0x7] =	stream.indirect.gather [hbm4b:s3+s24], $0x20, s21, s24, $0xb8;
	[tilespmem:$0x4E00] =	vst v63  }
0x74: {  	_ =	swait.ge [sflag:s5], $0x640  }
0x75: {  	[sflag:s5] =	ssyncset.done $0x0  }
0x76: {  	s23 =	sadd.s32 $0xC8, s22;
	[sflag:s5] =	ssyncadd.s32 $0xFFFFF9C0  }
0x77: {  	[hbm4b:s23+s2] =	stream.linear.scatter [tilespmem:s28], [sflag:$0xA], $0x640, $0x38;
	[tilespmem:$0x4E00] =	vst v63  }
0x78: {  	_ =	swait.ge [sflag:s20], $0x640  }
0x79: {  	[sflag:s20] =	ssyncset.done $0x0  }
0x7a: {  	s21 =	simm.s32 $0x348;
	[sflag:s20] =	ssyncadd.s32 $0xFFFFF9C0  }
0x7b: {  	[tilespmem:s6], [sflag:$0x8] =	stream.indirect.gather [hbm4b:s3+s24], $0x20, s21, s24, $0xb8;
	[tilespmem:$0x4E00] =	vst v63  }
0x7c: {  	_ =	swait.ge [sflag:s7], $0x640  }
0x7d: {  	[sflag:s7] =	ssyncset.done $0x0  }
0x7e: {  	s23 =	sadd.s32 $0x190, s22;
	[sflag:s7] =	ssyncadd.s32 $0xFFFFF9C0  }
0x7f: {  	[hbm4b:s23+s2] =	stream.linear.scatter [tilespmem:s30], [sflag:$0xB], $0x640, $0x38;
	[tilespmem:$0x4E00] =	vst v63  }
0x80: {  	_ =	swait.ge [sflag:s8], $0x640  }
0x81: {  	[sflag:s8] =	ssyncset.done $0x0  }
0x82: {  	s21 =	simm.s32 $0x380;
	[sflag:s8] =	ssyncadd.s32 $0xFFFFF9C0  }
0x83: {  	[tilespmem:s25], [sflag:$0x1] =	stream.indirect.gather [hbm4b:s3+s24], $0x20, s21, s24, $0xb8;
	[tilespmem:$0x4E00] =	vst v63  }
0x84: {  	_ =	swait.ge [sflag:s9], $0x640  }
0x85: {  	[sflag:s9] =	ssyncset.done $0x0  }
0x86: {  	s23 =	sadd.s32 $0x258, s22;
	[sflag:s9] =	ssyncadd.s32 $0xFFFFF9C0  }
0x87: {  	[hbm4b:s23+s2] =	stream.linear.scatter [tilespmem:s1], [sflag:$0xC], $0x640, $0x38;
	[tilespmem:$0x4E00] =	vst v63  }
0x88: {  	_ =	swait.ge [sflag:s10], $0x640  }
0x89: {  	[sflag:s10] =	ssyncset.done $0x0  }
0x8a: {  	s21 =	simm.s32 $0x3B8;
	[sflag:s10] =	ssyncadd.s32 $0xFFFFF9C0  }
0x8b: {  	[tilespmem:s28], [sflag:$0x2] =	stream.indirect.gather [hbm4b:s3+s24], $0x20, s21, s24, $0xb8;
	[tilespmem:$0x4E00] =	vst v63  }
0x8c: {  	_ =	swait.ge [sflag:s11], $0x640  }
0x8d: {  	[sflag:s11] =	ssyncset.done $0x0  }
0x8e: {  	s23 =	sadd.s32 $0x320, s22;
	[sflag:s11] =	ssyncadd.s32 $0xFFFFF9C0  }
0x8f: {  	[hbm4b:s23+s2] =	stream.linear.scatter [tilespmem:s26], [sflag:$0xD], $0x640, $0x38;
	[tilespmem:$0x4E00] =	vst v63  }
0x90: {  	_ =	swait.ge [sflag:s12], $0x640  }
0x91: {  	[sflag:s12] =	ssyncset.done $0x0  }
0x92: {  	s21 =	simm.s32 $0x3F0;
	[sflag:s12] =	ssyncadd.s32 $0xFFFFF9C0  }
0x93: {  	[tilespmem:s30], [sflag:$0x3] =	stream.indirect.gather [hbm4b:s3+s24], $0x20, s21, s24, $0xb8;
	[tilespmem:$0x4E00] =	vst v63  }
0x94: {  	_ =	swait.ge [sflag:s13], $0x640  }
0x95: {  	[sflag:s13] =	ssyncset.done $0x0  }
0x96: {  	s23 =	sadd.s32 $0x3E8, s22;
	[sflag:s13] =	ssyncadd.s32 $0xFFFFF9C0  }
0x97: {  	[hbm4b:s23+s2] =	stream.linear.scatter [tilespmem:s31], [sflag:$0xE], $0x640, $0x38;
	[tilespmem:$0x4E00] =	vst v63  }
0x98: {  	_ =	swait.ge [sflag:s14], $0x640  }
0x99: {  	[sflag:s14] =	ssyncset.done $0x0  }
0x9a: {  	s21 =	simm.s32 $0x428;
	[sflag:s14] =	ssyncadd.s32 $0xFFFFF9C0  }
0x9b: {  	[tilespmem:s1], [sflag:$0x4] =	stream.indirect.gather [hbm4b:s3+s24], $0x20, s21, s24, $0xb8;
	[tilespmem:$0x4E00] =	vst v63  }
0x9c: {  	_ =	swait.ge [sflag:s15], $0x640  }
0x9d: {  	[sflag:s15] =	ssyncset.done $0x0  }
0x9e: {  	s23 =	sadd.s32 $0x4B0, s22;
	[sflag:s15] =	ssyncadd.s32 $0xFFFFF9C0  }
0x9f: {  	[hbm4b:s23+s2] =	stream.linear.scatter [tilespmem:s29], [sflag:$0xF], $0x640, $0x38;
	[tilespmem:$0x4E00] =	vst v63  }
0xa0: {  	_ =	swait.ge [sflag:s16], $0x640  }
0xa1: {  	[sflag:s16] =	ssyncset.done $0x0  }
0xa2: {  	s21 =	simm.s32 $0x460;
	[sflag:s16] =	ssyncadd.s32 $0xFFFFF9C0  }
0xa3: {  	[tilespmem:s26], [sflag:$0x5] =	stream.indirect.gather [hbm4b:s3+s24], $0x20, s21, s24, $0xb8;
	[tilespmem:$0x4E00] =	vst v63  }
0xa4: {  	_ =	swait.ge [sflag:s17], $0x640  }
0xa5: {  	[sflag:s17] =	ssyncset.done $0x0  }
0xa6: {  	s23 =	sadd.s32 $0x578, s22;
	[sflag:s17] =	ssyncadd.s32 $0xFFFFF9C0  }
0xa7: {  	[hbm4b:s23+s2] =	stream.linear.scatter [tilespmem:s6], [sflag:$0x10], $0x640, $0x38;
	[tilespmem:$0x4E00] =	vst v63  }
0xa8: {  	_ =	swait.ge [sflag:s18], $0x640  }
0xa9: {  	s4 =	simm.s32 $0x700;
	[sflag:s18] =	ssyncset.done $0x0  }
0xaa: {  	s21 =	simm.s32 $0x498;
	s23 =	sadd.s32 $0x640, s22;
	[sflag:s18] =	ssyncadd.s32 $0xFFFFF9C0  }
.LBB2_2:
0xab: {  	[tilespmem:s31], [sflag:$0x6] =	stream.indirect.gather [hbm4b:s3+s24], $0x20, s21, s24, $0xb8;
	[tilespmem:$0x4E00] =	vst v63  }
0xac: {  	s21 =	smov.u32 s4  }
0xad: {  	p0 =	sne.s32 s4, $0x5B00;
	s4 =	sadd.s32 $0x700, s4;
	_ =	swait.ge [sflag:s0], $0x640  }
0xae: {  	[sflag:s0] =	ssyncset.done $0x0  }
0xaf: {  	[sflag:s0] =	ssyncadd.s32 $0xFFFFF9C0  }
0xb0: {  	[hbm4b:s23+s2] =	stream.linear.scatter [tilespmem:s25], [sflag:$0x9], $0x640, $0x38;
	[tilespmem:$0x4E00] =	vst v63  }
0xb1: {  	_ =	swait.ge [sflag:s19], $0x640  }
0xb2: {  	s21 =	sshra.s32 s21, $0x2;
	[sflag:s19] =	ssyncset.done $0x0  }
0xb3: {  	s22 =	sadd.s32 $0x310, s21;
	[sflag:s19] =	ssyncadd.s32 $0xFFFFF9C0  }
0xb4: {  	[tilespmem:s29], [sflag:$0x7] =	stream.indirect.gather [hbm4b:s3+s24], $0x20, s22, s24, $0xb8;
	[tilespmem:$0x4E00] =	vst v63  }
0xb5: {  	_ =	swait.ge [sflag:s5], $0x640  }
0xb6: {  	[sflag:s5] =	ssyncset.done $0x0  }
0xb7: {  	s22 =	sadd.s32 $0xC8, s23;
	[sflag:s5] =	ssyncadd.s32 $0xFFFFF9C0  }
0xb8: {  	[hbm4b:s22+s2] =	stream.linear.scatter [tilespmem:s28], [sflag:$0xA], $0x640, $0x38;
	[tilespmem:$0x4E00] =	vst v63  }
0xb9: {  	_ =	swait.ge [sflag:s20], $0x640  }
0xba: {  	[sflag:s20] =	ssyncset.done $0x0  }
0xbb: {  	s22 =	sadd.s32 $0x348, s21;
	[sflag:s20] =	ssyncadd.s32 $0xFFFFF9C0  }
0xbc: {  	[tilespmem:s6], [sflag:$0x8] =	stream.indirect.gather [hbm4b:s3+s24], $0x20, s22, s24, $0xb8;
	[tilespmem:$0x4E00] =	vst v63  }
0xbd: {  	_ =	swait.ge [sflag:s7], $0x640  }
0xbe: {  	[sflag:s7] =	ssyncset.done $0x0  }
0xbf: {  	s22 =	sadd.s32 $0x190, s23;
	[sflag:s7] =	ssyncadd.s32 $0xFFFFF9C0  }
0xc0: {  	[hbm4b:s22+s2] =	stream.linear.scatter [tilespmem:s30], [sflag:$0xB], $0x640, $0x38;
	[tilespmem:$0x4E00] =	vst v63  }
0xc1: {  	_ =	swait.ge [sflag:s8], $0x640  }
0xc2: {  	[sflag:s8] =	ssyncset.done $0x0  }
0xc3: {  	s22 =	sadd.s32 $0x380, s21;
	[sflag:s8] =	ssyncadd.s32 $0xFFFFF9C0  }
0xc4: {  	[tilespmem:s25], [sflag:$0x1] =	stream.indirect.gather [hbm4b:s3+s24], $0x20, s22, s24, $0xb8;
	[tilespmem:$0x4E00] =	vst v63  }
0xc5: {  	_ =	swait.ge [sflag:s9], $0x640  }
0xc6: {  	[sflag:s9] =	ssyncset.done $0x0  }
0xc7: {  	s22 =	sadd.s32 $0x258, s23;
	[sflag:s9] =	ssyncadd.s32 $0xFFFFF9C0  }
0xc8: {  	[hbm4b:s22+s2] =	stream.linear.scatter [tilespmem:s1], [sflag:$0xC], $0x640, $0x38;
	[tilespmem:$0x4E00] =	vst v63  }
0xc9: {  	_ =	swait.ge [sflag:s10], $0x640  }
0xca: {  	[sflag:s10] =	ssyncset.done $0x0  }
0xcb: {  	s22 =	sadd.s32 $0x3B8, s21;
	[sflag:s10] =	ssyncadd.s32 $0xFFFFF9C0  }
0xcc: {  	[tilespmem:s28], [sflag:$0x2] =	stream.indirect.gather [hbm4b:s3+s24], $0x20, s22, s24, $0xb8;
	[tilespmem:$0x4E00] =	vst v63  }
0xcd: {  	_ =	swait.ge [sflag:s11], $0x640  }
0xce: {  	[sflag:s11] =	ssyncset.done $0x0  }
0xcf: {  	s22 =	sadd.s32 $0x320, s23;
	[sflag:s11] =	ssyncadd.s32 $0xFFFFF9C0  }
0xd0: {  	[hbm4b:s22+s2] =	stream.linear.scatter [tilespmem:s26], [sflag:$0xD], $0x640, $0x38;
	[tilespmem:$0x4E00] =	vst v63  }
0xd1: {  	_ =	swait.ge [sflag:s12], $0x640  }
0xd2: {  	[sflag:s12] =	ssyncset.done $0x0  }
0xd3: {  	s22 =	sadd.s32 $0x3F0, s21;
	[sflag:s12] =	ssyncadd.s32 $0xFFFFF9C0  }
0xd4: {  	[tilespmem:s30], [sflag:$0x3] =	stream.indirect.gather [hbm4b:s3+s24], $0x20, s22, s24, $0xb8;
	[tilespmem:$0x4E00] =	vst v63  }
0xd5: {  	_ =	swait.ge [sflag:s13], $0x640  }
0xd6: {  	[sflag:s13] =	ssyncset.done $0x0  }
0xd7: {  	s22 =	sadd.s32 $0x3E8, s23;
	[sflag:s13] =	ssyncadd.s32 $0xFFFFF9C0  }
0xd8: {  	[hbm4b:s22+s2] =	stream.linear.scatter [tilespmem:s31], [sflag:$0xE], $0x640, $0x38;
	[tilespmem:$0x4E00] =	vst v63  }
0xd9: {  	_ =	swait.ge [sflag:s14], $0x640  }
0xda: {  	[sflag:s14] =	ssyncset.done $0x0  }
0xdb: {  	s22 =	sadd.s32 $0x428, s21;
	[sflag:s14] =	ssyncadd.s32 $0xFFFFF9C0  }
0xdc: {  	[tilespmem:s1], [sflag:$0x4] =	stream.indirect.gather [hbm4b:s3+s24], $0x20, s22, s24, $0xb8;
	[tilespmem:$0x4E00] =	vst v63  }
0xdd: {  	_ =	swait.ge [sflag:s15], $0x640  }
0xde: {  	[sflag:s15] =	ssyncset.done $0x0  }
0xdf: {  	s22 =	sadd.s32 $0x4B0, s23;
	[sflag:s15] =	ssyncadd.s32 $0xFFFFF9C0  }
0xe0: {  	[hbm4b:s22+s2] =	stream.linear.scatter [tilespmem:s29], [sflag:$0xF], $0x640, $0x38;
	[tilespmem:$0x4E00] =	vst v63  }
0xe1: {  	_ =	swait.ge [sflag:s16], $0x640  }
0xe2: {  	[sflag:s16] =	ssyncset.done $0x0  }
0xe3: {  	s22 =	sadd.s32 $0x460, s21;
	[sflag:s16] =	ssyncadd.s32 $0xFFFFF9C0  }
0xe4: {  	[tilespmem:s26], [sflag:$0x5] =	stream.indirect.gather [hbm4b:s3+s24], $0x20, s22, s24, $0xb8;
	[tilespmem:$0x4E00] =	vst v63  }
0xe5: {  	_ =	swait.ge [sflag:s17], $0x640  }
0xe6: {  	[sflag:s17] =	ssyncset.done $0x0  }
.Ltmp0:
0xe7: {  	s22 =	sadd.s32 $0x578, s23;
	[sflag:s17] =	ssyncadd.s32 $0xFFFFF9C0;
	(pc) =	sbr.rel @p0 .LBB2_2-.Ltmp0, $4  }
0xe8: {  	[hbm4b:s22+s2] =	stream.linear.scatter [tilespmem:s6], [sflag:$0x10], $0x640, $0x38;
	[tilespmem:$0x4E00] =	vst v63  }
0xe9: {  	_ =	swait.ge [sflag:s18], $0x640  }
0xea: {  	[sflag:s18] =	ssyncset.done $0x0  }
0xeb: {  	s21 =	sadd.s32 $0x498, s21;
	s23 =	sadd.s32 $0x640, s23;
	[sflag:s18] =	ssyncadd.s32 $0xFFFFF9C0  }
0xec: {  	[tilespmem:s31], [sflag:$0x6] =	stream.indirect.gather [hbm4b:s3+s24], $0x20, s21, s24, $0xb8;
	[tilespmem:$0x4E00] =	vst v63  }
0xed: {  	_ =	swait.ge [sflag:s0], $0x640  }
0xee: {  	[sflag:s0] =	ssyncset.done $0x0  }
0xef: {  	s4 =	rddreg [dreg:$0xc];
	[sflag:s0] =	ssyncadd.s32 $0xFFFFF9C0  }
0xf0: {  	[hbm4b:s4+s2] =	stream.linear.scatter [tilespmem:s25], [sflag:$0x9], $0x640, $0x38;
	[tilespmem:$0x4E00] =	vst v63  }
0xf1: {  	_ =	swait.ge [sflag:s19], $0x640  }
0xf2: {  	[sflag:s19] =	ssyncset.done $0x0  }
0xf3: {  	s22 =	simm.s32 $0x1B90;
	[sflag:s19] =	ssyncadd.s32 $0xFFFFF9C0  }
0xf4: {  	[tilespmem:s29], [sflag:$0x7] =	stream.indirect.gather [hbm4b:s3+s24], $0x20, s22, s24, $0xb8;
	[tilespmem:$0x4E00] =	vst v63  }
0xf5: {  	_ =	swait.ge [sflag:s5], $0x640  }
0xf6: {  	[sflag:s5] =	ssyncset.done $0x0  }
0xf7: {  	s23 =	rddreg [dreg:$0xd];
	[sflag:s5] =	ssyncadd.s32 $0xFFFFF9C0  }
0xf8: {  	[hbm4b:s23+s2] =	stream.linear.scatter [tilespmem:s28], [sflag:$0xA], $0x640, $0x38;
	[tilespmem:$0x4E00] =	vst v63  }
0xf9: {  	_ =	swait.ge [sflag:s20], $0x640  }
0xfa: {  	[sflag:s20] =	ssyncset.done $0x0  }
0xfb: {  	s21 =	simm.s32 $0x1BC8;
	[sflag:s20] =	ssyncadd.s32 $0xFFFFF9C0  }
0xfc: {  	[tilespmem:s6], [sflag:$0x8] =	stream.indirect.gather [hbm4b:s3+s24], $0x20, s21, s24, $0xb8;
	[tilespmem:$0x4E00] =	vst v63  }
0xfd: {  	_ =	swait.ge [sflag:s7], $0x640  }
0xfe: {  	[sflag:s7] =	ssyncset.done $0x0  }
0xff: {  	s22 =	rddreg [dreg:$0xe];
	[sflag:s7] =	ssyncadd.s32 $0xFFFFF9C0  }
0x100: {  	[hbm4b:s22+s2] =	stream.linear.scatter [tilespmem:s30], [sflag:$0xB], $0x640, $0x38;
	[tilespmem:$0x4E00] =	vst v63  }
0x101: {  	_ =	swait.ge [sflag:s9], $0x640  }
0x102: {  	[sflag:s9] =	ssyncset.done $0x0  }
0x103: {  	s23 =	rddreg [dreg:$0xf];
	[sflag:s9] =	ssyncadd.s32 $0xFFFFF9C0  }
0x104: {  	[hbm4b:s23+s2] =	stream.linear.scatter [tilespmem:s1], [sflag:$0xC], $0x640, $0x38;
	[tilespmem:$0x4E00] =	vst v63  }
0x105: {  	_ =	swait.ge [sflag:s11], $0x640  }
0x106: {  	[sflag:s11] =	ssyncset.done $0x0  }
0x107: {  	s21 =	rddreg [dreg:$0x10];
	[sflag:s11] =	ssyncadd.s32 $0xFFFFF9C0  }
0x108: {  	[hbm4b:s21+s2] =	stream.linear.scatter [tilespmem:s26], [sflag:$0xD], $0x640, $0x38;
	[tilespmem:$0x4E00] =	vst v63  }
0x109: {  	_ =	swait.ge [sflag:s13], $0x640  }
0x10a: {  	[sflag:s13] =	ssyncset.done $0x0  }
0x10b: {  	s22 =	rddreg [dreg:$0x11];
	[sflag:s13] =	ssyncadd.s32 $0xFFFFF9C0  }
0x10c: {  	[hbm4b:s22+s2] =	stream.linear.scatter [tilespmem:s31], [sflag:$0xE], $0x640, $0x38;
	[tilespmem:$0x4E00] =	vst v63  }
0x10d: {  	_ =	swait.ge [sflag:s15], $0x640  }
0x10e: {  	[sflag:s15] =	ssyncset.done $0x0  }
0x10f: {  	s23 =	rddreg [dreg:$0x12];
	[sflag:s15] =	ssyncadd.s32 $0xFFFFF9C0  }
0x110: {  	[hbm4b:s23+s2] =	stream.linear.scatter [tilespmem:s29], [sflag:$0xF], $0x640, $0x38;
	[tilespmem:$0x4E00] =	vst v63  }
0x111: {  	_ =	swait.ge [sflag:s17], $0x640  }
0x112: {  	[sflag:s17] =	ssyncset.done $0x0  }
0x113: {  	s21 =	rddreg [dreg:$0x13];
	[sflag:s17] =	ssyncadd.s32 $0xFFFFF9C0  }
0x114: {  	[hbm4b:s21+s2] =	stream.linear.scatter [tilespmem:s6], [sflag:$0x10], $0x640, $0x38;
	[tilespmem:$0x4E00] =	vst v63  }
0x115: {  	_ =	swait.ge [sflag:s8], $0x640  }
0x116: {  	[sflag:s8] =	ssyncset.done $0x0  }
0x117: {  	[sflag:s8] =	ssyncadd.s32 $0xFFFFF9C0  }
0x118: {  	_ =	swait.ge [sflag:s10], $0x640  }
0x119: {  	[sflag:s10] =	ssyncset.done $0x0  }
0x11a: {  	[sflag:s10] =	ssyncadd.s32 $0xFFFFF9C0  }
0x11b: {  	_ =	swait.ge [sflag:s12], $0x640  }
0x11c: {  	[sflag:s12] =	ssyncset.done $0x0  }
0x11d: {  	[sflag:s12] =	ssyncadd.s32 $0xFFFFF9C0  }
0x11e: {  	_ =	swait.ge [sflag:s14], $0x640  }
0x11f: {  	[sflag:s14] =	ssyncset.done $0x0  }
0x120: {  	[sflag:s14] =	ssyncadd.s32 $0xFFFFF9C0  }
0x121: {  	_ =	swait.ge [sflag:s16], $0x640  }
0x122: {  	[sflag:s16] =	ssyncset.done $0x0  }
0x123: {  	[sflag:s16] =	ssyncadd.s32 $0xFFFFF9C0  }
0x124: {  	_ =	swait.ge [sflag:s18], $0x640  }
0x125: {  	[sflag:s18] =	ssyncset.done $0x0  }
0x126: {  	[sflag:s18] =	ssyncadd.s32 $0xFFFFF9C0  }
0x127: {  	_ =	swait.ge [sflag:s19], $0x640  }
0x128: {  	[sflag:s19] =	ssyncset.done $0x0  }
0x129: {  	[sflag:s19] =	ssyncadd.s32 $0xFFFFF9C0  }
0x12a: {  	_ =	swait.ge [sflag:s20], $0x640  }
0x12b: {  	s22 =	rddreg [dreg:$0x16]  }
0x12c: {  	s23 =	rddreg [dreg:$0x14];
	s21 =	sadd.s32 $0x1, s22  }
0x12d: {  	p0 =	sne.s32 s21, s23  }
.Ltmp1:
0x12e: {  	_ = 	snop;
	(pc) =	sbr.rel @p0 .LBB2_1-.Ltmp1, $3  }
0x12f: {  	_ =	sdelay $0x1  }
0x130: {  	[sflag:s20] =	ssyncset.done $0x0  }
0x131: {  	[sflag:s20] =	ssyncadd.s32 $0xFFFFF9C0  }
0x132: {  	_ =	sfence.sel $0x180000  }
0x133: {  	[bflag:$0x0] =	sbarrier.arrive $0xFFFF  }
0x134: {  	_ =	strace $0x90000047  }
0x135: {  	s0 =	stileid.u32;
	[bflag:$0x2] =	sbarrier.arrive $0xFFFF  }
0x136: {  	p0 =	sne.s32 s0, $0x0;
	s0 =	rddreg [dreg:$0x2]  }
0x137: {  	s0 =	sadd.s32 @!p0 $0x100000, s0  }
0x138: {  	[sflag:s0] =	ssyncadd.tile.s32 @!p0 $0x1;
	_ =	shalt  }
.Lfunc_end2:
_tile_overlayer_lowered:
.L_overlay_start_2:
0x139: {  	(tag) =	ssettag $0x2  }
0x13a: {  	s0 =	rddreg [dreg:$0x0];
	s2 =	stileid.u32  }
0x13b: {  	s1 =	rddreg [dreg:$0x1];
	p0 =	sne.s32 s2, $0x0  }
0x13c: {  	s3 =	rddreg [dreg:$0x2];
	[bflag:$0x3] =	sbarrier.arrive $0xFFFF;
	s2 =	simm.s32 @!p0 $0x1C11  }
0x13d: {  	[timem:s3], [sflag:s2] =	dma.local @!p0 [hbm:s0], s1  }
0x13e: {  	s0 =	simm.s32 @!p0 $0x11  }
0x13f: {  	_ =	swait.ge @!p0 [sflag:s0], s1  }
0x140: {  	s1 =	ssub.s32 @!p0 $0x0, s1;
	[sflag:s0] =	ssyncset.done @!p0 $0x0  }
0x141: {  	[sflag:s0] =	ssyncadd.s32 @!p0 s1  }
0x142: {  	[bflag:$0x3] =	sbarrier.arrive $0xFFFF  }
0x143: {  	_ =	shalt  }

</sc_bundles>
